<compile_context>
chip_gen: v7x
topology: tpu7x:2x2x1
jax: 0.10.2.dev20260603
libtpu: 0.0.44.dev20260713+nightly
codegen_flags: <defaults>
</compile_context>

<pallas_src>
import jax
import jax.numpy as jnp
from jax import lax
from jax.experimental import pallas as pl
from jax.experimental.pallas import tpu as pltpu
from jax.experimental.pallas import tpu_sc as plsc

N = 10000
E = 320000
D = 128

NC = 2
NS = 16
NW = NC * NS
C = 128
CH = 80
EPAD = NW * C * CH
NP = 10240
RPT = NP // NS
IR = 2 * CH
NG = 2
GCH = CH // NG
GR = 2 * GCH


def _zero_acc(z128, buf_a, acc_sh, r0, sem_a):
    pltpu.sync_copy(z128, buf_a)
    for k in range(RPT // C):
        pltpu.async_copy(buf_a, acc_sh.at[pl.ds(r0 + k * C, C)], sem_a).wait()


def _drain_acc(acc_sh, out, ci, r0, buf_a, sem_a):
    for k in range(RPT // C):
        pltpu.async_copy(acc_sh.at[pl.ds(r0 + k * C, C)], buf_a, sem_a).wait()
        pltpu.sync_copy(buf_a, out.at[ci, pl.ds(r0 + k * C, C)])


def _sc_body_fused(table, idxs, z128, ones_in, acc_out, cnt_out,
                   idx_v, buf_a, buf_b, acc_sh, sem_a, sem_b, sem_s):
    _sc_agg_impl(table, idxs, z128, acc_out, idx_v, buf_a, buf_b, acc_sh,
                 sem_a, sem_b, sem_s)
    ci = lax.axis_index("c")
    si = lax.axis_index("s")
    w = ci * NS + si
    r0 = si * RPT
    plsc.subcore_barrier()
    _zero_acc(z128, buf_a, acc_sh, r0, sem_a)
    pltpu.sync_copy(ones_in, buf_b)
    plsc.subcore_barrier()

    def cgroup(g, carry):
        pltpu.sync_copy(idxs.at[w, pl.ds(g * GR, GR)], idx_v)

        def cbody(t, carry2):
            pltpu.async_copy(buf_b, acc_sh.at[idx_v.at[2 * t + 1]], sem_s,
                             add=True).wait()
            return carry2

        lax.fori_loop(0, GCH, cbody, 0)
        return carry

    lax.fori_loop(0, NG, cgroup, 0)
    plsc.subcore_barrier()
    _drain_acc(acc_sh, cnt_out, ci, r0, buf_a, sem_a)


def _sc_body(table, idxs, z128, acc_out,
             idx_v, buf_a, buf_b, acc_sh, sem_a, sem_b, sem_s):
    _sc_agg_impl(table, idxs, z128, acc_out, idx_v, buf_a, buf_b, acc_sh,
                 sem_a, sem_b, sem_s)


def _sc_agg_impl(table, idxs, z128, acc_out,
                 idx_v, buf_a, buf_b, acc_sh, sem_a, sem_b, sem_s):
    ci = lax.axis_index("c")
    si = lax.axis_index("s")
    w = ci * NS + si
    r0 = si * RPT
    _zero_acc(z128, buf_a, acc_sh, r0, sem_a)
    plsc.subcore_barrier()

    HC = C // 2

    def gat(j, buf, sem):
        pltpu.async_copy(table.at[idx_v.at[2 * j, pl.ds(0, HC)]],
                         buf.at[pl.ds(0, HC)], sem)
        pltpu.async_copy(table.at[idx_v.at[2 * j, pl.ds(HC, HC)]],
                         buf.at[pl.ds(HC, HC)], sem)

    def wat(j, buf, sem):
        pltpu.make_async_copy(table.at[idx_v.at[2 * j, pl.ds(0, HC)]],
                              buf.at[pl.ds(0, HC)], sem).wait()
        pltpu.make_async_copy(table.at[idx_v.at[2 * j, pl.ds(HC, HC)]],
                              buf.at[pl.ds(HC, HC)], sem).wait()

    def group(g, carry):
        pltpu.sync_copy(idxs.at[w, pl.ds(g * GR, GR)], idx_v)
        gat(0, buf_a, sem_a)
        gat(1, buf_b, sem_b)

        def body(tt, carry2):
            j = 2 * tt
            wat(j, buf_a, sem_a)
            pltpu.async_copy(buf_a, acc_sh.at[idx_v.at[2 * j + 1]], sem_s,
                             add=True).wait()

            @pl.when(j + 2 < GCH)
            def _():
                gat(j + 2, buf_a, sem_a)

            wat(j + 1, buf_b, sem_b)
            pltpu.async_copy(buf_b, acc_sh.at[idx_v.at[2 * j + 3]], sem_s,
                             add=True).wait()

            @pl.when(j + 3 < GCH)
            def _():
                gat(j + 3, buf_b, sem_b)

            return carry2

        lax.fori_loop(0, GCH // 2, body, 0)
        return carry

    lax.fori_loop(0, NG, group, 0)
    plsc.subcore_barrier()
    _drain_acc(acc_sh, acc_out, ci, r0, buf_a, sem_a)


def _sc_aggregate(table, idxs, z128):
    mesh = plsc.VectorSubcoreMesh(core_axis_name="c", subcore_axis_name="s")
    kern = pl.kernel(
        _sc_body,
        mesh=mesh,
        out_type=jax.ShapeDtypeStruct((NC, NP, D), jnp.float32),
        scratch_types=[
            pltpu.VMEM((GR, C), jnp.int32),
            pltpu.VMEM((C, D), jnp.float32),
            pltpu.VMEM((C, D), jnp.float32),
            pltpu.VMEM_SHARED((NP, D), jnp.float32),
            pltpu.SemaphoreType.DMA,
            pltpu.SemaphoreType.DMA,
            pltpu.SemaphoreType.DMA,
        ],
    )
    return kern(table, idxs, z128)


def _sc_aggregate_cnt(table, idxs, z128, ones_in):
    mesh = plsc.VectorSubcoreMesh(core_axis_name="c", subcore_axis_name="s")
    kern = pl.kernel(
        _sc_body_fused,
        mesh=mesh,
        out_type=(jax.ShapeDtypeStruct((NC, NP, D), jnp.float32),
                  jax.ShapeDtypeStruct((NC, NP, D), jnp.float32)),
        scratch_types=[
            pltpu.VMEM((GR, C), jnp.int32),
            pltpu.VMEM((C, D), jnp.float32),
            pltpu.VMEM((C, D), jnp.float32),
            pltpu.VMEM_SHARED((NP, D), jnp.float32),
            pltpu.SemaphoreType.DMA,
            pltpu.SemaphoreType.DMA,
            pltpu.SemaphoreType.DMA,
        ],
    )
    return kern(table, idxs, z128, ones_in)


_DOT = (((1,), (1,)), ((), ()))


def _pre_body(x_ref, wl_ref, wr_ref, t_ref, r_ref):
    xb = x_ref[...]
    t_ref[...] = lax.dot_general(xb, wl_ref[...], _DOT,
                                 preferred_element_type=jnp.float32)
    r_ref[...] = lax.dot_general(xb, wr_ref[...], _DOT,
                                 preferred_element_type=jnp.float32)


def _tc_pre(x, W1l, W1r):
    bm = 1000
    return pl.pallas_call(
        _pre_body,
        grid=(N // bm,),
        in_specs=[pl.BlockSpec((bm, D), lambda i: (i, 0)),
                  pl.BlockSpec((D, D), lambda i: (0, 0)),
                  pl.BlockSpec((D, D), lambda i: (0, 0))],
        out_specs=[pl.BlockSpec((bm, D), lambda i: (i, 0)),
                   pl.BlockSpec((bm, D), lambda i: (i, 0))],
        out_shape=[jax.ShapeDtypeStruct((N, D), jnp.float32),
                   jax.ShapeDtypeStruct((N, D), jnp.float32)],
    )(x, W1l, W1r)


def _mean_relu(acc_ref, cnt_ref, r_ref, b_ref):
    acc = acc_ref[0] + acc_ref[1]
    cnt = cnt_ref[0][:, 0:1] + cnt_ref[1][:, 0:1]
    mean = acc / jnp.maximum(cnt, 1.0)
    return jnp.maximum(mean + b_ref[...] + r_ref[...], 0.0)


def _mid_body(acc_ref, cnt_ref, r_ref, b_ref, wl_ref, wr_ref, t_ref, rn_ref):
    h = _mean_relu(acc_ref, cnt_ref, r_ref, b_ref)
    t_ref[...] = lax.dot_general(h, wl_ref[...], _DOT,
                                 preferred_element_type=jnp.float32)
    rn_ref[...] = lax.dot_general(h, wr_ref[...], _DOT,
                                  preferred_element_type=jnp.float32)


def _tc_mid(acc, cnt, r, b, Wl, Wr):
    bm = 1000
    return pl.pallas_call(
        _mid_body,
        grid=(N // bm,),
        in_specs=[pl.BlockSpec((NC, bm, D), lambda i: (0, i, 0)),
                  pl.BlockSpec((NC, bm, D), lambda i: (0, i, 0)),
                  pl.BlockSpec((bm, D), lambda i: (i, 0)),
                  pl.BlockSpec((1, D), lambda i: (0, 0)),
                  pl.BlockSpec((D, D), lambda i: (0, 0)),
                  pl.BlockSpec((D, D), lambda i: (0, 0))],
        out_specs=[pl.BlockSpec((bm, D), lambda i: (i, 0)),
                   pl.BlockSpec((bm, D), lambda i: (i, 0))],
        out_shape=[jax.ShapeDtypeStruct((N, D), jnp.float32),
                   jax.ShapeDtypeStruct((N, D), jnp.float32)],
    )(acc, cnt, r, b.reshape(1, D), Wl, Wr)


def _fin_body(acc_ref, cnt_ref, r_ref, b_ref, w3_ref, b3_ref, o_ref):
    h = _mean_relu(acc_ref, cnt_ref, r_ref, b_ref)
    o_ref[...] = lax.dot_general(h, w3_ref[...], _DOT,
                                 preferred_element_type=jnp.float32) + b3_ref[...]


def _tc_fin(acc, cnt, r, b, W3, b3):
    bm = 1000
    return pl.pallas_call(
        _fin_body,
        grid=(N // bm,),
        in_specs=[pl.BlockSpec((NC, bm, D), lambda i: (0, i, 0)),
                  pl.BlockSpec((NC, bm, D), lambda i: (0, i, 0)),
                  pl.BlockSpec((bm, D), lambda i: (i, 0)),
                  pl.BlockSpec((1, D), lambda i: (0, 0)),
                  pl.BlockSpec((D, D), lambda i: (0, 0)),
                  pl.BlockSpec((1, D), lambda i: (0, 0))],
        out_specs=pl.BlockSpec((bm, D), lambda i: (i, 0)),
        out_shape=jax.ShapeDtypeStruct((N, D), jnp.float32),
    )(acc, cnt, r, b.reshape(1, D), W3, b3.reshape(1, D))


def kernel(x, edge_index, W1l, b1, W1r, W2l, b2, W2r, W3, b3):
    src = edge_index[0]
    dst = edge_index[1]
    pad = EPAD - E
    src_p = jnp.concatenate([src, jnp.zeros((pad,), jnp.int32)]).reshape(NW, CH, C)
    dst_p = jnp.concatenate([dst, jnp.full((pad,), N, jnp.int32)]).reshape(NW, CH, C)
    idxs = jnp.stack([src_p, dst_p], axis=2).reshape(NW, IR, C)
    z128 = jnp.zeros((C, D), jnp.float32)
    ones_in = jnp.ones((C, D), jnp.float32)

    t1, r1 = _tc_pre(x, W1l, W1r)
    acc1, cnt = _sc_aggregate_cnt(t1, idxs, z128, ones_in)
    t2, r2 = _tc_mid(acc1, cnt, r1, b1, W2l, W2r)
    acc2 = _sc_aggregate(t2, idxs, z128)
    return _tc_fin(acc2, cnt, r2, b2, W3, b3)

# --- scband reference (transcript-rebuilt; emitter-appended) ---
"""Pipeline reference for scband-taxon-gnnencoder-5153960755631 (READ-ONLY COPY).

The authoritative reference and input builder live on the scoring server;
editing this copy changes nothing except your own understanding.
"""

import jax, jax.numpy as jnp
import numpy as np

N = 10000
E = 320000
D = 128
H = 128
O = 128


def setup_inputs(seed: int = 0) -> dict:
    key = jax.random.key(seed)
    ks = jax.random.split(key, 12)
    x = jax.random.normal(ks[0], (N, D), dtype=jnp.float32)
    edge_index = jax.random.randint(ks[1], (2, E), 0, N, dtype=jnp.int32)
    # SAGEConv layer 1: lin_l (aggregated neighbors, has bias), lin_r (root, no bias)
    W1l = jax.random.normal(ks[2], (H, D), dtype=jnp.float32) * (1.0 / np.sqrt(D))
    b1 = jnp.zeros((H,), dtype=jnp.float32)
    W1r = jax.random.normal(ks[3], (H, D), dtype=jnp.float32) * (1.0 / np.sqrt(D))
    # SAGEConv layer 2
    W2l = jax.random.normal(ks[4], (H, H), dtype=jnp.float32) * (1.0 / np.sqrt(H))
    b2 = jnp.zeros((H,), dtype=jnp.float32)
    W2r = jax.random.normal(ks[5], (H, H), dtype=jnp.float32) * (1.0 / np.sqrt(H))
    # final Linear
    W3 = jax.random.normal(ks[6], (O, H), dtype=jnp.float32) * (1.0 / np.sqrt(H))
    b3 = jnp.zeros((O,), dtype=jnp.float32)
    return {"x": x, "edge_index": edge_index, "W1l": W1l, "b1": b1, "W1r": W1r,
            "W2l": W2l, "b2": b2, "W2r": W2r, "W3": W3, "b3": b3}


def _sage_conv(x, Wl, bl, Wr, src, dst, n):
    # message = x_j (source node feature), mean-aggregated at destination
    msg = jnp.take(x, src, axis=0)
    agg = jax.ops.segment_sum(msg, dst, num_segments=n)
    cnt = jax.ops.segment_sum(jnp.ones((src.shape[0],), dtype=x.dtype), dst, num_segments=n)
    mean = agg / jnp.clip(cnt, 1.0)[:, None]
    return mean @ Wl.T + bl + x @ Wr.T


def reference(x, edge_index, W1l, b1, W1r, W2l, b2, W2r, W3, b3):
    src = edge_index[0]
    dst = edge_index[1]
    n = x.shape[0]
    h = jax.nn.relu(_sage_conv(x, W1l, b1, W1r, src, dst, n))
    h = jax.nn.relu(_sage_conv(h, W2l, b2, W2r, src, dst, n))
    return h @ W3.T + b3

if __name__ == "__main__":
    import jax
    _d = setup_inputs()
    print(jax.jit(kernel)(*tuple(_d.values())))

</pallas_src>

<mosaic_0001>
#map = affine_map<(d0, d1) -> (0, 0)>
#map1 = affine_map<(d0, d1) -> (0, 0, 0)>
module attributes {stable_mosaic.version = 14 : i64} {
  func.func @_sc_body_fused(%arg0: i32, %arg1: i32, %arg2: memref<10000x128xf32, #tpu.memory_space<hbm>>, %arg3: memref<32x160x128xi32, #tpu.memory_space<hbm>>, %arg4: memref<128x128xf32, #tpu.memory_space<hbm>>, %arg5: memref<128x128xf32, #tpu.memory_space<hbm>>, %arg6: memref<2x10240x128xf32, #tpu.memory_space<hbm>>, %arg7: memref<2x10240x128xf32, #tpu.memory_space<hbm>>, %arg8: memref<80x128xi32, #tpu.memory_space<vmem>>, %arg9: memref<128x128xf32, #tpu.memory_space<vmem>>, %arg10: memref<128x128xf32, #tpu.memory_space<vmem>>, %arg11: memref<10240x128xf32, #tpu.memory_space<vmem_shared>>, %arg12: memref<!tpu.dma_semaphore, #tpu.memory_space<semaphore_mem>>, %arg13: memref<!tpu.dma_semaphore, #tpu.memory_space<semaphore_mem>>, %arg14: memref<!tpu.dma_semaphore, #tpu.memory_space<semaphore_mem>>) attributes {dimension_semantics = [#tpu.dimension_semantics<core_parallel>, #tpu.dimension_semantics<subcore_parallel>], iteration_bounds = array<i64: 2, 16>, scalar_prefetch = 0 : i64, scratch_operands = 7 : i64, tpu.core_type = #tpu.core_type<sc_vector_subcore>, window_params = [{transform_indices = #map}, {transform_indices = #map1}, {transform_indices = #map}, {transform_indices = #map}, {transform_indices = #map1}, {transform_indices = #map1}]} {
    %mul3A = arith.constant 16 : i32
    %mul3A_0 = arith.muli %arg0, %mul3A : i32
    %add3A = arith.addi %mul3A_0, %arg1 : i32
    %mul3A_1 = arith.constant 640 : i32
    %mul3A_2 = arith.muli %arg1, %mul3A_1 : i32
    "tpu.region"() ({
      %run_scoped3A = tpu.sem_alloc : memref<!tpu.dma_semaphore, #tpu.memory_space<semaphore_mem>>
      tpu.enqueue_dma source(%arg4 : memref<128x128xf32, #tpu.memory_space<hbm>>) target(%arg9 : memref<128x128xf32, #tpu.memory_space<vmem>>) target_semaphore(%run_scoped3A : memref<!tpu.dma_semaphore, #tpu.memory_space<semaphore_mem>>)
      tpu.wait_dma2 semaphore(%run_scoped3A : memref<!tpu.dma_semaphore, #tpu.memory_space<semaphore_mem>>) src(%arg4 : memref<128x128xf32, #tpu.memory_space<hbm>>) dst(%arg9 : memref<128x128xf32, #tpu.memory_space<vmem>>)
      tpu.yield
    }) : () -> ()
    %add3A_3 = arith.constant 0 : i32
    %add3A_4 = arith.addi %mul3A_2, %add3A_3 : i32
    %dma_start3A = arith.constant 0 : i32
    %dma_start3A_5 = tpu.memref_slice %arg11[%add3A_4, %dma_start3A] : memref<10240x128xf32, #tpu.memory_space<vmem_shared>> -> memref<128x128xf32, #tpu.memory_space<vmem_shared>>
    %dma_start3A_6 = arith.constant 0 : i32
    %dma_start3A_7 = tpu.memref_slice %arg11[%add3A_4, %dma_start3A_6] : memref<10240x128xf32, #tpu.memory_space<vmem_shared>> -> memref<128x128xf32, #tpu.memory_space<vmem_shared>>
    tpu.enqueue_dma source(%arg9 : memref<128x128xf32, #tpu.memory_space<vmem>>) target(%dma_start3A_7 : memref<128x128xf32, #tpu.memory_space<vmem_shared>>) target_semaphore(%arg12 : memref<!tpu.dma_semaphore, #tpu.memory_space<semaphore_mem>>)
    %dma_wait3A = arith.constant 0 : i32
    %dma_wait3A_8 = tpu.memref_slice %arg11[%add3A_4, %dma_wait3A] : memref<10240x128xf32, #tpu.memory_space<vmem_shared>> -> memref<128x128xf32, #tpu.memory_space<vmem_shared>>
    %dma_wait3A_9 = arith.constant 0 : i32
    %dma_wait3A_10 = tpu.memref_slice %arg11[%add3A_4, %dma_wait3A_9] : memref<10240x128xf32, #tpu.memory_space<vmem_shared>> -> memref<128x128xf32, #tpu.memory_space<vmem_shared>>
    tpu.wait_dma2 semaphore(%arg12 : memref<!tpu.dma_semaphore, #tpu.memory_space<semaphore_mem>>) src(%arg9 : memref<128x128xf32, #tpu.memory_space<vmem>>) dst(%dma_wait3A_10 : memref<128x128xf32, #tpu.memory_space<vmem_shared>>)
    %add3A_11 = arith.constant 128 : i32
    %add3A_12 = arith.addi %mul3A_2, %add3A_11 : i32
    %dma_start3A_13 = arith.constant 0 : i32
    %dma_start3A_14 = tpu.memref_slice %arg11[%add3A_12, %dma_start3A_13] : memref<10240x128xf32, #tpu.memory_space<vmem_shared>> -> memref<128x128xf32, #tpu.memory_space<vmem_shared>>
    %dma_start3A_15 = arith.constant 0 : i32
    %dma_start3A_16 = tpu.memref_slice %arg11[%add3A_12, %dma_start3A_15] : memref<10240x128xf32, #tpu.memory_space<vmem_shared>> -> memref<128x128xf32, #tpu.memory_space<vmem_shared>>
    tpu.enqueue_dma source(%arg9 : memref<128x128xf32, #tpu.memory_space<vmem>>) target(%dma_start3A_16 : memref<128x128xf32, #tpu.memory_space<vmem_shared>>) target_semaphore(%arg12 : memref<!tpu.dma_semaphore, #tpu.memory_space<semaphore_mem>>)
    %dma_wait3A_17 = arith.constant 0 : i32
    %dma_wait3A_18 = tpu.memref_slice %arg11[%add3A_12, %dma_wait3A_17] : memref<10240x128xf32, #tpu.memory_space<vmem_shared>> -> memref<128x128xf32, #tpu.memory_space<vmem_shared>>
    %dma_wait3A_19 = arith.constant 0 : i32
    %dma_wait3A_20 = tpu.memref_slice %arg11[%add3A_12, %dma_wait3A_19] : memref<10240x128xf32, #tpu.memory_space<vmem_shared>> -> memref<128x128xf32, #tpu.memory_space<vmem_shared>>
    tpu.wait_dma2 semaphore(%arg12 : memref<!tpu.dma_semaphore, #tpu.memory_space<semaphore_mem>>) src(%arg9 : memref<128x128xf32, #tpu.memory_space<vmem>>) dst(%dma_wait3A_20 : memref<128x128xf32, #tpu.memory_space<vmem_shared>>)
    %add3A_21 = arith.constant 256 : i32
    %add3A_22 = arith.addi %mul3A_2, %add3A_21 : i32
    %dma_start3A_23 = arith.constant 0 : i32
    %dma_start3A_24 = tpu.memref_slice %arg11[%add3A_22, %dma_start3A_23] : memref<10240x128xf32, #tpu.memory_space<vmem_shared>> -> memref<128x128xf32, #tpu.memory_space<vmem_shared>>
    %dma_start3A_25 = arith.constant 0 : i32
    %dma_start3A_26 = tpu.memref_slice %arg11[%add3A_22, %dma_start3A_25] : memref<10240x128xf32, #tpu.memory_space<vmem_shared>> -> memref<128x128xf32, #tpu.memory_space<vmem_shared>>
    tpu.enqueue_dma source(%arg9 : memref<128x128xf32, #tpu.memory_space<vmem>>) target(%dma_start3A_26 : memref<128x128xf32, #tpu.memory_space<vmem_shared>>) target_semaphore(%arg12 : memref<!tpu.dma_semaphore, #tpu.memory_space<semaphore_mem>>)
    %dma_wait3A_27 = arith.constant 0 : i32
    %dma_wait3A_28 = tpu.memref_slice %arg11[%add3A_22, %dma_wait3A_27] : memref<10240x128xf32, #tpu.memory_space<vmem_shared>> -> memref<128x128xf32, #tpu.memory_space<vmem_shared>>
    %dma_wait3A_29 = arith.constant 0 : i32
    %dma_wait3A_30 = tpu.memref_slice %arg11[%add3A_22, %dma_wait3A_29] : memref<10240x128xf32, #tpu.memory_space<vmem_shared>> -> memref<128x128xf32, #tpu.memory_space<vmem_shared>>
    tpu.wait_dma2 semaphore(%arg12 : memref<!tpu.dma_semaphore, #tpu.memory_space<semaphore_mem>>) src(%arg9 : memref<128x128xf32, #tpu.memory_space<vmem>>) dst(%dma_wait3A_30 : memref<128x128xf32, #tpu.memory_space<vmem_shared>>)
    %add3A_31 = arith.constant 384 : i32
    %add3A_32 = arith.addi %mul3A_2, %add3A_31 : i32
    %dma_start3A_33 = arith.constant 0 : i32
    %dma_start3A_34 = tpu.memref_slice %arg11[%add3A_32, %dma_start3A_33] : memref<10240x128xf32, #tpu.memory_space<vmem_shared>> -> memref<128x128xf32, #tpu.memory_space<vmem_shared>>
    %dma_start3A_35 = arith.constant 0 : i32
    %dma_start3A_36 = tpu.memref_slice %arg11[%add3A_32, %dma_start3A_35] : memref<10240x128xf32, #tpu.memory_space<vmem_shared>> -> memref<128x128xf32, #tpu.memory_space<vmem_shared>>
    tpu.enqueue_dma source(%arg9 : memref<128x128xf32, #tpu.memory_space<vmem>>) target(%dma_start3A_36 : memref<128x128xf32, #tpu.memory_space<vmem_shared>>) target_semaphore(%arg12 : memref<!tpu.dma_semaphore, #tpu.memory_space<semaphore_mem>>)
    %dma_wait3A_37 = arith.constant 0 : i32
    %dma_wait3A_38 = tpu.memref_slice %arg11[%add3A_32, %dma_wait3A_37] : memref<10240x128xf32, #tpu.memory_space<vmem_shared>> -> memref<128x128xf32, #tpu.memory_space<vmem_shared>>
    %dma_wait3A_39 = arith.constant 0 : i32
    %dma_wait3A_40 = tpu.memref_slice %arg11[%add3A_32, %dma_wait3A_39] : memref<10240x128xf32, #tpu.memory_space<vmem_shared>> -> memref<128x128xf32, #tpu.memory_space<vmem_shared>>
    tpu.wait_dma2 semaphore(%arg12 : memref<!tpu.dma_semaphore, #tpu.memory_space<semaphore_mem>>) src(%arg9 : memref<128x128xf32, #tpu.memory_space<vmem>>) dst(%dma_wait3A_40 : memref<128x128xf32, #tpu.memory_space<vmem_shared>>)
    %add3A_41 = arith.constant 512 : i32
    %add3A_42 = arith.addi %mul3A_2, %add3A_41 : i32
    %dma_start3A_43 = arith.constant 0 : i32
    %dma_start3A_44 = tpu.memref_slice %arg11[%add3A_42, %dma_start3A_43] : memref<10240x128xf32, #tpu.memory_space<vmem_shared>> -> memref<128x128xf32, #tpu.memory_space<vmem_shared>>
    %dma_start3A_45 = arith.constant 0 : i32
    %dma_start3A_46 = tpu.memref_slice %arg11[%add3A_42, %dma_start3A_45] : memref<10240x128xf32, #tpu.memory_space<vmem_shared>> -> memref<128x128xf32, #tpu.memory_space<vmem_shared>>
    tpu.enqueue_dma source(%arg9 : memref<128x128xf32, #tpu.memory_space<vmem>>) target(%dma_start3A_46 : memref<128x128xf32, #tpu.memory_space<vmem_shared>>) target_semaphore(%arg12 : memref<!tpu.dma_semaphore, #tpu.memory_space<semaphore_mem>>)
    %dma_wait3A_47 = arith.constant 0 : i32
    %dma_wait3A_48 = tpu.memref_slice %arg11[%add3A_42, %dma_wait3A_47] : memref<10240x128xf32, #tpu.memory_space<vmem_shared>> -> memref<128x128xf32, #tpu.memory_space<vmem_shared>>
    %dma_wait3A_49 = arith.constant 0 : i32
    %dma_wait3A_50 = tpu.memref_slice %arg11[%add3A_42, %dma_wait3A_49] : memref<10240x128xf32, #tpu.memory_space<vmem_shared>> -> memref<128x128xf32, #tpu.memory_space<vmem_shared>>
    tpu.wait_dma2 semaphore(%arg12 : memref<!tpu.dma_semaphore, #tpu.memory_space<semaphore_mem>>) src(%arg9 : memref<128x128xf32, #tpu.memory_space<vmem>>) dst(%dma_wait3A_50 : memref<128x128xf32, #tpu.memory_space<vmem_shared>>)
    %barrier3A = arith.constant 0 : index
    tpu.barrier barrier_id(%barrier3A)
    %scan3A = arith.constant 0 : i32
    %scan3A_51 = arith.constant 0 : i32
    %scan3A_52 = arith.constant 2 : i32
    %scan3A_53 = arith.addi %scan3A_51, %scan3A_52 : i32
    %scan3A_54 = arith.constant 1 : i32
    scf.for %scan3A_241 = %scan3A_51 to %scan3A_53 step %scan3A_54  : i32 {
      %mul3A_242 = arith.constant 80 : i32
      %mul3A_243 = arith.muli %scan3A_241, %mul3A_242 : i32
      "tpu.region"() ({
        %run_scoped3A = tpu.sem_alloc : memref<!tpu.dma_semaphore, #tpu.memory_space<semaphore_mem>>
        %dma_start3A_290 = arith.constant 0 : i32
        %dma_start3A_291 = tpu.memref_slice %arg3[%add3A, %mul3A_243, %dma_start3A_290] : memref<32x160x128xi32, #tpu.memory_space<hbm>> -> memref<1x80x128xi32, #tpu.memory_space<hbm>>
        %dma_start3A_292 = tpu.memref_squeeze %dma_start3A_291 : memref<1x80x128xi32, #tpu.memory_space<hbm>> -> memref<80x128xi32, #tpu.memory_space<hbm>>
        %dma_start3A_293 = arith.constant 0 : i32
        %dma_start3A_294 = tpu.memref_slice %arg3[%add3A, %mul3A_243, %dma_start3A_293] : memref<32x160x128xi32, #tpu.memory_space<hbm>> -> memref<1x80x128xi32, #tpu.memory_space<hbm>>
        %dma_start3A_295 = tpu.memref_squeeze %dma_start3A_294 : memref<1x80x128xi32, #tpu.memory_space<hbm>> -> memref<80x128xi32, #tpu.memory_space<hbm>>
        tpu.enqueue_dma source(%dma_start3A_295 : memref<80x128xi32, #tpu.memory_space<hbm>>) target(%arg8 : memref<80x128xi32, #tpu.memory_space<vmem>>) target_semaphore(%run_scoped3A : memref<!tpu.dma_semaphore, #tpu.memory_space<semaphore_mem>>)
        %dma_wait3A_296 = arith.constant 0 : i32
        %dma_wait3A_297 = tpu.memref_slice %arg3[%add3A, %mul3A_243, %dma_wait3A_296] : memref<32x160x128xi32, #tpu.memory_space<hbm>> -> memref<1x80x128xi32, #tpu.memory_space<hbm>>
        %dma_wait3A_298 = tpu.memref_squeeze %dma_wait3A_297 : memref<1x80x128xi32, #tpu.memory_space<hbm>> -> memref<80x128xi32, #tpu.memory_space<hbm>>
        %dma_wait3A_299 = arith.constant 0 : i32
        %dma_wait3A_300 = tpu.memref_slice %arg3[%add3A, %mul3A_243, %dma_wait3A_299] : memref<32x160x128xi32, #tpu.memory_space<hbm>> -> memref<1x80x128xi32, #tpu.memory_space<hbm>>
        %dma_wait3A_301 = tpu.memref_squeeze %dma_wait3A_300 : memref<1x80x128xi32, #tpu.memory_space<hbm>> -> memref<80x128xi32, #tpu.memory_space<hbm>>
        tpu.wait_dma2 semaphore(%run_scoped3A : memref<!tpu.dma_semaphore, #tpu.memory_space<semaphore_mem>>) src(%dma_wait3A_301 : memref<80x128xi32, #tpu.memory_space<hbm>>) dst(%arg8 : memref<80x128xi32, #tpu.memory_space<vmem>>)
        tpu.yield
      }) : () -> ()
      %dma_start3A_244 = arith.constant 0 : i32
      %dma_start3A_245 = arith.constant 0 : i32
      %dma_start3A_246 = arith.constant 0 : i32
      %dma_start3A_247 = tpu.memref_slice %arg9[%dma_start3A_245, %dma_start3A_246] : memref<128x128xf32, #tpu.memory_space<vmem>> -> memref<64x128xf32, #tpu.memory_space<vmem>>
      %dma_start3A_248 = arith.constant 0 : i32
      %dma_start3A_249 = tpu.memref_slice %arg8[%dma_start3A_244, %dma_start3A_248] : memref<80x128xi32, #tpu.memory_space<vmem>> -> memref<1x64xi32, #tpu.memory_space<vmem>>
      %dma_start3A_250 = tpu.memref_squeeze %dma_start3A_249 : memref<1x64xi32, #tpu.memory_space<vmem>> -> memref<64xi32, #tpu.memory_space<vmem>>
      %dma_start3A_251 = arith.constant 0 : i32
      %dma_start3A_252 = arith.constant 0 : i32
      %dma_start3A_253 = tpu.memref_slice %arg2[%dma_start3A_251, %dma_start3A_252] : memref<10000x128xf32, #tpu.memory_space<hbm>> -> memref<10000x128xf32, #tpu.memory_space<hbm>>
      tpu.enqueue_indirect_dma source(%dma_start3A_253 : memref<10000x128xf32, #tpu.memory_space<hbm>>) target(%dma_start3A_247 : memref<64x128xf32, #tpu.memory_space<vmem>>) offsets(%dma_start3A_250 : memref<64xi32, #tpu.memory_space<vmem>>) semaphore(%arg12 : memref<!tpu.dma_semaphore, #tpu.memory_space<semaphore_mem>>)
      %dma_start3A_254 = arith.constant 0 : i32
      %dma_start3A_255 = arith.constant 64 : i32
      %dma_start3A_256 = arith.constant 0 : i32
      %dma_start3A_257 = tpu.memref_slice %arg9[%dma_start3A_255, %dma_start3A_256] : memref<128x128xf32, #tpu.memory_space<vmem>> -> memref<64x128xf32, #tpu.memory_space<vmem>>
      %dma_start3A_258 = arith.constant 64 : i32
      %dma_start3A_259 = tpu.memref_slice %arg8[%dma_start3A_254, %dma_start3A_258] : memref<80x128xi32, #tpu.memory_space<vmem>> -> memref<1x64xi32, #tpu.memory_space<vmem>>
      %dma_start3A_260 = tpu.memref_squeeze %dma_start3A_259 : memref<1x64xi32, #tpu.memory_space<vmem>> -> memref<64xi32, #tpu.memory_space<vmem>>
      %dma_start3A_261 = arith.constant 0 : i32
      %dma_start3A_262 = arith.constant 0 : i32
      %dma_start3A_263 = tpu.memref_slice %arg2[%dma_start3A_261, %dma_start3A_262] : memref<10000x128xf32, #tpu.memory_space<hbm>> -> memref<10000x128xf32, #tpu.memory_space<hbm>>
      tpu.enqueue_indirect_dma source(%dma_start3A_263 : memref<10000x128xf32, #tpu.memory_space<hbm>>) target(%dma_start3A_257 : memref<64x128xf32, #tpu.memory_space<vmem>>) offsets(%dma_start3A_260 : memref<64xi32, #tpu.memory_space<vmem>>) semaphore(%arg12 : memref<!tpu.dma_semaphore, #tpu.memory_space<semaphore_mem>>)
      %dma_start3A_264 = arith.constant 2 : i32
      %dma_start3A_265 = arith.constant 0 : i32
      %dma_start3A_266 = arith.constant 0 : i32
      %dma_start3A_267 = tpu.memref_slice %arg10[%dma_start3A_265, %dma_start3A_266] : memref<128x128xf32, #tpu.memory_space<vmem>> -> memref<64x128xf32, #tpu.memory_space<vmem>>
      %dma_start3A_268 = arith.constant 0 : i32
      %dma_start3A_269 = tpu.memref_slice %arg8[%dma_start3A_264, %dma_start3A_268] : memref<80x128xi32, #tpu.memory_space<vmem>> -> memref<1x64xi32, #tpu.memory_space<vmem>>
      %dma_start3A_270 = tpu.memref_squeeze %dma_start3A_269 : memref<1x64xi32, #tpu.memory_space<vmem>> -> memref<64xi32, #tpu.memory_space<vmem>>
      %dma_start3A_271 = arith.constant 0 : i32
      %dma_start3A_272 = arith.constant 0 : i32
      %dma_start3A_273 = tpu.memref_slice %arg2[%dma_start3A_271, %dma_start3A_272] : memref<10000x128xf32, #tpu.memory_space<hbm>> -> memref<10000x128xf32, #tpu.memory_space<hbm>>
      tpu.enqueue_indirect_dma source(%dma_start3A_273 : memref<10000x128xf32, #tpu.memory_space<hbm>>) target(%dma_start3A_267 : memref<64x128xf32, #tpu.memory_space<vmem>>) offsets(%dma_start3A_270 : memref<64xi32, #tpu.memory_space<vmem>>) semaphore(%arg13 : memref<!tpu.dma_semaphore, #tpu.memory_space<semaphore_mem>>)
      %dma_start3A_274 = arith.constant 2 : i32
      %dma_start3A_275 = arith.constant 64 : i32
      %dma_start3A_276 = arith.constant 0 : i32
      %dma_start3A_277 = tpu.memref_slice %arg10[%dma_start3A_275, %dma_start3A_276] : memref<128x128xf32, #tpu.memory_space<vmem>> -> memref<64x128xf32, #tpu.memory_space<vmem>>
      %dma_start3A_278 = arith.constant 64 : i32
      %dma_start3A_279 = tpu.memref_slice %arg8[%dma_start3A_274, %dma_start3A_278] : memref<80x128xi32, #tpu.memory_space<vmem>> -> memref<1x64xi32, #tpu.memory_space<vmem>>
      %dma_start3A_280 = tpu.memref_squeeze %dma_start3A_279 : memref<1x64xi32, #tpu.memory_space<vmem>> -> memref<64xi32, #tpu.memory_space<vmem>>
      %dma_start3A_281 = arith.constant 0 : i32
      %dma_start3A_282 = arith.constant 0 : i32
      %dma_start3A_283 = tpu.memref_slice %arg2[%dma_start3A_281, %dma_start3A_282] : memref<10000x128xf32, #tpu.memory_space<hbm>> -> memref<10000x128xf32, #tpu.memory_space<hbm>>
      tpu.enqueue_indirect_dma source(%dma_start3A_283 : memref<10000x128xf32, #tpu.memory_space<hbm>>) target(%dma_start3A_277 : memref<64x128xf32, #tpu.memory_space<vmem>>) offsets(%dma_start3A_280 : memref<64xi32, #tpu.memory_space<vmem>>) semaphore(%arg13 : memref<!tpu.dma_semaphore, #tpu.memory_space<semaphore_mem>>)
      %scan3A_284 = arith.constant 0 : i32
      %scan3A_285 = arith.constant 0 : i32
      %scan3A_286 = arith.constant 20 : i32
      %scan3A_287 = arith.addi %scan3A_285, %scan3A_286 : i32
      %scan3A_288 = arith.constant 1 : i32
      scf.for %scan3A_290 = %scan3A_285 to %scan3A_287 step %scan3A_288  : i32 {
        %mul3A_291 = arith.constant 2 : i32
        %mul3A_292 = arith.muli %mul3A_291, %scan3A_290 : i32
        %mul3A_293 = arith.constant 2 : i32
        %mul3A_294 = arith.muli %mul3A_293, %mul3A_292 : i32
        %dma_wait3A_295 = arith.constant 0 : i32
        %dma_wait3A_296 = arith.constant 0 : i32
        %dma_wait3A_297 = tpu.memref_slice %arg9[%dma_wait3A_295, %dma_wait3A_296] : memref<128x128xf32, #tpu.memory_space<vmem>> -> memref<64x128xf32, #tpu.memory_space<vmem>>
        %dma_wait3A_298 = arith.constant 0 : i32
        %dma_wait3A_299 = tpu.memref_slice %arg8[%mul3A_294, %dma_wait3A_298] : memref<80x128xi32, #tpu.memory_space<vmem>> -> memref<1x64xi32, #tpu.memory_space<vmem>>
        %dma_wait3A_300 = tpu.memref_squeeze %dma_wait3A_299 : memref<1x64xi32, #tpu.memory_space<vmem>> -> memref<64xi32, #tpu.memory_space<vmem>>
        %dma_wait3A_301 = arith.constant 0 : i32
        %dma_wait3A_302 = arith.constant 0 : i32
        %dma_wait3A_303 = tpu.memref_slice %arg2[%dma_wait3A_301, %dma_wait3A_302] : memref<10000x128xf32, #tpu.memory_space<hbm>> -> memref<10000x128xf32, #tpu.memory_space<hbm>>
        tpu.wait_indirect_dma semaphore(%arg12 : memref<!tpu.dma_semaphore, #tpu.memory_space<semaphore_mem>>) src(%dma_wait3A_303 : memref<10000x128xf32, #tpu.memory_space<hbm>>) dst(%dma_wait3A_297 : memref<64x128xf32, #tpu.memory_space<vmem>>)
        %mul3A_304 = arith.constant 2 : i32
        %mul3A_305 = arith.muli %mul3A_304, %mul3A_292 : i32
        %dma_wait3A_306 = arith.constant 64 : i32
        %dma_wait3A_307 = arith.constant 0 : i32
        %dma_wait3A_308 = tpu.memref_slice %arg9[%dma_wait3A_306, %dma_wait3A_307] : memref<128x128xf32, #tpu.memory_space<vmem>> -> memref<64x128xf32, #tpu.memory_space<vmem>>
        %dma_wait3A_309 = arith.constant 64 : i32
        %dma_wait3A_310 = tpu.memref_slice %arg8[%mul3A_305, %dma_wait3A_309] : memref<80x128xi32, #tpu.memory_space<vmem>> -> memref<1x64xi32, #tpu.memory_space<vmem>>
        %dma_wait3A_311 = tpu.memref_squeeze %dma_wait3A_310 : memref<1x64xi32, #tpu.memory_space<vmem>> -> memref<64xi32, #tpu.memory_space<vmem>>
        %dma_wait3A_312 = arith.constant 0 : i32
        %dma_wait3A_313 = arith.constant 0 : i32
        %dma_wait3A_314 = tpu.memref_slice %arg2[%dma_wait3A_312, %dma_wait3A_313] : memref<10000x128xf32, #tpu.memory_space<hbm>> -> memref<10000x128xf32, #tpu.memory_space<hbm>>
        tpu.wait_indirect_dma semaphore(%arg12 : memref<!tpu.dma_semaphore, #tpu.memory_space<semaphore_mem>>) src(%dma_wait3A_314 : memref<10000x128xf32, #tpu.memory_space<hbm>>) dst(%dma_wait3A_308 : memref<64x128xf32, #tpu.memory_space<vmem>>)
        %mul3A_315 = arith.constant 2 : i32
        %mul3A_316 = arith.muli %mul3A_315, %mul3A_292 : i32
        %add3A_317 = arith.constant 1 : i32
        %add3A_318 = arith.addi %mul3A_316, %add3A_317 : i32
        %dma_start3A_319 = arith.constant 0 : i32
        %dma_start3A_320 = tpu.memref_slice %arg8[%add3A_318, %dma_start3A_319] : memref<80x128xi32, #tpu.memory_space<vmem>> -> memref<1x128xi32, #tpu.memory_space<vmem>>
        %dma_start3A_321 = tpu.memref_squeeze %dma_start3A_320 : memref<1x128xi32, #tpu.memory_space<vmem>> -> memref<128xi32, #tpu.memory_space<vmem>>
        %dma_start3A_322 = arith.constant 0 : i32
        %dma_start3A_323 = arith.constant 0 : i32
        %dma_start3A_324 = tpu.memref_slice %arg11[%dma_start3A_322, %dma_start3A_323] : memref<10240x128xf32, #tpu.memory_space<vmem_shared>> -> memref<10240x128xf32, #tpu.memory_space<vmem_shared>>
        tpu.enqueue_indirect_dma source(%arg9 : memref<128x128xf32, #tpu.memory_space<vmem>>) target(%dma_start3A_324 : memref<10240x128xf32, #tpu.memory_space<vmem_shared>>) offsets(%dma_start3A_321 : memref<128xi32, #tpu.memory_space<vmem>>) semaphore(%arg14 : memref<!tpu.dma_semaphore, #tpu.memory_space<semaphore_mem>>) {add = true}
        %dma_wait3A_325 = arith.constant 0 : i32
        %dma_wait3A_326 = tpu.memref_slice %arg8[%add3A_318, %dma_wait3A_325] : memref<80x128xi32, #tpu.memory_space<vmem>> -> memref<1x128xi32, #tpu.memory_space<vmem>>
        %dma_wait3A_327 = tpu.memref_squeeze %dma_wait3A_326 : memref<1x128xi32, #tpu.memory_space<vmem>> -> memref<128xi32, #tpu.memory_space<vmem>>
        %dma_wait3A_328 = arith.constant 0 : i32
        %dma_wait3A_329 = arith.constant 0 : i32
        %dma_wait3A_330 = tpu.memref_slice %arg11[%dma_wait3A_328, %dma_wait3A_329] : memref<10240x128xf32, #tpu.memory_space<vmem_shared>> -> memref<10240x128xf32, #tpu.memory_space<vmem_shared>>
        tpu.wait_indirect_dma semaphore(%arg14 : memref<!tpu.dma_semaphore, #tpu.memory_space<semaphore_mem>>) src(%arg9 : memref<128x128xf32, #tpu.memory_space<vmem>>) dst(%dma_wait3A_330 : memref<10240x128xf32, #tpu.memory_space<vmem_shared>>)
        %add3A_331 = arith.constant 2 : i32
        %add3A_332 = arith.addi %mul3A_292, %add3A_331 : i32
        %lt3A = arith.constant 40 : i32
        %lt3A_333 = arith.cmpi slt, %add3A_332, %lt3A : i32
        %convert_element_type3A = arith.extui %lt3A_333 : i1 to i32
        %cond3A = arith.constant 0 : i32
        %cond3A_334 = arith.cmpi ne, %convert_element_type3A, %cond3A : i32
        scf.if %cond3A_334 {
          %add3A_382 = arith.constant 2 : i32
          %add3A_383 = arith.addi %mul3A_292, %add3A_382 : i32
          %mul3A_384 = arith.constant 2 : i32
          %mul3A_385 = arith.muli %mul3A_384, %add3A_383 : i32
          %dma_start3A_386 = arith.constant 0 : i32
          %dma_start3A_387 = arith.constant 0 : i32
          %dma_start3A_388 = tpu.memref_slice %arg9[%dma_start3A_386, %dma_start3A_387] : memref<128x128xf32, #tpu.memory_space<vmem>> -> memref<64x128xf32, #tpu.memory_space<vmem>>
          %dma_start3A_389 = arith.constant 0 : i32
          %dma_start3A_390 = tpu.memref_slice %arg8[%mul3A_385, %dma_start3A_389] : memref<80x128xi32, #tpu.memory_space<vmem>> -> memref<1x64xi32, #tpu.memory_space<vmem>>
          %dma_start3A_391 = tpu.memref_squeeze %dma_start3A_390 : memref<1x64xi32, #tpu.memory_space<vmem>> -> memref<64xi32, #tpu.memory_space<vmem>>
          %dma_start3A_392 = arith.constant 0 : i32
          %dma_start3A_393 = arith.constant 0 : i32
          %dma_start3A_394 = tpu.memref_slice %arg2[%dma_start3A_392, %dma_start3A_393] : memref<10000x128xf32, #tpu.memory_space<hbm>> -> memref<10000x128xf32, #tpu.memory_space<hbm>>
          tpu.enqueue_indirect_dma source(%dma_start3A_394 : memref<10000x128xf32, #tpu.memory_space<hbm>>) target(%dma_start3A_388 : memref<64x128xf32, #tpu.memory_space<vmem>>) offsets(%dma_start3A_391 : memref<64xi32, #tpu.memory_space<vmem>>) semaphore(%arg12 : memref<!tpu.dma_semaphore, #tpu.memory_space<semaphore_mem>>)
          %mul3A_395 = arith.constant 2 : i32
          %mul3A_396 = arith.muli %mul3A_395, %add3A_383 : i32
          %dma_start3A_397 = arith.constant 64 : i32
          %dma_start3A_398 = arith.constant 0 : i32
          %dma_start3A_399 = tpu.memref_slice %arg9[%dma_start3A_397, %dma_start3A_398] : memref<128x128xf32, #tpu.memory_space<vmem>> -> memref<64x128xf32, #tpu.memory_space<vmem>>
          %dma_start3A_400 = arith.constant 64 : i32
          %dma_start3A_401 = tpu.memref_slice %arg8[%mul3A_396, %dma_start3A_400] : memref<80x128xi32, #tpu.memory_space<vmem>> -> memref<1x64xi32, #tpu.memory_space<vmem>>
          %dma_start3A_402 = tpu.memref_squeeze %dma_start3A_401 : memref<1x64xi32, #tpu.memory_space<vmem>> -> memref<64xi32, #tpu.memory_space<vmem>>
          %dma_start3A_403 = arith.constant 0 : i32
          %dma_start3A_404 = arith.constant 0 : i32
          %dma_start3A_405 = tpu.memref_slice %arg2[%dma_start3A_403, %dma_start3A_404] : memref<10000x128xf32, #tpu.memory_space<hbm>> -> memref<10000x128xf32, #tpu.memory_space<hbm>>
          tpu.enqueue_indirect_dma source(%dma_start3A_405 : memref<10000x128xf32, #tpu.memory_space<hbm>>) target(%dma_start3A_399 : memref<64x128xf32, #tpu.memory_space<vmem>>) offsets(%dma_start3A_402 : memref<64xi32, #tpu.memory_space<vmem>>) semaphore(%arg12 : memref<!tpu.dma_semaphore, #tpu.memory_space<semaphore_mem>>)
        } else {
        }
        %add3A_335 = arith.constant 1 : i32
        %add3A_336 = arith.addi %mul3A_292, %add3A_335 : i32
        %mul3A_337 = arith.constant 2 : i32
        %mul3A_338 = arith.muli %mul3A_337, %add3A_336 : i32
        %dma_wait3A_339 = arith.constant 0 : i32
        %dma_wait3A_340 = arith.constant 0 : i32
        %dma_wait3A_341 = tpu.memref_slice %arg10[%dma_wait3A_339, %dma_wait3A_340] : memref<128x128xf32, #tpu.memory_space<vmem>> -> memref<64x128xf32, #tpu.memory_space<vmem>>
        %dma_wait3A_342 = arith.constant 0 : i32
        %dma_wait3A_343 = tpu.memref_slice %arg8[%mul3A_338, %dma_wait3A_342] : memref<80x128xi32, #tpu.memory_space<vmem>> -> memref<1x64xi32, #tpu.memory_space<vmem>>
        %dma_wait3A_344 = tpu.memref_squeeze %dma_wait3A_343 : memref<1x64xi32, #tpu.memory_space<vmem>> -> memref<64xi32, #tpu.memory_space<vmem>>
        %dma_wait3A_345 = arith.constant 0 : i32
        %dma_wait3A_346 = arith.constant 0 : i32
        %dma_wait3A_347 = tpu.memref_slice %arg2[%dma_wait3A_345, %dma_wait3A_346] : memref<10000x128xf32, #tpu.memory_space<hbm>> -> memref<10000x128xf32, #tpu.memory_space<hbm>>
        tpu.wait_indirect_dma semaphore(%arg13 : memref<!tpu.dma_semaphore, #tpu.memory_space<semaphore_mem>>) src(%dma_wait3A_347 : memref<10000x128xf32, #tpu.memory_space<hbm>>) dst(%dma_wait3A_341 : memref<64x128xf32, #tpu.memory_space<vmem>>)
        %mul3A_348 = arith.constant 2 : i32
        %mul3A_349 = arith.muli %mul3A_348, %add3A_336 : i32
        %dma_wait3A_350 = arith.constant 64 : i32
        %dma_wait3A_351 = arith.constant 0 : i32
        %dma_wait3A_352 = tpu.memref_slice %arg10[%dma_wait3A_350, %dma_wait3A_351] : memref<128x128xf32, #tpu.memory_space<vmem>> -> memref<64x128xf32, #tpu.memory_space<vmem>>
        %dma_wait3A_353 = arith.constant 64 : i32
        %dma_wait3A_354 = tpu.memref_slice %arg8[%mul3A_349, %dma_wait3A_353] : memref<80x128xi32, #tpu.memory_space<vmem>> -> memref<1x64xi32, #tpu.memory_space<vmem>>
        %dma_wait3A_355 = tpu.memref_squeeze %dma_wait3A_354 : memref<1x64xi32, #tpu.memory_space<vmem>> -> memref<64xi32, #tpu.memory_space<vmem>>
        %dma_wait3A_356 = arith.constant 0 : i32
        %dma_wait3A_357 = arith.constant 0 : i32
        %dma_wait3A_358 = tpu.memref_slice %arg2[%dma_wait3A_356, %dma_wait3A_357] : memref<10000x128xf32, #tpu.memory_space<hbm>> -> memref<10000x128xf32, #tpu.memory_space<hbm>>
        tpu.wait_indirect_dma semaphore(%arg13 : memref<!tpu.dma_semaphore, #tpu.memory_space<semaphore_mem>>) src(%dma_wait3A_358 : memref<10000x128xf32, #tpu.memory_space<hbm>>) dst(%dma_wait3A_352 : memref<64x128xf32, #tpu.memory_space<vmem>>)
        %mul3A_359 = arith.constant 2 : i32
        %mul3A_360 = arith.muli %mul3A_359, %mul3A_292 : i32
        %add3A_361 = arith.constant 3 : i32
        %add3A_362 = arith.addi %mul3A_360, %add3A_361 : i32
        %dma_start3A_363 = arith.constant 0 : i32
        %dma_start3A_364 = tpu.memref_slice %arg8[%add3A_362, %dma_start3A_363] : memref<80x128xi32, #tpu.memory_space<vmem>> -> memref<1x128xi32, #tpu.memory_space<vmem>>
        %dma_start3A_365 = tpu.memref_squeeze %dma_start3A_364 : memref<1x128xi32, #tpu.memory_space<vmem>> -> memref<128xi32, #tpu.memory_space<vmem>>
        %dma_start3A_366 = arith.constant 0 : i32
        %dma_start3A_367 = arith.constant 0 : i32
        %dma_start3A_368 = tpu.memref_slice %arg11[%dma_start3A_366, %dma_start3A_367] : memref<10240x128xf32, #tpu.memory_space<vmem_shared>> -> memref<10240x128xf32, #tpu.memory_space<vmem_shared>>
        tpu.enqueue_indirect_dma source(%arg10 : memref<128x128xf32, #tpu.memory_space<vmem>>) target(%dma_start3A_368 : memref<10240x128xf32, #tpu.memory_space<vmem_shared>>) offsets(%dma_start3A_365 : memref<128xi32, #tpu.memory_space<vmem>>) semaphore(%arg14 : memref<!tpu.dma_semaphore, #tpu.memory_space<semaphore_mem>>) {add = true}
        %dma_wait3A_369 = arith.constant 0 : i32
        %dma_wait3A_370 = tpu.memref_slice %arg8[%add3A_362, %dma_wait3A_369] : memref<80x128xi32, #tpu.memory_space<vmem>> -> memref<1x128xi32, #tpu.memory_space<vmem>>
        %dma_wait3A_371 = tpu.memref_squeeze %dma_wait3A_370 : memref<1x128xi32, #tpu.memory_space<vmem>> -> memref<128xi32, #tpu.memory_space<vmem>>
        %dma_wait3A_372 = arith.constant 0 : i32
        %dma_wait3A_373 = arith.constant 0 : i32
        %dma_wait3A_374 = tpu.memref_slice %arg11[%dma_wait3A_372, %dma_wait3A_373] : memref<10240x128xf32, #tpu.memory_space<vmem_shared>> -> memref<10240x128xf32, #tpu.memory_space<vmem_shared>>
        tpu.wait_indirect_dma semaphore(%arg14 : memref<!tpu.dma_semaphore, #tpu.memory_space<semaphore_mem>>) src(%arg10 : memref<128x128xf32, #tpu.memory_space<vmem>>) dst(%dma_wait3A_374 : memref<10240x128xf32, #tpu.memory_space<vmem_shared>>)
        %add3A_375 = arith.constant 3 : i32
        %add3A_376 = arith.addi %mul3A_292, %add3A_375 : i32
        %lt3A_377 = arith.constant 40 : i32
        %lt3A_378 = arith.cmpi slt, %add3A_376, %lt3A_377 : i32
        %convert_element_type3A_379 = arith.extui %lt3A_378 : i1 to i32
        %cond3A_380 = arith.constant 0 : i32
        %cond3A_381 = arith.cmpi ne, %convert_element_type3A_379, %cond3A_380 : i32
        scf.if %cond3A_381 {
          %add3A_382 = arith.constant 3 : i32
          %add3A_383 = arith.addi %mul3A_292, %add3A_382 : i32
          %mul3A_384 = arith.constant 2 : i32
          %mul3A_385 = arith.muli %mul3A_384, %add3A_383 : i32
          %dma_start3A_386 = arith.constant 0 : i32
          %dma_start3A_387 = arith.constant 0 : i32
          %dma_start3A_388 = tpu.memref_slice %arg10[%dma_start3A_386, %dma_start3A_387] : memref<128x128xf32, #tpu.memory_space<vmem>> -> memref<64x128xf32, #tpu.memory_space<vmem>>
          %dma_start3A_389 = arith.constant 0 : i32
          %dma_start3A_390 = tpu.memref_slice %arg8[%mul3A_385, %dma_start3A_389] : memref<80x128xi32, #tpu.memory_space<vmem>> -> memref<1x64xi32, #tpu.memory_space<vmem>>
          %dma_start3A_391 = tpu.memref_squeeze %dma_start3A_390 : memref<1x64xi32, #tpu.memory_space<vmem>> -> memref<64xi32, #tpu.memory_space<vmem>>
          %dma_start3A_392 = arith.constant 0 : i32
          %dma_start3A_393 = arith.constant 0 : i32
          %dma_start3A_394 = tpu.memref_slice %arg2[%dma_start3A_392, %dma_start3A_393] : memref<10000x128xf32, #tpu.memory_space<hbm>> -> memref<10000x128xf32, #tpu.memory_space<hbm>>
          tpu.enqueue_indirect_dma source(%dma_start3A_394 : memref<10000x128xf32, #tpu.memory_space<hbm>>) target(%dma_start3A_388 : memref<64x128xf32, #tpu.memory_space<vmem>>) offsets(%dma_start3A_391 : memref<64xi32, #tpu.memory_space<vmem>>) semaphore(%arg13 : memref<!tpu.dma_semaphore, #tpu.memory_space<semaphore_mem>>)
          %mul3A_395 = arith.constant 2 : i32
          %mul3A_396 = arith.muli %mul3A_395, %add3A_383 : i32
          %dma_start3A_397 = arith.constant 64 : i32
          %dma_start3A_398 = arith.constant 0 : i32
          %dma_start3A_399 = tpu.memref_slice %arg10[%dma_start3A_397, %dma_start3A_398] : memref<128x128xf32, #tpu.memory_space<vmem>> -> memref<64x128xf32, #tpu.memory_space<vmem>>
          %dma_start3A_400 = arith.constant 64 : i32
          %dma_start3A_401 = tpu.memref_slice %arg8[%mul3A_396, %dma_start3A_400] : memref<80x128xi32, #tpu.memory_space<vmem>> -> memref<1x64xi32, #tpu.memory_space<vmem>>
          %dma_start3A_402 = tpu.memref_squeeze %dma_start3A_401 : memref<1x64xi32, #tpu.memory_space<vmem>> -> memref<64xi32, #tpu.memory_space<vmem>>
          %dma_start3A_403 = arith.constant 0 : i32
          %dma_start3A_404 = arith.constant 0 : i32
          %dma_start3A_405 = tpu.memref_slice %arg2[%dma_start3A_403, %dma_start3A_404] : memref<10000x128xf32, #tpu.memory_space<hbm>> -> memref<10000x128xf32, #tpu.memory_space<hbm>>
          tpu.enqueue_indirect_dma source(%dma_start3A_405 : memref<10000x128xf32, #tpu.memory_space<hbm>>) target(%dma_start3A_399 : memref<64x128xf32, #tpu.memory_space<vmem>>) offsets(%dma_start3A_402 : memref<64xi32, #tpu.memory_space<vmem>>) semaphore(%arg13 : memref<!tpu.dma_semaphore, #tpu.memory_space<semaphore_mem>>)
        } else {
        }
      }
      %scan3A_289 = arith.constant 20 : i32
    }
    %scan3A_55 = arith.constant 2 : i32
    %barrier3A_56 = arith.constant 0 : index
    tpu.barrier barrier_id(%barrier3A_56)
    %add3A_57 = arith.constant 0 : i32
    %add3A_58 = arith.addi %mul3A_2, %add3A_57 : i32
    %dma_start3A_59 = arith.constant 0 : i32
    %dma_start3A_60 = tpu.memref_slice %arg11[%add3A_58, %dma_start3A_59] : memref<10240x128xf32, #tpu.memory_space<vmem_shared>> -> memref<128x128xf32, #tpu.memory_space<vmem_shared>>
    %dma_start3A_61 = arith.constant 0 : i32
    %dma_start3A_62 = tpu.memref_slice %arg11[%add3A_58, %dma_start3A_61] : memref<10240x128xf32, #tpu.memory_space<vmem_shared>> -> memref<128x128xf32, #tpu.memory_space<vmem_shared>>
    tpu.enqueue_dma source(%dma_start3A_62 : memref<128x128xf32, #tpu.memory_space<vmem_shared>>) target(%arg9 : memref<128x128xf32, #tpu.memory_space<vmem>>) target_semaphore(%arg12 : memref<!tpu.dma_semaphore, #tpu.memory_space<semaphore_mem>>)
    %dma_wait3A_63 = arith.constant 0 : i32
    %dma_wait3A_64 = tpu.memref_slice %arg11[%add3A_58, %dma_wait3A_63] : memref<10240x128xf32, #tpu.memory_space<vmem_shared>> -> memref<128x128xf32, #tpu.memory_space<vmem_shared>>
    %dma_wait3A_65 = arith.constant 0 : i32
    %dma_wait3A_66 = tpu.memref_slice %arg11[%add3A_58, %dma_wait3A_65] : memref<10240x128xf32, #tpu.memory_space<vmem_shared>> -> memref<128x128xf32, #tpu.memory_space<vmem_shared>>
    tpu.wait_dma2 semaphore(%arg12 : memref<!tpu.dma_semaphore, #tpu.memory_space<semaphore_mem>>) src(%dma_wait3A_66 : memref<128x128xf32, #tpu.memory_space<vmem_shared>>) dst(%arg9 : memref<128x128xf32, #tpu.memory_space<vmem>>)
    %add3A_67 = arith.constant 0 : i32
    %add3A_68 = arith.addi %mul3A_2, %add3A_67 : i32
    "tpu.region"() ({
      %run_scoped3A = tpu.sem_alloc : memref<!tpu.dma_semaphore, #tpu.memory_space<semaphore_mem>>
      %dma_start3A_241 = arith.constant 0 : i32
      %dma_start3A_242 = tpu.memref_slice %arg6[%arg0, %add3A_68, %dma_start3A_241] : memref<2x10240x128xf32, #tpu.memory_space<hbm>> -> memref<1x128x128xf32, #tpu.memory_space<hbm>>
      %dma_start3A_243 = tpu.memref_squeeze %dma_start3A_242 : memref<1x128x128xf32, #tpu.memory_space<hbm>> -> memref<128x128xf32, #tpu.memory_space<hbm>>
      %dma_start3A_244 = arith.constant 0 : i32
      %dma_start3A_245 = tpu.memref_slice %arg6[%arg0, %add3A_68, %dma_start3A_244] : memref<2x10240x128xf32, #tpu.memory_space<hbm>> -> memref<1x128x128xf32, #tpu.memory_space<hbm>>
      %dma_start3A_246 = tpu.memref_squeeze %dma_start3A_245 : memref<1x128x128xf32, #tpu.memory_space<hbm>> -> memref<128x128xf32, #tpu.memory_space<hbm>>
      tpu.enqueue_dma source(%arg9 : memref<128x128xf32, #tpu.memory_space<vmem>>) target(%dma_start3A_246 : memref<128x128xf32, #tpu.memory_space<hbm>>) target_semaphore(%run_scoped3A : memref<!tpu.dma_semaphore, #tpu.memory_space<semaphore_mem>>)
      %dma_wait3A_247 = arith.constant 0 : i32
      %dma_wait3A_248 = tpu.memref_slice %arg6[%arg0, %add3A_68, %dma_wait3A_247] : memref<2x10240x128xf32, #tpu.memory_space<hbm>> -> memref<1x128x128xf32, #tpu.memory_space<hbm>>
      %dma_wait3A_249 = tpu.memref_squeeze %dma_wait3A_248 : memref<1x128x128xf32, #tpu.memory_space<hbm>> -> memref<128x128xf32, #tpu.memory_space<hbm>>
      %dma_wait3A_250 = arith.constant 0 : i32
      %dma_wait3A_251 = tpu.memref_slice %arg6[%arg0, %add3A_68, %dma_wait3A_250] : memref<2x10240x128xf32, #tpu.memory_space<hbm>> -> memref<1x128x128xf32, #tpu.memory_space<hbm>>
      %dma_wait3A_252 = tpu.memref_squeeze %dma_wait3A_251 : memref<1x128x128xf32, #tpu.memory_space<hbm>> -> memref<128x128xf32, #tpu.memory_space<hbm>>
      tpu.wait_dma2 semaphore(%run_scoped3A : memref<!tpu.dma_semaphore, #tpu.memory_space<semaphore_mem>>) src(%arg9 : memref<128x128xf32, #tpu.memory_space<vmem>>) dst(%dma_wait3A_252 : memref<128x128xf32, #tpu.memory_space<hbm>>)
      tpu.yield
    }) : () -> ()
    %add3A_69 = arith.constant 128 : i32
    %add3A_70 = arith.addi %mul3A_2, %add3A_69 : i32
    %dma_start3A_71 = arith.constant 0 : i32
    %dma_start3A_72 = tpu.memref_slice %arg11[%add3A_70, %dma_start3A_71] : memref<10240x128xf32, #tpu.memory_space<vmem_shared>> -> memref<128x128xf32, #tpu.memory_space<vmem_shared>>
    %dma_start3A_73 = arith.constant 0 : i32
    %dma_start3A_74 = tpu.memref_slice %arg11[%add3A_70, %dma_start3A_73] : memref<10240x128xf32, #tpu.memory_space<vmem_shared>> -> memref<128x128xf32, #tpu.memory_space<vmem_shared>>
    tpu.enqueue_dma source(%dma_start3A_74 : memref<128x128xf32, #tpu.memory_space<vmem_shared>>) target(%arg9 : memref<128x128xf32, #tpu.memory_space<vmem>>) target_semaphore(%arg12 : memref<!tpu.dma_semaphore, #tpu.memory_space<semaphore_mem>>)
    %dma_wait3A_75 = arith.constant 0 : i32
    %dma_wait3A_76 = tpu.memref_slice %arg11[%add3A_70, %dma_wait3A_75] : memref<10240x128xf32, #tpu.memory_space<vmem_shared>> -> memref<128x128xf32, #tpu.memory_space<vmem_shared>>
    %dma_wait3A_77 = arith.constant 0 : i32
    %dma_wait3A_78 = tpu.memref_slice %arg11[%add3A_70, %dma_wait3A_77] : memref<10240x128xf32, #tpu.memory_space<vmem_shared>> -> memref<128x128xf32, #tpu.memory_space<vmem_shared>>
    tpu.wait_dma2 semaphore(%arg12 : memref<!tpu.dma_semaphore, #tpu.memory_space<semaphore_mem>>) src(%dma_wait3A_78 : memref<128x128xf32, #tpu.memory_space<vmem_shared>>) dst(%arg9 : memref<128x128xf32, #tpu.memory_space<vmem>>)
    %add3A_79 = arith.constant 128 : i32
    %add3A_80 = arith.addi %mul3A_2, %add3A_79 : i32
    "tpu.region"() ({
      %run_scoped3A = tpu.sem_alloc : memref<!tpu.dma_semaphore, #tpu.memory_space<semaphore_mem>>
      %dma_start3A_241 = arith.constant 0 : i32
      %dma_start3A_242 = tpu.memref_slice %arg6[%arg0, %add3A_80, %dma_start3A_241] : memref<2x10240x128xf32, #tpu.memory_space<hbm>> -> memref<1x128x128xf32, #tpu.memory_space<hbm>>
      %dma_start3A_243 = tpu.memref_squeeze %dma_start3A_242 : memref<1x128x128xf32, #tpu.memory_space<hbm>> -> memref<128x128xf32, #tpu.memory_space<hbm>>
      %dma_start3A_244 = arith.constant 0 : i32
      %dma_start3A_245 = tpu.memref_slice %arg6[%arg0, %add3A_80, %dma_start3A_244] : memref<2x10240x128xf32, #tpu.memory_space<hbm>> -> memref<1x128x128xf32, #tpu.memory_space<hbm>>
      %dma_start3A_246 = tpu.memref_squeeze %dma_start3A_245 : memref<1x128x128xf32, #tpu.memory_space<hbm>> -> memref<128x128xf32, #tpu.memory_space<hbm>>
      tpu.enqueue_dma source(%arg9 : memref<128x128xf32, #tpu.memory_space<vmem>>) target(%dma_start3A_246 : memref<128x128xf32, #tpu.memory_space<hbm>>) target_semaphore(%run_scoped3A : memref<!tpu.dma_semaphore, #tpu.memory_space<semaphore_mem>>)
      %dma_wait3A_247 = arith.constant 0 : i32
      %dma_wait3A_248 = tpu.memref_slice %arg6[%arg0, %add3A_80, %dma_wait3A_247] : memref<2x10240x128xf32, #tpu.memory_space<hbm>> -> memref<1x128x128xf32, #tpu.memory_space<hbm>>
      %dma_wait3A_249 = tpu.memref_squeeze %dma_wait3A_248 : memref<1x128x128xf32, #tpu.memory_space<hbm>> -> memref<128x128xf32, #tpu.memory_space<hbm>>
      %dma_wait3A_250 = arith.constant 0 : i32
      %dma_wait3A_251 = tpu.memref_slice %arg6[%arg0, %add3A_80, %dma_wait3A_250] : memref<2x10240x128xf32, #tpu.memory_space<hbm>> -> memref<1x128x128xf32, #tpu.memory_space<hbm>>
      %dma_wait3A_252 = tpu.memref_squeeze %dma_wait3A_251 : memref<1x128x128xf32, #tpu.memory_space<hbm>> -> memref<128x128xf32, #tpu.memory_space<hbm>>
      tpu.wait_dma2 semaphore(%run_scoped3A : memref<!tpu.dma_semaphore, #tpu.memory_space<semaphore_mem>>) src(%arg9 : memref<128x128xf32, #tpu.memory_space<vmem>>) dst(%dma_wait3A_252 : memref<128x128xf32, #tpu.memory_space<hbm>>)
      tpu.yield
    }) : () -> ()
    %add3A_81 = arith.constant 256 : i32
    %add3A_82 = arith.addi %mul3A_2, %add3A_81 : i32
    %dma_start3A_83 = arith.constant 0 : i32
    %dma_start3A_84 = tpu.memref_slice %arg11[%add3A_82, %dma_start3A_83] : memref<10240x128xf32, #tpu.memory_space<vmem_shared>> -> memref<128x128xf32, #tpu.memory_space<vmem_shared>>
    %dma_start3A_85 = arith.constant 0 : i32
    %dma_start3A_86 = tpu.memref_slice %arg11[%add3A_82, %dma_start3A_85] : memref<10240x128xf32, #tpu.memory_space<vmem_shared>> -> memref<128x128xf32, #tpu.memory_space<vmem_shared>>
    tpu.enqueue_dma source(%dma_start3A_86 : memref<128x128xf32, #tpu.memory_space<vmem_shared>>) target(%arg9 : memref<128x128xf32, #tpu.memory_space<vmem>>) target_semaphore(%arg12 : memref<!tpu.dma_semaphore, #tpu.memory_space<semaphore_mem>>)
    %dma_wait3A_87 = arith.constant 0 : i32
    %dma_wait3A_88 = tpu.memref_slice %arg11[%add3A_82, %dma_wait3A_87] : memref<10240x128xf32, #tpu.memory_space<vmem_shared>> -> memref<128x128xf32, #tpu.memory_space<vmem_shared>>
    %dma_wait3A_89 = arith.constant 0 : i32
    %dma_wait3A_90 = tpu.memref_slice %arg11[%add3A_82, %dma_wait3A_89] : memref<10240x128xf32, #tpu.memory_space<vmem_shared>> -> memref<128x128xf32, #tpu.memory_space<vmem_shared>>
    tpu.wait_dma2 semaphore(%arg12 : memref<!tpu.dma_semaphore, #tpu.memory_space<semaphore_mem>>) src(%dma_wait3A_90 : memref<128x128xf32, #tpu.memory_space<vmem_shared>>) dst(%arg9 : memref<128x128xf32, #tpu.memory_space<vmem>>)
    %add3A_91 = arith.constant 256 : i32
    %add3A_92 = arith.addi %mul3A_2, %add3A_91 : i32
    "tpu.region"() ({
      %run_scoped3A = tpu.sem_alloc : memref<!tpu.dma_semaphore, #tpu.memory_space<semaphore_mem>>
      %dma_start3A_241 = arith.constant 0 : i32
      %dma_start3A_242 = tpu.memref_slice %arg6[%arg0, %add3A_92, %dma_start3A_241] : memref<2x10240x128xf32, #tpu.memory_space<hbm>> -> memref<1x128x128xf32, #tpu.memory_space<hbm>>
      %dma_start3A_243 = tpu.memref_squeeze %dma_start3A_242 : memref<1x128x128xf32, #tpu.memory_space<hbm>> -> memref<128x128xf32, #tpu.memory_space<hbm>>
      %dma_start3A_244 = arith.constant 0 : i32
      %dma_start3A_245 = tpu.memref_slice %arg6[%arg0, %add3A_92, %dma_start3A_244] : memref<2x10240x128xf32, #tpu.memory_space<hbm>> -> memref<1x128x128xf32, #tpu.memory_space<hbm>>
      %dma_start3A_246 = tpu.memref_squeeze %dma_start3A_245 : memref<1x128x128xf32, #tpu.memory_space<hbm>> -> memref<128x128xf32, #tpu.memory_space<hbm>>
      tpu.enqueue_dma source(%arg9 : memref<128x128xf32, #tpu.memory_space<vmem>>) target(%dma_start3A_246 : memref<128x128xf32, #tpu.memory_space<hbm>>) target_semaphore(%run_scoped3A : memref<!tpu.dma_semaphore, #tpu.memory_space<semaphore_mem>>)
      %dma_wait3A_247 = arith.constant 0 : i32
      %dma_wait3A_248 = tpu.memref_slice %arg6[%arg0, %add3A_92, %dma_wait3A_247] : memref<2x10240x128xf32, #tpu.memory_space<hbm>> -> memref<1x128x128xf32, #tpu.memory_space<hbm>>
      %dma_wait3A_249 = tpu.memref_squeeze %dma_wait3A_248 : memref<1x128x128xf32, #tpu.memory_space<hbm>> -> memref<128x128xf32, #tpu.memory_space<hbm>>
      %dma_wait3A_250 = arith.constant 0 : i32
      %dma_wait3A_251 = tpu.memref_slice %arg6[%arg0, %add3A_92, %dma_wait3A_250] : memref<2x10240x128xf32, #tpu.memory_space<hbm>> -> memref<1x128x128xf32, #tpu.memory_space<hbm>>
      %dma_wait3A_252 = tpu.memref_squeeze %dma_wait3A_251 : memref<1x128x128xf32, #tpu.memory_space<hbm>> -> memref<128x128xf32, #tpu.memory_space<hbm>>
      tpu.wait_dma2 semaphore(%run_scoped3A : memref<!tpu.dma_semaphore, #tpu.memory_space<semaphore_mem>>) src(%arg9 : memref<128x128xf32, #tpu.memory_space<vmem>>) dst(%dma_wait3A_252 : memref<128x128xf32, #tpu.memory_space<hbm>>)
      tpu.yield
    }) : () -> ()
    %add3A_93 = arith.constant 384 : i32
    %add3A_94 = arith.addi %mul3A_2, %add3A_93 : i32
    %dma_start3A_95 = arith.constant 0 : i32
    %dma_start3A_96 = tpu.memref_slice %arg11[%add3A_94, %dma_start3A_95] : memref<10240x128xf32, #tpu.memory_space<vmem_shared>> -> memref<128x128xf32, #tpu.memory_space<vmem_shared>>
    %dma_start3A_97 = arith.constant 0 : i32
    %dma_start3A_98 = tpu.memref_slice %arg11[%add3A_94, %dma_start3A_97] : memref<10240x128xf32, #tpu.memory_space<vmem_shared>> -> memref<128x128xf32, #tpu.memory_space<vmem_shared>>
    tpu.enqueue_dma source(%dma_start3A_98 : memref<128x128xf32, #tpu.memory_space<vmem_shared>>) target(%arg9 : memref<128x128xf32, #tpu.memory_space<vmem>>) target_semaphore(%arg12 : memref<!tpu.dma_semaphore, #tpu.memory_space<semaphore_mem>>)
    %dma_wait3A_99 = arith.constant 0 : i32
    %dma_wait3A_100 = tpu.memref_slice %arg11[%add3A_94, %dma_wait3A_99] : memref<10240x128xf32, #tpu.memory_space<vmem_shared>> -> memref<128x128xf32, #tpu.memory_space<vmem_shared>>
    %dma_wait3A_101 = arith.constant 0 : i32
    %dma_wait3A_102 = tpu.memref_slice %arg11[%add3A_94, %dma_wait3A_101] : memref<10240x128xf32, #tpu.memory_space<vmem_shared>> -> memref<128x128xf32, #tpu.memory_space<vmem_shared>>
    tpu.wait_dma2 semaphore(%arg12 : memref<!tpu.dma_semaphore, #tpu.memory_space<semaphore_mem>>) src(%dma_wait3A_102 : memref<128x128xf32, #tpu.memory_space<vmem_shared>>) dst(%arg9 : memref<128x128xf32, #tpu.memory_space<vmem>>)
    %add3A_103 = arith.constant 384 : i32
    %add3A_104 = arith.addi %mul3A_2, %add3A_103 : i32
    "tpu.region"() ({
      %run_scoped3A = tpu.sem_alloc : memref<!tpu.dma_semaphore, #tpu.memory_space<semaphore_mem>>
      %dma_start3A_241 = arith.constant 0 : i32
      %dma_start3A_242 = tpu.memref_slice %arg6[%arg0, %add3A_104, %dma_start3A_241] : memref<2x10240x128xf32, #tpu.memory_space<hbm>> -> memref<1x128x128xf32, #tpu.memory_space<hbm>>
      %dma_start3A_243 = tpu.memref_squeeze %dma_start3A_242 : memref<1x128x128xf32, #tpu.memory_space<hbm>> -> memref<128x128xf32, #tpu.memory_space<hbm>>
      %dma_start3A_244 = arith.constant 0 : i32
      %dma_start3A_245 = tpu.memref_slice %arg6[%arg0, %add3A_104, %dma_start3A_244] : memref<2x10240x128xf32, #tpu.memory_space<hbm>> -> memref<1x128x128xf32, #tpu.memory_space<hbm>>
      %dma_start3A_246 = tpu.memref_squeeze %dma_start3A_245 : memref<1x128x128xf32, #tpu.memory_space<hbm>> -> memref<128x128xf32, #tpu.memory_space<hbm>>
      tpu.enqueue_dma source(%arg9 : memref<128x128xf32, #tpu.memory_space<vmem>>) target(%dma_start3A_246 : memref<128x128xf32, #tpu.memory_space<hbm>>) target_semaphore(%run_scoped3A : memref<!tpu.dma_semaphore, #tpu.memory_space<semaphore_mem>>)
      %dma_wait3A_247 = arith.constant 0 : i32
      %dma_wait3A_248 = tpu.memref_slice %arg6[%arg0, %add3A_104, %dma_wait3A_247] : memref<2x10240x128xf32, #tpu.memory_space<hbm>> -> memref<1x128x128xf32, #tpu.memory_space<hbm>>
      %dma_wait3A_249 = tpu.memref_squeeze %dma_wait3A_248 : memref<1x128x128xf32, #tpu.memory_space<hbm>> -> memref<128x128xf32, #tpu.memory_space<hbm>>
      %dma_wait3A_250 = arith.constant 0 : i32
      %dma_wait3A_251 = tpu.memref_slice %arg6[%arg0, %add3A_104, %dma_wait3A_250] : memref<2x10240x128xf32, #tpu.memory_space<hbm>> -> memref<1x128x128xf32, #tpu.memory_space<hbm>>
      %dma_wait3A_252 = tpu.memref_squeeze %dma_wait3A_251 : memref<1x128x128xf32, #tpu.memory_space<hbm>> -> memref<128x128xf32, #tpu.memory_space<hbm>>
      tpu.wait_dma2 semaphore(%run_scoped3A : memref<!tpu.dma_semaphore, #tpu.memory_space<semaphore_mem>>) src(%arg9 : memref<128x128xf32, #tpu.memory_space<vmem>>) dst(%dma_wait3A_252 : memref<128x128xf32, #tpu.memory_space<hbm>>)
      tpu.yield
    }) : () -> ()
    %add3A_105 = arith.constant 512 : i32
    %add3A_106 = arith.addi %mul3A_2, %add3A_105 : i32
    %dma_start3A_107 = arith.constant 0 : i32
    %dma_start3A_108 = tpu.memref_slice %arg11[%add3A_106, %dma_start3A_107] : memref<10240x128xf32, #tpu.memory_space<vmem_shared>> -> memref<128x128xf32, #tpu.memory_space<vmem_shared>>
    %dma_start3A_109 = arith.constant 0 : i32
    %dma_start3A_110 = tpu.memref_slice %arg11[%add3A_106, %dma_start3A_109] : memref<10240x128xf32, #tpu.memory_space<vmem_shared>> -> memref<128x128xf32, #tpu.memory_space<vmem_shared>>
    tpu.enqueue_dma source(%dma_start3A_110 : memref<128x128xf32, #tpu.memory_space<vmem_shared>>) target(%arg9 : memref<128x128xf32, #tpu.memory_space<vmem>>) target_semaphore(%arg12 : memref<!tpu.dma_semaphore, #tpu.memory_space<semaphore_mem>>)
    %dma_wait3A_111 = arith.constant 0 : i32
    %dma_wait3A_112 = tpu.memref_slice %arg11[%add3A_106, %dma_wait3A_111] : memref<10240x128xf32, #tpu.memory_space<vmem_shared>> -> memref<128x128xf32, #tpu.memory_space<vmem_shared>>
    %dma_wait3A_113 = arith.constant 0 : i32
    %dma_wait3A_114 = tpu.memref_slice %arg11[%add3A_106, %dma_wait3A_113] : memref<10240x128xf32, #tpu.memory_space<vmem_shared>> -> memref<128x128xf32, #tpu.memory_space<vmem_shared>>
    tpu.wait_dma2 semaphore(%arg12 : memref<!tpu.dma_semaphore, #tpu.memory_space<semaphore_mem>>) src(%dma_wait3A_114 : memref<128x128xf32, #tpu.memory_space<vmem_shared>>) dst(%arg9 : memref<128x128xf32, #tpu.memory_space<vmem>>)
    %add3A_115 = arith.constant 512 : i32
    %add3A_116 = arith.addi %mul3A_2, %add3A_115 : i32
    "tpu.region"() ({
      %run_scoped3A = tpu.sem_alloc : memref<!tpu.dma_semaphore, #tpu.memory_space<semaphore_mem>>
      %dma_start3A_241 = arith.constant 0 : i32
      %dma_start3A_242 = tpu.memref_slice %arg6[%arg0, %add3A_116, %dma_start3A_241] : memref<2x10240x128xf32, #tpu.memory_space<hbm>> -> memref<1x128x128xf32, #tpu.memory_space<hbm>>
      %dma_start3A_243 = tpu.memref_squeeze %dma_start3A_242 : memref<1x128x128xf32, #tpu.memory_space<hbm>> -> memref<128x128xf32, #tpu.memory_space<hbm>>
      %dma_start3A_244 = arith.constant 0 : i32
      %dma_start3A_245 = tpu.memref_slice %arg6[%arg0, %add3A_116, %dma_start3A_244] : memref<2x10240x128xf32, #tpu.memory_space<hbm>> -> memref<1x128x128xf32, #tpu.memory_space<hbm>>
      %dma_start3A_246 = tpu.memref_squeeze %dma_start3A_245 : memref<1x128x128xf32, #tpu.memory_space<hbm>> -> memref<128x128xf32, #tpu.memory_space<hbm>>
      tpu.enqueue_dma source(%arg9 : memref<128x128xf32, #tpu.memory_space<vmem>>) target(%dma_start3A_246 : memref<128x128xf32, #tpu.memory_space<hbm>>) target_semaphore(%run_scoped3A : memref<!tpu.dma_semaphore, #tpu.memory_space<semaphore_mem>>)
      %dma_wait3A_247 = arith.constant 0 : i32
      %dma_wait3A_248 = tpu.memref_slice %arg6[%arg0, %add3A_116, %dma_wait3A_247] : memref<2x10240x128xf32, #tpu.memory_space<hbm>> -> memref<1x128x128xf32, #tpu.memory_space<hbm>>
      %dma_wait3A_249 = tpu.memref_squeeze %dma_wait3A_248 : memref<1x128x128xf32, #tpu.memory_space<hbm>> -> memref<128x128xf32, #tpu.memory_space<hbm>>
      %dma_wait3A_250 = arith.constant 0 : i32
      %dma_wait3A_251 = tpu.memref_slice %arg6[%arg0, %add3A_116, %dma_wait3A_250] : memref<2x10240x128xf32, #tpu.memory_space<hbm>> -> memref<1x128x128xf32, #tpu.memory_space<hbm>>
      %dma_wait3A_252 = tpu.memref_squeeze %dma_wait3A_251 : memref<1x128x128xf32, #tpu.memory_space<hbm>> -> memref<128x128xf32, #tpu.memory_space<hbm>>
      tpu.wait_dma2 semaphore(%run_scoped3A : memref<!tpu.dma_semaphore, #tpu.memory_space<semaphore_mem>>) src(%arg9 : memref<128x128xf32, #tpu.memory_space<vmem>>) dst(%dma_wait3A_252 : memref<128x128xf32, #tpu.memory_space<hbm>>)
      tpu.yield
    }) : () -> ()
    %mul3A_117 = arith.constant 16 : i32
    %mul3A_118 = arith.muli %arg0, %mul3A_117 : i32
    %add3A_119 = arith.addi %mul3A_118, %arg1 : i32
    %mul3A_120 = arith.constant 640 : i32
    %mul3A_121 = arith.muli %arg1, %mul3A_120 : i32
    %barrier3A_122 = arith.constant 0 : index
    tpu.barrier barrier_id(%barrier3A_122)
    "tpu.region"() ({
      %run_scoped3A = tpu.sem_alloc : memref<!tpu.dma_semaphore, #tpu.memory_space<semaphore_mem>>
      tpu.enqueue_dma source(%arg4 : memref<128x128xf32, #tpu.memory_space<hbm>>) target(%arg9 : memref<128x128xf32, #tpu.memory_space<vmem>>) target_semaphore(%run_scoped3A : memref<!tpu.dma_semaphore, #tpu.memory_space<semaphore_mem>>)
      tpu.wait_dma2 semaphore(%run_scoped3A : memref<!tpu.dma_semaphore, #tpu.memory_space<semaphore_mem>>) src(%arg4 : memref<128x128xf32, #tpu.memory_space<hbm>>) dst(%arg9 : memref<128x128xf32, #tpu.memory_space<vmem>>)
      tpu.yield
    }) : () -> ()
    %add3A_123 = arith.constant 0 : i32
    %add3A_124 = arith.addi %mul3A_121, %add3A_123 : i32
    %dma_start3A_125 = arith.constant 0 : i32
    %dma_start3A_126 = tpu.memref_slice %arg11[%add3A_124, %dma_start3A_125] : memref<10240x128xf32, #tpu.memory_space<vmem_shared>> -> memref<128x128xf32, #tpu.memory_space<vmem_shared>>
    %dma_start3A_127 = arith.constant 0 : i32
    %dma_start3A_128 = tpu.memref_slice %arg11[%add3A_124, %dma_start3A_127] : memref<10240x128xf32, #tpu.memory_space<vmem_shared>> -> memref<128x128xf32, #tpu.memory_space<vmem_shared>>
    tpu.enqueue_dma source(%arg9 : memref<128x128xf32, #tpu.memory_space<vmem>>) target(%dma_start3A_128 : memref<128x128xf32, #tpu.memory_space<vmem_shared>>) target_semaphore(%arg12 : memref<!tpu.dma_semaphore, #tpu.memory_space<semaphore_mem>>)
    %dma_wait3A_129 = arith.constant 0 : i32
    %dma_wait3A_130 = tpu.memref_slice %arg11[%add3A_124, %dma_wait3A_129] : memref<10240x128xf32, #tpu.memory_space<vmem_shared>> -> memref<128x128xf32, #tpu.memory_space<vmem_shared>>
    %dma_wait3A_131 = arith.constant 0 : i32
    %dma_wait3A_132 = tpu.memref_slice %arg11[%add3A_124, %dma_wait3A_131] : memref<10240x128xf32, #tpu.memory_space<vmem_shared>> -> memref<128x128xf32, #tpu.memory_space<vmem_shared>>
    tpu.wait_dma2 semaphore(%arg12 : memref<!tpu.dma_semaphore, #tpu.memory_space<semaphore_mem>>) src(%arg9 : memref<128x128xf32, #tpu.memory_space<vmem>>) dst(%dma_wait3A_132 : memref<128x128xf32, #tpu.memory_space<vmem_shared>>)
    %add3A_133 = arith.constant 128 : i32
    %add3A_134 = arith.addi %mul3A_121, %add3A_133 : i32
    %dma_start3A_135 = arith.constant 0 : i32
    %dma_start3A_136 = tpu.memref_slice %arg11[%add3A_134, %dma_start3A_135] : memref<10240x128xf32, #tpu.memory_space<vmem_shared>> -> memref<128x128xf32, #tpu.memory_space<vmem_shared>>
    %dma_start3A_137 = arith.constant 0 : i32
    %dma_start3A_138 = tpu.memref_slice %arg11[%add3A_134, %dma_start3A_137] : memref<10240x128xf32, #tpu.memory_space<vmem_shared>> -> memref<128x128xf32, #tpu.memory_space<vmem_shared>>
    tpu.enqueue_dma source(%arg9 : memref<128x128xf32, #tpu.memory_space<vmem>>) target(%dma_start3A_138 : memref<128x128xf32, #tpu.memory_space<vmem_shared>>) target_semaphore(%arg12 : memref<!tpu.dma_semaphore, #tpu.memory_space<semaphore_mem>>)
    %dma_wait3A_139 = arith.constant 0 : i32
    %dma_wait3A_140 = tpu.memref_slice %arg11[%add3A_134, %dma_wait3A_139] : memref<10240x128xf32, #tpu.memory_space<vmem_shared>> -> memref<128x128xf32, #tpu.memory_space<vmem_shared>>
    %dma_wait3A_141 = arith.constant 0 : i32
    %dma_wait3A_142 = tpu.memref_slice %arg11[%add3A_134, %dma_wait3A_141] : memref<10240x128xf32, #tpu.memory_space<vmem_shared>> -> memref<128x128xf32, #tpu.memory_space<vmem_shared>>
    tpu.wait_dma2 semaphore(%arg12 : memref<!tpu.dma_semaphore, #tpu.memory_space<semaphore_mem>>) src(%arg9 : memref<128x128xf32, #tpu.memory_space<vmem>>) dst(%dma_wait3A_142 : memref<128x128xf32, #tpu.memory_space<vmem_shared>>)
    %add3A_143 = arith.constant 256 : i32
    %add3A_144 = arith.addi %mul3A_121, %add3A_143 : i32
    %dma_start3A_145 = arith.constant 0 : i32
    %dma_start3A_146 = tpu.memref_slice %arg11[%add3A_144, %dma_start3A_145] : memref<10240x128xf32, #tpu.memory_space<vmem_shared>> -> memref<128x128xf32, #tpu.memory_space<vmem_shared>>
    %dma_start3A_147 = arith.constant 0 : i32
    %dma_start3A_148 = tpu.memref_slice %arg11[%add3A_144, %dma_start3A_147] : memref<10240x128xf32, #tpu.memory_space<vmem_shared>> -> memref<128x128xf32, #tpu.memory_space<vmem_shared>>
    tpu.enqueue_dma source(%arg9 : memref<128x128xf32, #tpu.memory_space<vmem>>) target(%dma_start3A_148 : memref<128x128xf32, #tpu.memory_space<vmem_shared>>) target_semaphore(%arg12 : memref<!tpu.dma_semaphore, #tpu.memory_space<semaphore_mem>>)
    %dma_wait3A_149 = arith.constant 0 : i32
    %dma_wait3A_150 = tpu.memref_slice %arg11[%add3A_144, %dma_wait3A_149] : memref<10240x128xf32, #tpu.memory_space<vmem_shared>> -> memref<128x128xf32, #tpu.memory_space<vmem_shared>>
    %dma_wait3A_151 = arith.constant 0 : i32
    %dma_wait3A_152 = tpu.memref_slice %arg11[%add3A_144, %dma_wait3A_151] : memref<10240x128xf32, #tpu.memory_space<vmem_shared>> -> memref<128x128xf32, #tpu.memory_space<vmem_shared>>
    tpu.wait_dma2 semaphore(%arg12 : memref<!tpu.dma_semaphore, #tpu.memory_space<semaphore_mem>>) src(%arg9 : memref<128x128xf32, #tpu.memory_space<vmem>>) dst(%dma_wait3A_152 : memref<128x128xf32, #tpu.memory_space<vmem_shared>>)
    %add3A_153 = arith.constant 384 : i32
    %add3A_154 = arith.addi %mul3A_121, %add3A_153 : i32
    %dma_start3A_155 = arith.constant 0 : i32
    %dma_start3A_156 = tpu.memref_slice %arg11[%add3A_154, %dma_start3A_155] : memref<10240x128xf32, #tpu.memory_space<vmem_shared>> -> memref<128x128xf32, #tpu.memory_space<vmem_shared>>
    %dma_start3A_157 = arith.constant 0 : i32
    %dma_start3A_158 = tpu.memref_slice %arg11[%add3A_154, %dma_start3A_157] : memref<10240x128xf32, #tpu.memory_space<vmem_shared>> -> memref<128x128xf32, #tpu.memory_space<vmem_shared>>
    tpu.enqueue_dma source(%arg9 : memref<128x128xf32, #tpu.memory_space<vmem>>) target(%dma_start3A_158 : memref<128x128xf32, #tpu.memory_space<vmem_shared>>) target_semaphore(%arg12 : memref<!tpu.dma_semaphore, #tpu.memory_space<semaphore_mem>>)
    %dma_wait3A_159 = arith.constant 0 : i32
    %dma_wait3A_160 = tpu.memref_slice %arg11[%add3A_154, %dma_wait3A_159] : memref<10240x128xf32, #tpu.memory_space<vmem_shared>> -> memref<128x128xf32, #tpu.memory_space<vmem_shared>>
    %dma_wait3A_161 = arith.constant 0 : i32
    %dma_wait3A_162 = tpu.memref_slice %arg11[%add3A_154, %dma_wait3A_161] : memref<10240x128xf32, #tpu.memory_space<vmem_shared>> -> memref<128x128xf32, #tpu.memory_space<vmem_shared>>
    tpu.wait_dma2 semaphore(%arg12 : memref<!tpu.dma_semaphore, #tpu.memory_space<semaphore_mem>>) src(%arg9 : memref<128x128xf32, #tpu.memory_space<vmem>>) dst(%dma_wait3A_162 : memref<128x128xf32, #tpu.memory_space<vmem_shared>>)
    %add3A_163 = arith.constant 512 : i32
    %add3A_164 = arith.addi %mul3A_121, %add3A_163 : i32
    %dma_start3A_165 = arith.constant 0 : i32
    %dma_start3A_166 = tpu.memref_slice %arg11[%add3A_164, %dma_start3A_165] : memref<10240x128xf32, #tpu.memory_space<vmem_shared>> -> memref<128x128xf32, #tpu.memory_space<vmem_shared>>
    %dma_start3A_167 = arith.constant 0 : i32
    %dma_start3A_168 = tpu.memref_slice %arg11[%add3A_164, %dma_start3A_167] : memref<10240x128xf32, #tpu.memory_space<vmem_shared>> -> memref<128x128xf32, #tpu.memory_space<vmem_shared>>
    tpu.enqueue_dma source(%arg9 : memref<128x128xf32, #tpu.memory_space<vmem>>) target(%dma_start3A_168 : memref<128x128xf32, #tpu.memory_space<vmem_shared>>) target_semaphore(%arg12 : memref<!tpu.dma_semaphore, #tpu.memory_space<semaphore_mem>>)
    %dma_wait3A_169 = arith.constant 0 : i32
    %dma_wait3A_170 = tpu.memref_slice %arg11[%add3A_164, %dma_wait3A_169] : memref<10240x128xf32, #tpu.memory_space<vmem_shared>> -> memref<128x128xf32, #tpu.memory_space<vmem_shared>>
    %dma_wait3A_171 = arith.constant 0 : i32
    %dma_wait3A_172 = tpu.memref_slice %arg11[%add3A_164, %dma_wait3A_171] : memref<10240x128xf32, #tpu.memory_space<vmem_shared>> -> memref<128x128xf32, #tpu.memory_space<vmem_shared>>
    tpu.wait_dma2 semaphore(%arg12 : memref<!tpu.dma_semaphore, #tpu.memory_space<semaphore_mem>>) src(%arg9 : memref<128x128xf32, #tpu.memory_space<vmem>>) dst(%dma_wait3A_172 : memref<128x128xf32, #tpu.memory_space<vmem_shared>>)
    "tpu.region"() ({
      %run_scoped3A = tpu.sem_alloc : memref<!tpu.dma_semaphore, #tpu.memory_space<semaphore_mem>>
      tpu.enqueue_dma source(%arg5 : memref<128x128xf32, #tpu.memory_space<hbm>>) target(%arg10 : memref<128x128xf32, #tpu.memory_space<vmem>>) target_semaphore(%run_scoped3A : memref<!tpu.dma_semaphore, #tpu.memory_space<semaphore_mem>>)
      tpu.wait_dma2 semaphore(%run_scoped3A : memref<!tpu.dma_semaphore, #tpu.memory_space<semaphore_mem>>) src(%arg5 : memref<128x128xf32, #tpu.memory_space<hbm>>) dst(%arg10 : memref<128x128xf32, #tpu.memory_space<vmem>>)
      tpu.yield
    }) : () -> ()
    %barrier3A_173 = arith.constant 0 : index
    tpu.barrier barrier_id(%barrier3A_173)
    %scan3A_174 = arith.constant 0 : i32
    %scan3A_175 = arith.constant 0 : i32
    %scan3A_176 = arith.constant 2 : i32
    %scan3A_177 = arith.addi %scan3A_175, %scan3A_176 : i32
    %scan3A_178 = arith.constant 1 : i32
    scf.for %scan3A_241 = %scan3A_175 to %scan3A_177 step %scan3A_178  : i32 {
      %mul3A_242 = arith.constant 80 : i32
      %mul3A_243 = arith.muli %scan3A_241, %mul3A_242 : i32
      "tpu.region"() ({
        %run_scoped3A = tpu.sem_alloc : memref<!tpu.dma_semaphore, #tpu.memory_space<semaphore_mem>>
        %dma_start3A_250 = arith.constant 0 : i32
        %dma_start3A_251 = tpu.memref_slice %arg3[%add3A_119, %mul3A_243, %dma_start3A_250] : memref<32x160x128xi32, #tpu.memory_space<hbm>> -> memref<1x80x128xi32, #tpu.memory_space<hbm>>
        %dma_start3A_252 = tpu.memref_squeeze %dma_start3A_251 : memref<1x80x128xi32, #tpu.memory_space<hbm>> -> memref<80x128xi32, #tpu.memory_space<hbm>>
        %dma_start3A_253 = arith.constant 0 : i32
        %dma_start3A_254 = tpu.memref_slice %arg3[%add3A_119, %mul3A_243, %dma_start3A_253] : memref<32x160x128xi32, #tpu.memory_space<hbm>> -> memref<1x80x128xi32, #tpu.memory_space<hbm>>
        %dma_start3A_255 = tpu.memref_squeeze %dma_start3A_254 : memref<1x80x128xi32, #tpu.memory_space<hbm>> -> memref<80x128xi32, #tpu.memory_space<hbm>>
        tpu.enqueue_dma source(%dma_start3A_255 : memref<80x128xi32, #tpu.memory_space<hbm>>) target(%arg8 : memref<80x128xi32, #tpu.memory_space<vmem>>) target_semaphore(%run_scoped3A : memref<!tpu.dma_semaphore, #tpu.memory_space<semaphore_mem>>)
        %dma_wait3A_256 = arith.constant 0 : i32
        %dma_wait3A_257 = tpu.memref_slice %arg3[%add3A_119, %mul3A_243, %dma_wait3A_256] : memref<32x160x128xi32, #tpu.memory_space<hbm>> -> memref<1x80x128xi32, #tpu.memory_space<hbm>>
        %dma_wait3A_258 = tpu.memref_squeeze %dma_wait3A_257 : memref<1x80x128xi32, #tpu.memory_space<hbm>> -> memref<80x128xi32, #tpu.memory_space<hbm>>
        %dma_wait3A_259 = arith.constant 0 : i32
        %dma_wait3A_260 = tpu.memref_slice %arg3[%add3A_119, %mul3A_243, %dma_wait3A_259] : memref<32x160x128xi32, #tpu.memory_space<hbm>> -> memref<1x80x128xi32, #tpu.memory_space<hbm>>
        %dma_wait3A_261 = tpu.memref_squeeze %dma_wait3A_260 : memref<1x80x128xi32, #tpu.memory_space<hbm>> -> memref<80x128xi32, #tpu.memory_space<hbm>>
        tpu.wait_dma2 semaphore(%run_scoped3A : memref<!tpu.dma_semaphore, #tpu.memory_space<semaphore_mem>>) src(%dma_wait3A_261 : memref<80x128xi32, #tpu.memory_space<hbm>>) dst(%arg8 : memref<80x128xi32, #tpu.memory_space<vmem>>)
        tpu.yield
      }) : () -> ()
      %scan3A_244 = arith.constant 0 : i32
      %scan3A_245 = arith.constant 0 : i32
      %scan3A_246 = arith.constant 40 : i32
      %scan3A_247 = arith.addi %scan3A_245, %scan3A_246 : i32
      %scan3A_248 = arith.constant 1 : i32
      scf.for %scan3A_250 = %scan3A_245 to %scan3A_247 step %scan3A_248  : i32 {
        %mul3A_251 = arith.constant 2 : i32
        %mul3A_252 = arith.muli %mul3A_251, %scan3A_250 : i32
        %add3A_253 = arith.constant 1 : i32
        %add3A_254 = arith.addi %mul3A_252, %add3A_253 : i32
        %dma_start3A_255 = arith.constant 0 : i32
        %dma_start3A_256 = tpu.memref_slice %arg8[%add3A_254, %dma_start3A_255] : memref<80x128xi32, #tpu.memory_space<vmem>> -> memref<1x128xi32, #tpu.memory_space<vmem>>
        %dma_start3A_257 = tpu.memref_squeeze %dma_start3A_256 : memref<1x128xi32, #tpu.memory_space<vmem>> -> memref<128xi32, #tpu.memory_space<vmem>>
        %dma_start3A_258 = arith.constant 0 : i32
        %dma_start3A_259 = arith.constant 0 : i32
        %dma_start3A_260 = tpu.memref_slice %arg11[%dma_start3A_258, %dma_start3A_259] : memref<10240x128xf32, #tpu.memory_space<vmem_shared>> -> memref<10240x128xf32, #tpu.memory_space<vmem_shared>>
        tpu.enqueue_indirect_dma source(%arg10 : memref<128x128xf32, #tpu.memory_space<vmem>>) target(%dma_start3A_260 : memref<10240x128xf32, #tpu.memory_space<vmem_shared>>) offsets(%dma_start3A_257 : memref<128xi32, #tpu.memory_space<vmem>>) semaphore(%arg14 : memref<!tpu.dma_semaphore, #tpu.memory_space<semaphore_mem>>) {add = true}
        %dma_wait3A_261 = arith.constant 0 : i32
        %dma_wait3A_262 = tpu.memref_slice %arg8[%add3A_254, %dma_wait3A_261] : memref<80x128xi32, #tpu.memory_space<vmem>> -> memref<1x128xi32, #tpu.memory_space<vmem>>
        %dma_wait3A_263 = tpu.memref_squeeze %dma_wait3A_262 : memref<1x128xi32, #tpu.memory_space<vmem>> -> memref<128xi32, #tpu.memory_space<vmem>>
        %dma_wait3A_264 = arith.constant 0 : i32
        %dma_wait3A_265 = arith.constant 0 : i32
        %dma_wait3A_266 = tpu.memref_slice %arg11[%dma_wait3A_264, %dma_wait3A_265] : memref<10240x128xf32, #tpu.memory_space<vmem_shared>> -> memref<10240x128xf32, #tpu.memory_space<vmem_shared>>
        tpu.wait_indirect_dma semaphore(%arg14 : memref<!tpu.dma_semaphore, #tpu.memory_space<semaphore_mem>>) src(%arg10 : memref<128x128xf32, #tpu.memory_space<vmem>>) dst(%dma_wait3A_266 : memref<10240x128xf32, #tpu.memory_space<vmem_shared>>)
      }
      %scan3A_249 = arith.constant 40 : i32
    }
    %scan3A_179 = arith.constant 2 : i32
    %barrier3A_180 = arith.constant 0 : index
    tpu.barrier barrier_id(%barrier3A_180)
    %add3A_181 = arith.constant 0 : i32
    %add3A_182 = arith.addi %mul3A_121, %add3A_181 : i32
    %dma_start3A_183 = arith.constant 0 : i32
    %dma_start3A_184 = tpu.memref_slice %arg11[%add3A_182, %dma_start3A_183] : memref<10240x128xf32, #tpu.memory_space<vmem_shared>> -> memref<128x128xf32, #tpu.memory_space<vmem_shared>>
    %dma_start3A_185 = arith.constant 0 : i32
    %dma_start3A_186 = tpu.memref_slice %arg11[%add3A_182, %dma_start3A_185] : memref<10240x128xf32, #tpu.memory_space<vmem_shared>> -> memref<128x128xf32, #tpu.memory_space<vmem_shared>>
    tpu.enqueue_dma source(%dma_start3A_186 : memref<128x128xf32, #tpu.memory_space<vmem_shared>>) target(%arg9 : memref<128x128xf32, #tpu.memory_space<vmem>>) target_semaphore(%arg12 : memref<!tpu.dma_semaphore, #tpu.memory_space<semaphore_mem>>)
    %dma_wait3A_187 = arith.constant 0 : i32
    %dma_wait3A_188 = tpu.memref_slice %arg11[%add3A_182, %dma_wait3A_187] : memref<10240x128xf32, #tpu.memory_space<vmem_shared>> -> memref<128x128xf32, #tpu.memory_space<vmem_shared>>
    %dma_wait3A_189 = arith.constant 0 : i32
    %dma_wait3A_190 = tpu.memref_slice %arg11[%add3A_182, %dma_wait3A_189] : memref<10240x128xf32, #tpu.memory_space<vmem_shared>> -> memref<128x128xf32, #tpu.memory_space<vmem_shared>>
    tpu.wait_dma2 semaphore(%arg12 : memref<!tpu.dma_semaphore, #tpu.memory_space<semaphore_mem>>) src(%dma_wait3A_190 : memref<128x128xf32, #tpu.memory_space<vmem_shared>>) dst(%arg9 : memref<128x128xf32, #tpu.memory_space<vmem>>)
    %add3A_191 = arith.constant 0 : i32
    %add3A_192 = arith.addi %mul3A_121, %add3A_191 : i32
    "tpu.region"() ({
      %run_scoped3A = tpu.sem_alloc : memref<!tpu.dma_semaphore, #tpu.memory_space<semaphore_mem>>
      %dma_start3A_241 = arith.constant 0 : i32
      %dma_start3A_242 = tpu.memref_slice %arg7[%arg0, %add3A_192, %dma_start3A_241] : memref<2x10240x128xf32, #tpu.memory_space<hbm>> -> memref<1x128x128xf32, #tpu.memory_space<hbm>>
      %dma_start3A_243 = tpu.memref_squeeze %dma_start3A_242 : memref<1x128x128xf32, #tpu.memory_space<hbm>> -> memref<128x128xf32, #tpu.memory_space<hbm>>
      %dma_start3A_244 = arith.constant 0 : i32
      %dma_start3A_245 = tpu.memref_slice %arg7[%arg0, %add3A_192, %dma_start3A_244] : memref<2x10240x128xf32, #tpu.memory_space<hbm>> -> memref<1x128x128xf32, #tpu.memory_space<hbm>>
      %dma_start3A_246 = tpu.memref_squeeze %dma_start3A_245 : memref<1x128x128xf32, #tpu.memory_space<hbm>> -> memref<128x128xf32, #tpu.memory_space<hbm>>
      tpu.enqueue_dma source(%arg9 : memref<128x128xf32, #tpu.memory_space<vmem>>) target(%dma_start3A_246 : memref<128x128xf32, #tpu.memory_space<hbm>>) target_semaphore(%run_scoped3A : memref<!tpu.dma_semaphore, #tpu.memory_space<semaphore_mem>>)
      %dma_wait3A_247 = arith.constant 0 : i32
      %dma_wait3A_248 = tpu.memref_slice %arg7[%arg0, %add3A_192, %dma_wait3A_247] : memref<2x10240x128xf32, #tpu.memory_space<hbm>> -> memref<1x128x128xf32, #tpu.memory_space<hbm>>
      %dma_wait3A_249 = tpu.memref_squeeze %dma_wait3A_248 : memref<1x128x128xf32, #tpu.memory_space<hbm>> -> memref<128x128xf32, #tpu.memory_space<hbm>>
      %dma_wait3A_250 = arith.constant 0 : i32
      %dma_wait3A_251 = tpu.memref_slice %arg7[%arg0, %add3A_192, %dma_wait3A_250] : memref<2x10240x128xf32, #tpu.memory_space<hbm>> -> memref<1x128x128xf32, #tpu.memory_space<hbm>>
      %dma_wait3A_252 = tpu.memref_squeeze %dma_wait3A_251 : memref<1x128x128xf32, #tpu.memory_space<hbm>> -> memref<128x128xf32, #tpu.memory_space<hbm>>
      tpu.wait_dma2 semaphore(%run_scoped3A : memref<!tpu.dma_semaphore, #tpu.memory_space<semaphore_mem>>) src(%arg9 : memref<128x128xf32, #tpu.memory_space<vmem>>) dst(%dma_wait3A_252 : memref<128x128xf32, #tpu.memory_space<hbm>>)
      tpu.yield
    }) : () -> ()
    %add3A_193 = arith.constant 128 : i32
    %add3A_194 = arith.addi %mul3A_121, %add3A_193 : i32
    %dma_start3A_195 = arith.constant 0 : i32
    %dma_start3A_196 = tpu.memref_slice %arg11[%add3A_194, %dma_start3A_195] : memref<10240x128xf32, #tpu.memory_space<vmem_shared>> -> memref<128x128xf32, #tpu.memory_space<vmem_shared>>
    %dma_start3A_197 = arith.constant 0 : i32
    %dma_start3A_198 = tpu.memref_slice %arg11[%add3A_194, %dma_start3A_197] : memref<10240x128xf32, #tpu.memory_space<vmem_shared>> -> memref<128x128xf32, #tpu.memory_space<vmem_shared>>
    tpu.enqueue_dma source(%dma_start3A_198 : memref<128x128xf32, #tpu.memory_space<vmem_shared>>) target(%arg9 : memref<128x128xf32, #tpu.memory_space<vmem>>) target_semaphore(%arg12 : memref<!tpu.dma_semaphore, #tpu.memory_space<semaphore_mem>>)
    %dma_wait3A_199 = arith.constant 0 : i32
    %dma_wait3A_200 = tpu.memref_slice %arg11[%add3A_194, %dma_wait3A_199] : memref<10240x128xf32, #tpu.memory_space<vmem_shared>> -> memref<128x128xf32, #tpu.memory_space<vmem_shared>>
    %dma_wait3A_201 = arith.constant 0 : i32
    %dma_wait3A_202 = tpu.memref_slice %arg11[%add3A_194, %dma_wait3A_201] : memref<10240x128xf32, #tpu.memory_space<vmem_shared>> -> memref<128x128xf32, #tpu.memory_space<vmem_shared>>
    tpu.wait_dma2 semaphore(%arg12 : memref<!tpu.dma_semaphore, #tpu.memory_space<semaphore_mem>>) src(%dma_wait3A_202 : memref<128x128xf32, #tpu.memory_space<vmem_shared>>) dst(%arg9 : memref<128x128xf32, #tpu.memory_space<vmem>>)
    %add3A_203 = arith.constant 128 : i32
    %add3A_204 = arith.addi %mul3A_121, %add3A_203 : i32
    "tpu.region"() ({
      %run_scoped3A = tpu.sem_alloc : memref<!tpu.dma_semaphore, #tpu.memory_space<semaphore_mem>>
      %dma_start3A_241 = arith.constant 0 : i32
      %dma_start3A_242 = tpu.memref_slice %arg7[%arg0, %add3A_204, %dma_start3A_241] : memref<2x10240x128xf32, #tpu.memory_space<hbm>> -> memref<1x128x128xf32, #tpu.memory_space<hbm>>
      %dma_start3A_243 = tpu.memref_squeeze %dma_start3A_242 : memref<1x128x128xf32, #tpu.memory_space<hbm>> -> memref<128x128xf32, #tpu.memory_space<hbm>>
      %dma_start3A_244 = arith.constant 0 : i32
      %dma_start3A_245 = tpu.memref_slice %arg7[%arg0, %add3A_204, %dma_start3A_244] : memref<2x10240x128xf32, #tpu.memory_space<hbm>> -> memref<1x128x128xf32, #tpu.memory_space<hbm>>
      %dma_start3A_246 = tpu.memref_squeeze %dma_start3A_245 : memref<1x128x128xf32, #tpu.memory_space<hbm>> -> memref<128x128xf32, #tpu.memory_space<hbm>>
      tpu.enqueue_dma source(%arg9 : memref<128x128xf32, #tpu.memory_space<vmem>>) target(%dma_start3A_246 : memref<128x128xf32, #tpu.memory_space<hbm>>) target_semaphore(%run_scoped3A : memref<!tpu.dma_semaphore, #tpu.memory_space<semaphore_mem>>)
      %dma_wait3A_247 = arith.constant 0 : i32
      %dma_wait3A_248 = tpu.memref_slice %arg7[%arg0, %add3A_204, %dma_wait3A_247] : memref<2x10240x128xf32, #tpu.memory_space<hbm>> -> memref<1x128x128xf32, #tpu.memory_space<hbm>>
      %dma_wait3A_249 = tpu.memref_squeeze %dma_wait3A_248 : memref<1x128x128xf32, #tpu.memory_space<hbm>> -> memref<128x128xf32, #tpu.memory_space<hbm>>
      %dma_wait3A_250 = arith.constant 0 : i32
      %dma_wait3A_251 = tpu.memref_slice %arg7[%arg0, %add3A_204, %dma_wait3A_250] : memref<2x10240x128xf32, #tpu.memory_space<hbm>> -> memref<1x128x128xf32, #tpu.memory_space<hbm>>
      %dma_wait3A_252 = tpu.memref_squeeze %dma_wait3A_251 : memref<1x128x128xf32, #tpu.memory_space<hbm>> -> memref<128x128xf32, #tpu.memory_space<hbm>>
      tpu.wait_dma2 semaphore(%run_scoped3A : memref<!tpu.dma_semaphore, #tpu.memory_space<semaphore_mem>>) src(%arg9 : memref<128x128xf32, #tpu.memory_space<vmem>>) dst(%dma_wait3A_252 : memref<128x128xf32, #tpu.memory_space<hbm>>)
      tpu.yield
    }) : () -> ()
    %add3A_205 = arith.constant 256 : i32
    %add3A_206 = arith.addi %mul3A_121, %add3A_205 : i32
    %dma_start3A_207 = arith.constant 0 : i32
    %dma_start3A_208 = tpu.memref_slice %arg11[%add3A_206, %dma_start3A_207] : memref<10240x128xf32, #tpu.memory_space<vmem_shared>> -> memref<128x128xf32, #tpu.memory_space<vmem_shared>>
    %dma_start3A_209 = arith.constant 0 : i32
    %dma_start3A_210 = tpu.memref_slice %arg11[%add3A_206, %dma_start3A_209] : memref<10240x128xf32, #tpu.memory_space<vmem_shared>> -> memref<128x128xf32, #tpu.memory_space<vmem_shared>>
    tpu.enqueue_dma source(%dma_start3A_210 : memref<128x128xf32, #tpu.memory_space<vmem_shared>>) target(%arg9 : memref<128x128xf32, #tpu.memory_space<vmem>>) target_semaphore(%arg12 : memref<!tpu.dma_semaphore, #tpu.memory_space<semaphore_mem>>)
    %dma_wait3A_211 = arith.constant 0 : i32
    %dma_wait3A_212 = tpu.memref_slice %arg11[%add3A_206, %dma_wait3A_211] : memref<10240x128xf32, #tpu.memory_space<vmem_shared>> -> memref<128x128xf32, #tpu.memory_space<vmem_shared>>
    %dma_wait3A_213 = arith.constant 0 : i32
    %dma_wait3A_214 = tpu.memref_slice %arg11[%add3A_206, %dma_wait3A_213] : memref<10240x128xf32, #tpu.memory_space<vmem_shared>> -> memref<128x128xf32, #tpu.memory_space<vmem_shared>>
    tpu.wait_dma2 semaphore(%arg12 : memref<!tpu.dma_semaphore, #tpu.memory_space<semaphore_mem>>) src(%dma_wait3A_214 : memref<128x128xf32, #tpu.memory_space<vmem_shared>>) dst(%arg9 : memref<128x128xf32, #tpu.memory_space<vmem>>)
    %add3A_215 = arith.constant 256 : i32
    %add3A_216 = arith.addi %mul3A_121, %add3A_215 : i32
    "tpu.region"() ({
      %run_scoped3A = tpu.sem_alloc : memref<!tpu.dma_semaphore, #tpu.memory_space<semaphore_mem>>
      %dma_start3A_241 = arith.constant 0 : i32
      %dma_start3A_242 = tpu.memref_slice %arg7[%arg0, %add3A_216, %dma_start3A_241] : memref<2x10240x128xf32, #tpu.memory_space<hbm>> -> memref<1x128x128xf32, #tpu.memory_space<hbm>>
      %dma_start3A_243 = tpu.memref_squeeze %dma_start3A_242 : memref<1x128x128xf32, #tpu.memory_space<hbm>> -> memref<128x128xf32, #tpu.memory_space<hbm>>
      %dma_start3A_244 = arith.constant 0 : i32
      %dma_start3A_245 = tpu.memref_slice %arg7[%arg0, %add3A_216, %dma_start3A_244] : memref<2x10240x128xf32, #tpu.memory_space<hbm>> -> memref<1x128x128xf32, #tpu.memory_space<hbm>>
      %dma_start3A_246 = tpu.memref_squeeze %dma_start3A_245 : memref<1x128x128xf32, #tpu.memory_space<hbm>> -> memref<128x128xf32, #tpu.memory_space<hbm>>
      tpu.enqueue_dma source(%arg9 : memref<128x128xf32, #tpu.memory_space<vmem>>) target(%dma_start3A_246 : memref<128x128xf32, #tpu.memory_space<hbm>>) target_semaphore(%run_scoped3A : memref<!tpu.dma_semaphore, #tpu.memory_space<semaphore_mem>>)
      %dma_wait3A_247 = arith.constant 0 : i32
      %dma_wait3A_248 = tpu.memref_slice %arg7[%arg0, %add3A_216, %dma_wait3A_247] : memref<2x10240x128xf32, #tpu.memory_space<hbm>> -> memref<1x128x128xf32, #tpu.memory_space<hbm>>
      %dma_wait3A_249 = tpu.memref_squeeze %dma_wait3A_248 : memref<1x128x128xf32, #tpu.memory_space<hbm>> -> memref<128x128xf32, #tpu.memory_space<hbm>>
      %dma_wait3A_250 = arith.constant 0 : i32
      %dma_wait3A_251 = tpu.memref_slice %arg7[%arg0, %add3A_216, %dma_wait3A_250] : memref<2x10240x128xf32, #tpu.memory_space<hbm>> -> memref<1x128x128xf32, #tpu.memory_space<hbm>>
      %dma_wait3A_252 = tpu.memref_squeeze %dma_wait3A_251 : memref<1x128x128xf32, #tpu.memory_space<hbm>> -> memref<128x128xf32, #tpu.memory_space<hbm>>
      tpu.wait_dma2 semaphore(%run_scoped3A : memref<!tpu.dma_semaphore, #tpu.memory_space<semaphore_mem>>) src(%arg9 : memref<128x128xf32, #tpu.memory_space<vmem>>) dst(%dma_wait3A_252 : memref<128x128xf32, #tpu.memory_space<hbm>>)
      tpu.yield
    }) : () -> ()
    %add3A_217 = arith.constant 384 : i32
    %add3A_218 = arith.addi %mul3A_121, %add3A_217 : i32
    %dma_start3A_219 = arith.constant 0 : i32
    %dma_start3A_220 = tpu.memref_slice %arg11[%add3A_218, %dma_start3A_219] : memref<10240x128xf32, #tpu.memory_space<vmem_shared>> -> memref<128x128xf32, #tpu.memory_space<vmem_shared>>
    %dma_start3A_221 = arith.constant 0 : i32
    %dma_start3A_222 = tpu.memref_slice %arg11[%add3A_218, %dma_start3A_221] : memref<10240x128xf32, #tpu.memory_space<vmem_shared>> -> memref<128x128xf32, #tpu.memory_space<vmem_shared>>
    tpu.enqueue_dma source(%dma_start3A_222 : memref<128x128xf32, #tpu.memory_space<vmem_shared>>) target(%arg9 : memref<128x128xf32, #tpu.memory_space<vmem>>) target_semaphore(%arg12 : memref<!tpu.dma_semaphore, #tpu.memory_space<semaphore_mem>>)
    %dma_wait3A_223 = arith.constant 0 : i32
    %dma_wait3A_224 = tpu.memref_slice %arg11[%add3A_218, %dma_wait3A_223] : memref<10240x128xf32, #tpu.memory_space<vmem_shared>> -> memref<128x128xf32, #tpu.memory_space<vmem_shared>>
    %dma_wait3A_225 = arith.constant 0 : i32
    %dma_wait3A_226 = tpu.memref_slice %arg11[%add3A_218, %dma_wait3A_225] : memref<10240x128xf32, #tpu.memory_space<vmem_shared>> -> memref<128x128xf32, #tpu.memory_space<vmem_shared>>
    tpu.wait_dma2 semaphore(%arg12 : memref<!tpu.dma_semaphore, #tpu.memory_space<semaphore_mem>>) src(%dma_wait3A_226 : memref<128x128xf32, #tpu.memory_space<vmem_shared>>) dst(%arg9 : memref<128x128xf32, #tpu.memory_space<vmem>>)
    %add3A_227 = arith.constant 384 : i32
    %add3A_228 = arith.addi %mul3A_121, %add3A_227 : i32
    "tpu.region"() ({
      %run_scoped3A = tpu.sem_alloc : memref<!tpu.dma_semaphore, #tpu.memory_space<semaphore_mem>>
      %dma_start3A_241 = arith.constant 0 : i32
      %dma_start3A_242 = tpu.memref_slice %arg7[%arg0, %add3A_228, %dma_start3A_241] : memref<2x10240x128xf32, #tpu.memory_space<hbm>> -> memref<1x128x128xf32, #tpu.memory_space<hbm>>
      %dma_start3A_243 = tpu.memref_squeeze %dma_start3A_242 : memref<1x128x128xf32, #tpu.memory_space<hbm>> -> memref<128x128xf32, #tpu.memory_space<hbm>>
      %dma_start3A_244 = arith.constant 0 : i32
      %dma_start3A_245 = tpu.memref_slice %arg7[%arg0, %add3A_228, %dma_start3A_244] : memref<2x10240x128xf32, #tpu.memory_space<hbm>> -> memref<1x128x128xf32, #tpu.memory_space<hbm>>
      %dma_start3A_246 = tpu.memref_squeeze %dma_start3A_245 : memref<1x128x128xf32, #tpu.memory_space<hbm>> -> memref<128x128xf32, #tpu.memory_space<hbm>>
      tpu.enqueue_dma source(%arg9 : memref<128x128xf32, #tpu.memory_space<vmem>>) target(%dma_start3A_246 : memref<128x128xf32, #tpu.memory_space<hbm>>) target_semaphore(%run_scoped3A : memref<!tpu.dma_semaphore, #tpu.memory_space<semaphore_mem>>)
      %dma_wait3A_247 = arith.constant 0 : i32
      %dma_wait3A_248 = tpu.memref_slice %arg7[%arg0, %add3A_228, %dma_wait3A_247] : memref<2x10240x128xf32, #tpu.memory_space<hbm>> -> memref<1x128x128xf32, #tpu.memory_space<hbm>>
      %dma_wait3A_249 = tpu.memref_squeeze %dma_wait3A_248 : memref<1x128x128xf32, #tpu.memory_space<hbm>> -> memref<128x128xf32, #tpu.memory_space<hbm>>
      %dma_wait3A_250 = arith.constant 0 : i32
      %dma_wait3A_251 = tpu.memref_slice %arg7[%arg0, %add3A_228, %dma_wait3A_250] : memref<2x10240x128xf32, #tpu.memory_space<hbm>> -> memref<1x128x128xf32, #tpu.memory_space<hbm>>
      %dma_wait3A_252 = tpu.memref_squeeze %dma_wait3A_251 : memref<1x128x128xf32, #tpu.memory_space<hbm>> -> memref<128x128xf32, #tpu.memory_space<hbm>>
      tpu.wait_dma2 semaphore(%run_scoped3A : memref<!tpu.dma_semaphore, #tpu.memory_space<semaphore_mem>>) src(%arg9 : memref<128x128xf32, #tpu.memory_space<vmem>>) dst(%dma_wait3A_252 : memref<128x128xf32, #tpu.memory_space<hbm>>)
      tpu.yield
    }) : () -> ()
    %add3A_229 = arith.constant 512 : i32
    %add3A_230 = arith.addi %mul3A_121, %add3A_229 : i32
    %dma_start3A_231 = arith.constant 0 : i32
    %dma_start3A_232 = tpu.memref_slice %arg11[%add3A_230, %dma_start3A_231] : memref<10240x128xf32, #tpu.memory_space<vmem_shared>> -> memref<128x128xf32, #tpu.memory_space<vmem_shared>>
    %dma_start3A_233 = arith.constant 0 : i32
    %dma_start3A_234 = tpu.memref_slice %arg11[%add3A_230, %dma_start3A_233] : memref<10240x128xf32, #tpu.memory_space<vmem_shared>> -> memref<128x128xf32, #tpu.memory_space<vmem_shared>>
    tpu.enqueue_dma source(%dma_start3A_234 : memref<128x128xf32, #tpu.memory_space<vmem_shared>>) target(%arg9 : memref<128x128xf32, #tpu.memory_space<vmem>>) target_semaphore(%arg12 : memref<!tpu.dma_semaphore, #tpu.memory_space<semaphore_mem>>)
    %dma_wait3A_235 = arith.constant 0 : i32
    %dma_wait3A_236 = tpu.memref_slice %arg11[%add3A_230, %dma_wait3A_235] : memref<10240x128xf32, #tpu.memory_space<vmem_shared>> -> memref<128x128xf32, #tpu.memory_space<vmem_shared>>
    %dma_wait3A_237 = arith.constant 0 : i32
    %dma_wait3A_238 = tpu.memref_slice %arg11[%add3A_230, %dma_wait3A_237] : memref<10240x128xf32, #tpu.memory_space<vmem_shared>> -> memref<128x128xf32, #tpu.memory_space<vmem_shared>>
    tpu.wait_dma2 semaphore(%arg12 : memref<!tpu.dma_semaphore, #tpu.memory_space<semaphore_mem>>) src(%dma_wait3A_238 : memref<128x128xf32, #tpu.memory_space<vmem_shared>>) dst(%arg9 : memref<128x128xf32, #tpu.memory_space<vmem>>)
    %add3A_239 = arith.constant 512 : i32
    %add3A_240 = arith.addi %mul3A_121, %add3A_239 : i32
    "tpu.region"() ({
      %run_scoped3A = tpu.sem_alloc : memref<!tpu.dma_semaphore, #tpu.memory_space<semaphore_mem>>
      %dma_start3A_241 = arith.constant 0 : i32
      %dma_start3A_242 = tpu.memref_slice %arg7[%arg0, %add3A_240, %dma_start3A_241] : memref<2x10240x128xf32, #tpu.memory_space<hbm>> -> memref<1x128x128xf32, #tpu.memory_space<hbm>>
      %dma_start3A_243 = tpu.memref_squeeze %dma_start3A_242 : memref<1x128x128xf32, #tpu.memory_space<hbm>> -> memref<128x128xf32, #tpu.memory_space<hbm>>
      %dma_start3A_244 = arith.constant 0 : i32
      %dma_start3A_245 = tpu.memref_slice %arg7[%arg0, %add3A_240, %dma_start3A_244] : memref<2x10240x128xf32, #tpu.memory_space<hbm>> -> memref<1x128x128xf32, #tpu.memory_space<hbm>>
      %dma_start3A_246 = tpu.memref_squeeze %dma_start3A_245 : memref<1x128x128xf32, #tpu.memory_space<hbm>> -> memref<128x128xf32, #tpu.memory_space<hbm>>
      tpu.enqueue_dma source(%arg9 : memref<128x128xf32, #tpu.memory_space<vmem>>) target(%dma_start3A_246 : memref<128x128xf32, #tpu.memory_space<hbm>>) target_semaphore(%run_scoped3A : memref<!tpu.dma_semaphore, #tpu.memory_space<semaphore_mem>>)
      %dma_wait3A_247 = arith.constant 0 : i32
      %dma_wait3A_248 = tpu.memref_slice %arg7[%arg0, %add3A_240, %dma_wait3A_247] : memref<2x10240x128xf32, #tpu.memory_space<hbm>> -> memref<1x128x128xf32, #tpu.memory_space<hbm>>
      %dma_wait3A_249 = tpu.memref_squeeze %dma_wait3A_248 : memref<1x128x128xf32, #tpu.memory_space<hbm>> -> memref<128x128xf32, #tpu.memory_space<hbm>>
      %dma_wait3A_250 = arith.constant 0 : i32
      %dma_wait3A_251 = tpu.memref_slice %arg7[%arg0, %add3A_240, %dma_wait3A_250] : memref<2x10240x128xf32, #tpu.memory_space<hbm>> -> memref<1x128x128xf32, #tpu.memory_space<hbm>>
      %dma_wait3A_252 = tpu.memref_squeeze %dma_wait3A_251 : memref<1x128x128xf32, #tpu.memory_space<hbm>> -> memref<128x128xf32, #tpu.memory_space<hbm>>
      tpu.wait_dma2 semaphore(%run_scoped3A : memref<!tpu.dma_semaphore, #tpu.memory_space<semaphore_mem>>) src(%arg9 : memref<128x128xf32, #tpu.memory_space<vmem>>) dst(%dma_wait3A_252 : memref<128x128xf32, #tpu.memory_space<hbm>>)
      tpu.yield
    }) : () -> ()
    return
  }
}

#map = affine_map<(d0, d1) -> (0, 0)>
#map1 = affine_map<(d0, d1) -> (0, 0, 0)>
module attributes {stable_mosaic.version = 14 : i64} {
  func.func @_sc_body(%arg0: i32, %arg1: i32, %arg2: memref<10000x128xf32, #tpu.memory_space<hbm>>, %arg3: memref<32x160x128xi32, #tpu.memory_space<hbm>>, %arg4: memref<128x128xf32, #tpu.memory_space<hbm>>, %arg5: memref<2x10240x128xf32, #tpu.memory_space<hbm>>, %arg6: memref<80x128xi32, #tpu.memory_space<vmem>>, %arg7: memref<128x128xf32, #tpu.memory_space<vmem>>, %arg8: memref<128x128xf32, #tpu.memory_space<vmem>>, %arg9: memref<10240x128xf32, #tpu.memory_space<vmem_shared>>, %arg10: memref<!tpu.dma_semaphore, #tpu.memory_space<semaphore_mem>>, %arg11: memref<!tpu.dma_semaphore, #tpu.memory_space<semaphore_mem>>, %arg12: memref<!tpu.dma_semaphore, #tpu.memory_space<semaphore_mem>>) attributes {dimension_semantics = [#tpu.dimension_semantics<core_parallel>, #tpu.dimension_semantics<subcore_parallel>], iteration_bounds = array<i64: 2, 16>, scalar_prefetch = 0 : i64, scratch_operands = 7 : i64, tpu.core_type = #tpu.core_type<sc_vector_subcore>, window_params = [{transform_indices = #map}, {transform_indices = #map1}, {transform_indices = #map}, {transform_indices = #map1}]} {
    %mul3A = arith.constant 16 : i32
    %mul3A_0 = arith.muli %arg0, %mul3A : i32
    %add3A = arith.addi %mul3A_0, %arg1 : i32
    %mul3A_1 = arith.constant 640 : i32
    %mul3A_2 = arith.muli %arg1, %mul3A_1 : i32
    "tpu.region"() ({
      %run_scoped3A = tpu.sem_alloc : memref<!tpu.dma_semaphore, #tpu.memory_space<semaphore_mem>>
      tpu.enqueue_dma source(%arg4 : memref<128x128xf32, #tpu.memory_space<hbm>>) target(%arg7 : memref<128x128xf32, #tpu.memory_space<vmem>>) target_semaphore(%run_scoped3A : memref<!tpu.dma_semaphore, #tpu.memory_space<semaphore_mem>>)
      tpu.wait_dma2 semaphore(%run_scoped3A : memref<!tpu.dma_semaphore, #tpu.memory_space<semaphore_mem>>) src(%arg4 : memref<128x128xf32, #tpu.memory_space<hbm>>) dst(%arg7 : memref<128x128xf32, #tpu.memory_space<vmem>>)
      tpu.yield
    }) : () -> ()
    %add3A_3 = arith.constant 0 : i32
    %add3A_4 = arith.addi %mul3A_2, %add3A_3 : i32
    %dma_start3A = arith.constant 0 : i32
    %dma_start3A_5 = tpu.memref_slice %arg9[%add3A_4, %dma_start3A] : memref<10240x128xf32, #tpu.memory_space<vmem_shared>> -> memref<128x128xf32, #tpu.memory_space<vmem_shared>>
    %dma_start3A_6 = arith.constant 0 : i32
    %dma_start3A_7 = tpu.memref_slice %arg9[%add3A_4, %dma_start3A_6] : memref<10240x128xf32, #tpu.memory_space<vmem_shared>> -> memref<128x128xf32, #tpu.memory_space<vmem_shared>>
    tpu.enqueue_dma source(%arg7 : memref<128x128xf32, #tpu.memory_space<vmem>>) target(%dma_start3A_7 : memref<128x128xf32, #tpu.memory_space<vmem_shared>>) target_semaphore(%arg10 : memref<!tpu.dma_semaphore, #tpu.memory_space<semaphore_mem>>)
    %dma_wait3A = arith.constant 0 : i32
    %dma_wait3A_8 = tpu.memref_slice %arg9[%add3A_4, %dma_wait3A] : memref<10240x128xf32, #tpu.memory_space<vmem_shared>> -> memref<128x128xf32, #tpu.memory_space<vmem_shared>>
    %dma_wait3A_9 = arith.constant 0 : i32
    %dma_wait3A_10 = tpu.memref_slice %arg9[%add3A_4, %dma_wait3A_9] : memref<10240x128xf32, #tpu.memory_space<vmem_shared>> -> memref<128x128xf32, #tpu.memory_space<vmem_shared>>
    tpu.wait_dma2 semaphore(%arg10 : memref<!tpu.dma_semaphore, #tpu.memory_space<semaphore_mem>>) src(%arg7 : memref<128x128xf32, #tpu.memory_space<vmem>>) dst(%dma_wait3A_10 : memref<128x128xf32, #tpu.memory_space<vmem_shared>>)
    %add3A_11 = arith.constant 128 : i32
    %add3A_12 = arith.addi %mul3A_2, %add3A_11 : i32
    %dma_start3A_13 = arith.constant 0 : i32
    %dma_start3A_14 = tpu.memref_slice %arg9[%add3A_12, %dma_start3A_13] : memref<10240x128xf32, #tpu.memory_space<vmem_shared>> -> memref<128x128xf32, #tpu.memory_space<vmem_shared>>
    %dma_start3A_15 = arith.constant 0 : i32
    %dma_start3A_16 = tpu.memref_slice %arg9[%add3A_12, %dma_start3A_15] : memref<10240x128xf32, #tpu.memory_space<vmem_shared>> -> memref<128x128xf32, #tpu.memory_space<vmem_shared>>
    tpu.enqueue_dma source(%arg7 : memref<128x128xf32, #tpu.memory_space<vmem>>) target(%dma_start3A_16 : memref<128x128xf32, #tpu.memory_space<vmem_shared>>) target_semaphore(%arg10 : memref<!tpu.dma_semaphore, #tpu.memory_space<semaphore_mem>>)
    %dma_wait3A_17 = arith.constant 0 : i32
    %dma_wait3A_18 = tpu.memref_slice %arg9[%add3A_12, %dma_wait3A_17] : memref<10240x128xf32, #tpu.memory_space<vmem_shared>> -> memref<128x128xf32, #tpu.memory_space<vmem_shared>>
    %dma_wait3A_19 = arith.constant 0 : i32
    %dma_wait3A_20 = tpu.memref_slice %arg9[%add3A_12, %dma_wait3A_19] : memref<10240x128xf32, #tpu.memory_space<vmem_shared>> -> memref<128x128xf32, #tpu.memory_space<vmem_shared>>
    tpu.wait_dma2 semaphore(%arg10 : memref<!tpu.dma_semaphore, #tpu.memory_space<semaphore_mem>>) src(%arg7 : memref<128x128xf32, #tpu.memory_space<vmem>>) dst(%dma_wait3A_20 : memref<128x128xf32, #tpu.memory_space<vmem_shared>>)
    %add3A_21 = arith.constant 256 : i32
    %add3A_22 = arith.addi %mul3A_2, %add3A_21 : i32
    %dma_start3A_23 = arith.constant 0 : i32
    %dma_start3A_24 = tpu.memref_slice %arg9[%add3A_22, %dma_start3A_23] : memref<10240x128xf32, #tpu.memory_space<vmem_shared>> -> memref<128x128xf32, #tpu.memory_space<vmem_shared>>
    %dma_start3A_25 = arith.constant 0 : i32
    %dma_start3A_26 = tpu.memref_slice %arg9[%add3A_22, %dma_start3A_25] : memref<10240x128xf32, #tpu.memory_space<vmem_shared>> -> memref<128x128xf32, #tpu.memory_space<vmem_shared>>
    tpu.enqueue_dma source(%arg7 : memref<128x128xf32, #tpu.memory_space<vmem>>) target(%dma_start3A_26 : memref<128x128xf32, #tpu.memory_space<vmem_shared>>) target_semaphore(%arg10 : memref<!tpu.dma_semaphore, #tpu.memory_space<semaphore_mem>>)
    %dma_wait3A_27 = arith.constant 0 : i32
    %dma_wait3A_28 = tpu.memref_slice %arg9[%add3A_22, %dma_wait3A_27] : memref<10240x128xf32, #tpu.memory_space<vmem_shared>> -> memref<128x128xf32, #tpu.memory_space<vmem_shared>>
    %dma_wait3A_29 = arith.constant 0 : i32
    %dma_wait3A_30 = tpu.memref_slice %arg9[%add3A_22, %dma_wait3A_29] : memref<10240x128xf32, #tpu.memory_space<vmem_shared>> -> memref<128x128xf32, #tpu.memory_space<vmem_shared>>
    tpu.wait_dma2 semaphore(%arg10 : memref<!tpu.dma_semaphore, #tpu.memory_space<semaphore_mem>>) src(%arg7 : memref<128x128xf32, #tpu.memory_space<vmem>>) dst(%dma_wait3A_30 : memref<128x128xf32, #tpu.memory_space<vmem_shared>>)
    %add3A_31 = arith.constant 384 : i32
    %add3A_32 = arith.addi %mul3A_2, %add3A_31 : i32
    %dma_start3A_33 = arith.constant 0 : i32
    %dma_start3A_34 = tpu.memref_slice %arg9[%add3A_32, %dma_start3A_33] : memref<10240x128xf32, #tpu.memory_space<vmem_shared>> -> memref<128x128xf32, #tpu.memory_space<vmem_shared>>
    %dma_start3A_35 = arith.constant 0 : i32
    %dma_start3A_36 = tpu.memref_slice %arg9[%add3A_32, %dma_start3A_35] : memref<10240x128xf32, #tpu.memory_space<vmem_shared>> -> memref<128x128xf32, #tpu.memory_space<vmem_shared>>
    tpu.enqueue_dma source(%arg7 : memref<128x128xf32, #tpu.memory_space<vmem>>) target(%dma_start3A_36 : memref<128x128xf32, #tpu.memory_space<vmem_shared>>) target_semaphore(%arg10 : memref<!tpu.dma_semaphore, #tpu.memory_space<semaphore_mem>>)
    %dma_wait3A_37 = arith.constant 0 : i32
    %dma_wait3A_38 = tpu.memref_slice %arg9[%add3A_32, %dma_wait3A_37] : memref<10240x128xf32, #tpu.memory_space<vmem_shared>> -> memref<128x128xf32, #tpu.memory_space<vmem_shared>>
    %dma_wait3A_39 = arith.constant 0 : i32
    %dma_wait3A_40 = tpu.memref_slice %arg9[%add3A_32, %dma_wait3A_39] : memref<10240x128xf32, #tpu.memory_space<vmem_shared>> -> memref<128x128xf32, #tpu.memory_space<vmem_shared>>
    tpu.wait_dma2 semaphore(%arg10 : memref<!tpu.dma_semaphore, #tpu.memory_space<semaphore_mem>>) src(%arg7 : memref<128x128xf32, #tpu.memory_space<vmem>>) dst(%dma_wait3A_40 : memref<128x128xf32, #tpu.memory_space<vmem_shared>>)
    %add3A_41 = arith.constant 512 : i32
    %add3A_42 = arith.addi %mul3A_2, %add3A_41 : i32
    %dma_start3A_43 = arith.constant 0 : i32
    %dma_start3A_44 = tpu.memref_slice %arg9[%add3A_42, %dma_start3A_43] : memref<10240x128xf32, #tpu.memory_space<vmem_shared>> -> memref<128x128xf32, #tpu.memory_space<vmem_shared>>
    %dma_start3A_45 = arith.constant 0 : i32
    %dma_start3A_46 = tpu.memref_slice %arg9[%add3A_42, %dma_start3A_45] : memref<10240x128xf32, #tpu.memory_space<vmem_shared>> -> memref<128x128xf32, #tpu.memory_space<vmem_shared>>
    tpu.enqueue_dma source(%arg7 : memref<128x128xf32, #tpu.memory_space<vmem>>) target(%dma_start3A_46 : memref<128x128xf32, #tpu.memory_space<vmem_shared>>) target_semaphore(%arg10 : memref<!tpu.dma_semaphore, #tpu.memory_space<semaphore_mem>>)
    %dma_wait3A_47 = arith.constant 0 : i32
    %dma_wait3A_48 = tpu.memref_slice %arg9[%add3A_42, %dma_wait3A_47] : memref<10240x128xf32, #tpu.memory_space<vmem_shared>> -> memref<128x128xf32, #tpu.memory_space<vmem_shared>>
    %dma_wait3A_49 = arith.constant 0 : i32
    %dma_wait3A_50 = tpu.memref_slice %arg9[%add3A_42, %dma_wait3A_49] : memref<10240x128xf32, #tpu.memory_space<vmem_shared>> -> memref<128x128xf32, #tpu.memory_space<vmem_shared>>
    tpu.wait_dma2 semaphore(%arg10 : memref<!tpu.dma_semaphore, #tpu.memory_space<semaphore_mem>>) src(%arg7 : memref<128x128xf32, #tpu.memory_space<vmem>>) dst(%dma_wait3A_50 : memref<128x128xf32, #tpu.memory_space<vmem_shared>>)
    %barrier3A = arith.constant 0 : index
    tpu.barrier barrier_id(%barrier3A)
    %scan3A = arith.constant 0 : i32
    %scan3A_51 = arith.constant 0 : i32
    %scan3A_52 = arith.constant 2 : i32
    %scan3A_53 = arith.addi %scan3A_51, %scan3A_52 : i32
    %scan3A_54 = arith.constant 1 : i32
    scf.for %scan3A_117 = %scan3A_51 to %scan3A_53 step %scan3A_54  : i32 {
      %mul3A_118 = arith.constant 80 : i32
      %mul3A_119 = arith.muli %scan3A_117, %mul3A_118 : i32
      "tpu.region"() ({
        %run_scoped3A = tpu.sem_alloc : memref<!tpu.dma_semaphore, #tpu.memory_space<semaphore_mem>>
        %dma_start3A_166 = arith.constant 0 : i32
        %dma_start3A_167 = tpu.memref_slice %arg3[%add3A, %mul3A_119, %dma_start3A_166] : memref<32x160x128xi32, #tpu.memory_space<hbm>> -> memref<1x80x128xi32, #tpu.memory_space<hbm>>
        %dma_start3A_168 = tpu.memref_squeeze %dma_start3A_167 : memref<1x80x128xi32, #tpu.memory_space<hbm>> -> memref<80x128xi32, #tpu.memory_space<hbm>>
        %dma_start3A_169 = arith.constant 0 : i32
        %dma_start3A_170 = tpu.memref_slice %arg3[%add3A, %mul3A_119, %dma_start3A_169] : memref<32x160x128xi32, #tpu.memory_space<hbm>> -> memref<1x80x128xi32, #tpu.memory_space<hbm>>
        %dma_start3A_171 = tpu.memref_squeeze %dma_start3A_170 : memref<1x80x128xi32, #tpu.memory_space<hbm>> -> memref<80x128xi32, #tpu.memory_space<hbm>>
        tpu.enqueue_dma source(%dma_start3A_171 : memref<80x128xi32, #tpu.memory_space<hbm>>) target(%arg6 : memref<80x128xi32, #tpu.memory_space<vmem>>) target_semaphore(%run_scoped3A : memref<!tpu.dma_semaphore, #tpu.memory_space<semaphore_mem>>)
        %dma_wait3A_172 = arith.constant 0 : i32
        %dma_wait3A_173 = tpu.memref_slice %arg3[%add3A, %mul3A_119, %dma_wait3A_172] : memref<32x160x128xi32, #tpu.memory_space<hbm>> -> memref<1x80x128xi32, #tpu.memory_space<hbm>>
        %dma_wait3A_174 = tpu.memref_squeeze %dma_wait3A_173 : memref<1x80x128xi32, #tpu.memory_space<hbm>> -> memref<80x128xi32, #tpu.memory_space<hbm>>
        %dma_wait3A_175 = arith.constant 0 : i32
        %dma_wait3A_176 = tpu.memref_slice %arg3[%add3A, %mul3A_119, %dma_wait3A_175] : memref<32x160x128xi32, #tpu.memory_space<hbm>> -> memref<1x80x128xi32, #tpu.memory_space<hbm>>
        %dma_wait3A_177 = tpu.memref_squeeze %dma_wait3A_176 : memref<1x80x128xi32, #tpu.memory_space<hbm>> -> memref<80x128xi32, #tpu.memory_space<hbm>>
        tpu.wait_dma2 semaphore(%run_scoped3A : memref<!tpu.dma_semaphore, #tpu.memory_space<semaphore_mem>>) src(%dma_wait3A_177 : memref<80x128xi32, #tpu.memory_space<hbm>>) dst(%arg6 : memref<80x128xi32, #tpu.memory_space<vmem>>)
        tpu.yield
      }) : () -> ()
      %dma_start3A_120 = arith.constant 0 : i32
      %dma_start3A_121 = arith.constant 0 : i32
      %dma_start3A_122 = arith.constant 0 : i32
      %dma_start3A_123 = tpu.memref_slice %arg7[%dma_start3A_121, %dma_start3A_122] : memref<128x128xf32, #tpu.memory_space<vmem>> -> memref<64x128xf32, #tpu.memory_space<vmem>>
      %dma_start3A_124 = arith.constant 0 : i32
      %dma_start3A_125 = tpu.memref_slice %arg6[%dma_start3A_120, %dma_start3A_124] : memref<80x128xi32, #tpu.memory_space<vmem>> -> memref<1x64xi32, #tpu.memory_space<vmem>>
      %dma_start3A_126 = tpu.memref_squeeze %dma_start3A_125 : memref<1x64xi32, #tpu.memory_space<vmem>> -> memref<64xi32, #tpu.memory_space<vmem>>
      %dma_start3A_127 = arith.constant 0 : i32
      %dma_start3A_128 = arith.constant 0 : i32
      %dma_start3A_129 = tpu.memref_slice %arg2[%dma_start3A_127, %dma_start3A_128] : memref<10000x128xf32, #tpu.memory_space<hbm>> -> memref<10000x128xf32, #tpu.memory_space<hbm>>
      tpu.enqueue_indirect_dma source(%dma_start3A_129 : memref<10000x128xf32, #tpu.memory_space<hbm>>) target(%dma_start3A_123 : memref<64x128xf32, #tpu.memory_space<vmem>>) offsets(%dma_start3A_126 : memref<64xi32, #tpu.memory_space<vmem>>) semaphore(%arg10 : memref<!tpu.dma_semaphore, #tpu.memory_space<semaphore_mem>>)
      %dma_start3A_130 = arith.constant 0 : i32
      %dma_start3A_131 = arith.constant 64 : i32
      %dma_start3A_132 = arith.constant 0 : i32
      %dma_start3A_133 = tpu.memref_slice %arg7[%dma_start3A_131, %dma_start3A_132] : memref<128x128xf32, #tpu.memory_space<vmem>> -> memref<64x128xf32, #tpu.memory_space<vmem>>
      %dma_start3A_134 = arith.constant 64 : i32
      %dma_start3A_135 = tpu.memref_slice %arg6[%dma_start3A_130, %dma_start3A_134] : memref<80x128xi32, #tpu.memory_space<vmem>> -> memref<1x64xi32, #tpu.memory_space<vmem>>
      %dma_start3A_136 = tpu.memref_squeeze %dma_start3A_135 : memref<1x64xi32, #tpu.memory_space<vmem>> -> memref<64xi32, #tpu.memory_space<vmem>>
      %dma_start3A_137 = arith.constant 0 : i32
      %dma_start3A_138 = arith.constant 0 : i32
      %dma_start3A_139 = tpu.memref_slice %arg2[%dma_start3A_137, %dma_start3A_138] : memref<10000x128xf32, #tpu.memory_space<hbm>> -> memref<10000x128xf32, #tpu.memory_space<hbm>>
      tpu.enqueue_indirect_dma source(%dma_start3A_139 : memref<10000x128xf32, #tpu.memory_space<hbm>>) target(%dma_start3A_133 : memref<64x128xf32, #tpu.memory_space<vmem>>) offsets(%dma_start3A_136 : memref<64xi32, #tpu.memory_space<vmem>>) semaphore(%arg10 : memref<!tpu.dma_semaphore, #tpu.memory_space<semaphore_mem>>)
      %dma_start3A_140 = arith.constant 2 : i32
      %dma_start3A_141 = arith.constant 0 : i32
      %dma_start3A_142 = arith.constant 0 : i32
      %dma_start3A_143 = tpu.memref_slice %arg8[%dma_start3A_141, %dma_start3A_142] : memref<128x128xf32, #tpu.memory_space<vmem>> -> memref<64x128xf32, #tpu.memory_space<vmem>>
      %dma_start3A_144 = arith.constant 0 : i32
      %dma_start3A_145 = tpu.memref_slice %arg6[%dma_start3A_140, %dma_start3A_144] : memref<80x128xi32, #tpu.memory_space<vmem>> -> memref<1x64xi32, #tpu.memory_space<vmem>>
      %dma_start3A_146 = tpu.memref_squeeze %dma_start3A_145 : memref<1x64xi32, #tpu.memory_space<vmem>> -> memref<64xi32, #tpu.memory_space<vmem>>
      %dma_start3A_147 = arith.constant 0 : i32
      %dma_start3A_148 = arith.constant 0 : i32
      %dma_start3A_149 = tpu.memref_slice %arg2[%dma_start3A_147, %dma_start3A_148] : memref<10000x128xf32, #tpu.memory_space<hbm>> -> memref<10000x128xf32, #tpu.memory_space<hbm>>
      tpu.enqueue_indirect_dma source(%dma_start3A_149 : memref<10000x128xf32, #tpu.memory_space<hbm>>) target(%dma_start3A_143 : memref<64x128xf32, #tpu.memory_space<vmem>>) offsets(%dma_start3A_146 : memref<64xi32, #tpu.memory_space<vmem>>) semaphore(%arg11 : memref<!tpu.dma_semaphore, #tpu.memory_space<semaphore_mem>>)
      %dma_start3A_150 = arith.constant 2 : i32
      %dma_start3A_151 = arith.constant 64 : i32
      %dma_start3A_152 = arith.constant 0 : i32
      %dma_start3A_153 = tpu.memref_slice %arg8[%dma_start3A_151, %dma_start3A_152] : memref<128x128xf32, #tpu.memory_space<vmem>> -> memref<64x128xf32, #tpu.memory_space<vmem>>
      %dma_start3A_154 = arith.constant 64 : i32
      %dma_start3A_155 = tpu.memref_slice %arg6[%dma_start3A_150, %dma_start3A_154] : memref<80x128xi32, #tpu.memory_space<vmem>> -> memref<1x64xi32, #tpu.memory_space<vmem>>
      %dma_start3A_156 = tpu.memref_squeeze %dma_start3A_155 : memref<1x64xi32, #tpu.memory_space<vmem>> -> memref<64xi32, #tpu.memory_space<vmem>>
      %dma_start3A_157 = arith.constant 0 : i32
      %dma_start3A_158 = arith.constant 0 : i32
      %dma_start3A_159 = tpu.memref_slice %arg2[%dma_start3A_157, %dma_start3A_158] : memref<10000x128xf32, #tpu.memory_space<hbm>> -> memref<10000x128xf32, #tpu.memory_space<hbm>>
      tpu.enqueue_indirect_dma source(%dma_start3A_159 : memref<10000x128xf32, #tpu.memory_space<hbm>>) target(%dma_start3A_153 : memref<64x128xf32, #tpu.memory_space<vmem>>) offsets(%dma_start3A_156 : memref<64xi32, #tpu.memory_space<vmem>>) semaphore(%arg11 : memref<!tpu.dma_semaphore, #tpu.memory_space<semaphore_mem>>)
      %scan3A_160 = arith.constant 0 : i32
      %scan3A_161 = arith.constant 0 : i32
      %scan3A_162 = arith.constant 20 : i32
      %scan3A_163 = arith.addi %scan3A_161, %scan3A_162 : i32
      %scan3A_164 = arith.constant 1 : i32
      scf.for %scan3A_166 = %scan3A_161 to %scan3A_163 step %scan3A_164  : i32 {
        %mul3A_167 = arith.constant 2 : i32
        %mul3A_168 = arith.muli %mul3A_167, %scan3A_166 : i32
        %mul3A_169 = arith.constant 2 : i32
        %mul3A_170 = arith.muli %mul3A_169, %mul3A_168 : i32
        %dma_wait3A_171 = arith.constant 0 : i32
        %dma_wait3A_172 = arith.constant 0 : i32
        %dma_wait3A_173 = tpu.memref_slice %arg7[%dma_wait3A_171, %dma_wait3A_172] : memref<128x128xf32, #tpu.memory_space<vmem>> -> memref<64x128xf32, #tpu.memory_space<vmem>>
        %dma_wait3A_174 = arith.constant 0 : i32
        %dma_wait3A_175 = tpu.memref_slice %arg6[%mul3A_170, %dma_wait3A_174] : memref<80x128xi32, #tpu.memory_space<vmem>> -> memref<1x64xi32, #tpu.memory_space<vmem>>
        %dma_wait3A_176 = tpu.memref_squeeze %dma_wait3A_175 : memref<1x64xi32, #tpu.memory_space<vmem>> -> memref<64xi32, #tpu.memory_space<vmem>>
        %dma_wait3A_177 = arith.constant 0 : i32
        %dma_wait3A_178 = arith.constant 0 : i32
        %dma_wait3A_179 = tpu.memref_slice %arg2[%dma_wait3A_177, %dma_wait3A_178] : memref<10000x128xf32, #tpu.memory_space<hbm>> -> memref<10000x128xf32, #tpu.memory_space<hbm>>
        tpu.wait_indirect_dma semaphore(%arg10 : memref<!tpu.dma_semaphore, #tpu.memory_space<semaphore_mem>>) src(%dma_wait3A_179 : memref<10000x128xf32, #tpu.memory_space<hbm>>) dst(%dma_wait3A_173 : memref<64x128xf32, #tpu.memory_space<vmem>>)
        %mul3A_180 = arith.constant 2 : i32
        %mul3A_181 = arith.muli %mul3A_180, %mul3A_168 : i32
        %dma_wait3A_182 = arith.constant 64 : i32
        %dma_wait3A_183 = arith.constant 0 : i32
        %dma_wait3A_184 = tpu.memref_slice %arg7[%dma_wait3A_182, %dma_wait3A_183] : memref<128x128xf32, #tpu.memory_space<vmem>> -> memref<64x128xf32, #tpu.memory_space<vmem>>
        %dma_wait3A_185 = arith.constant 64 : i32
        %dma_wait3A_186 = tpu.memref_slice %arg6[%mul3A_181, %dma_wait3A_185] : memref<80x128xi32, #tpu.memory_space<vmem>> -> memref<1x64xi32, #tpu.memory_space<vmem>>
        %dma_wait3A_187 = tpu.memref_squeeze %dma_wait3A_186 : memref<1x64xi32, #tpu.memory_space<vmem>> -> memref<64xi32, #tpu.memory_space<vmem>>
        %dma_wait3A_188 = arith.constant 0 : i32
        %dma_wait3A_189 = arith.constant 0 : i32
        %dma_wait3A_190 = tpu.memref_slice %arg2[%dma_wait3A_188, %dma_wait3A_189] : memref<10000x128xf32, #tpu.memory_space<hbm>> -> memref<10000x128xf32, #tpu.memory_space<hbm>>
        tpu.wait_indirect_dma semaphore(%arg10 : memref<!tpu.dma_semaphore, #tpu.memory_space<semaphore_mem>>) src(%dma_wait3A_190 : memref<10000x128xf32, #tpu.memory_space<hbm>>) dst(%dma_wait3A_184 : memref<64x128xf32, #tpu.memory_space<vmem>>)
        %mul3A_191 = arith.constant 2 : i32
        %mul3A_192 = arith.muli %mul3A_191, %mul3A_168 : i32
        %add3A_193 = arith.constant 1 : i32
        %add3A_194 = arith.addi %mul3A_192, %add3A_193 : i32
        %dma_start3A_195 = arith.constant 0 : i32
        %dma_start3A_196 = tpu.memref_slice %arg6[%add3A_194, %dma_start3A_195] : memref<80x128xi32, #tpu.memory_space<vmem>> -> memref<1x128xi32, #tpu.memory_space<vmem>>
        %dma_start3A_197 = tpu.memref_squeeze %dma_start3A_196 : memref<1x128xi32, #tpu.memory_space<vmem>> -> memref<128xi32, #tpu.memory_space<vmem>>
        %dma_start3A_198 = arith.constant 0 : i32
        %dma_start3A_199 = arith.constant 0 : i32
        %dma_start3A_200 = tpu.memref_slice %arg9[%dma_start3A_198, %dma_start3A_199] : memref<10240x128xf32, #tpu.memory_space<vmem_shared>> -> memref<10240x128xf32, #tpu.memory_space<vmem_shared>>
        tpu.enqueue_indirect_dma source(%arg7 : memref<128x128xf32, #tpu.memory_space<vmem>>) target(%dma_start3A_200 : memref<10240x128xf32, #tpu.memory_space<vmem_shared>>) offsets(%dma_start3A_197 : memref<128xi32, #tpu.memory_space<vmem>>) semaphore(%arg12 : memref<!tpu.dma_semaphore, #tpu.memory_space<semaphore_mem>>) {add = true}
        %dma_wait3A_201 = arith.constant 0 : i32
        %dma_wait3A_202 = tpu.memref_slice %arg6[%add3A_194, %dma_wait3A_201] : memref<80x128xi32, #tpu.memory_space<vmem>> -> memref<1x128xi32, #tpu.memory_space<vmem>>
        %dma_wait3A_203 = tpu.memref_squeeze %dma_wait3A_202 : memref<1x128xi32, #tpu.memory_space<vmem>> -> memref<128xi32, #tpu.memory_space<vmem>>
        %dma_wait3A_204 = arith.constant 0 : i32
        %dma_wait3A_205 = arith.constant 0 : i32
        %dma_wait3A_206 = tpu.memref_slice %arg9[%dma_wait3A_204, %dma_wait3A_205] : memref<10240x128xf32, #tpu.memory_space<vmem_shared>> -> memref<10240x128xf32, #tpu.memory_space<vmem_shared>>
        tpu.wait_indirect_dma semaphore(%arg12 : memref<!tpu.dma_semaphore, #tpu.memory_space<semaphore_mem>>) src(%arg7 : memref<128x128xf32, #tpu.memory_space<vmem>>) dst(%dma_wait3A_206 : memref<10240x128xf32, #tpu.memory_space<vmem_shared>>)
        %add3A_207 = arith.constant 2 : i32
        %add3A_208 = arith.addi %mul3A_168, %add3A_207 : i32
        %lt3A = arith.constant 40 : i32
        %lt3A_209 = arith.cmpi slt, %add3A_208, %lt3A : i32
        %convert_element_type3A = arith.extui %lt3A_209 : i1 to i32
        %cond3A = arith.constant 0 : i32
        %cond3A_210 = arith.cmpi ne, %convert_element_type3A, %cond3A : i32
        scf.if %cond3A_210 {
          %add3A_258 = arith.constant 2 : i32
          %add3A_259 = arith.addi %mul3A_168, %add3A_258 : i32
          %mul3A_260 = arith.constant 2 : i32
          %mul3A_261 = arith.muli %mul3A_260, %add3A_259 : i32
          %dma_start3A_262 = arith.constant 0 : i32
          %dma_start3A_263 = arith.constant 0 : i32
          %dma_start3A_264 = tpu.memref_slice %arg7[%dma_start3A_262, %dma_start3A_263] : memref<128x128xf32, #tpu.memory_space<vmem>> -> memref<64x128xf32, #tpu.memory_space<vmem>>
          %dma_start3A_265 = arith.constant 0 : i32
          %dma_start3A_266 = tpu.memref_slice %arg6[%mul3A_261, %dma_start3A_265] : memref<80x128xi32, #tpu.memory_space<vmem>> -> memref<1x64xi32, #tpu.memory_space<vmem>>
          %dma_start3A_267 = tpu.memref_squeeze %dma_start3A_266 : memref<1x64xi32, #tpu.memory_space<vmem>> -> memref<64xi32, #tpu.memory_space<vmem>>
          %dma_start3A_268 = arith.constant 0 : i32
          %dma_start3A_269 = arith.constant 0 : i32
          %dma_start3A_270 = tpu.memref_slice %arg2[%dma_start3A_268, %dma_start3A_269] : memref<10000x128xf32, #tpu.memory_space<hbm>> -> memref<10000x128xf32, #tpu.memory_space<hbm>>
          tpu.enqueue_indirect_dma source(%dma_start3A_270 : memref<10000x128xf32, #tpu.memory_space<hbm>>) target(%dma_start3A_264 : memref<64x128xf32, #tpu.memory_space<vmem>>) offsets(%dma_start3A_267 : memref<64xi32, #tpu.memory_space<vmem>>) semaphore(%arg10 : memref<!tpu.dma_semaphore, #tpu.memory_space<semaphore_mem>>)
          %mul3A_271 = arith.constant 2 : i32
          %mul3A_272 = arith.muli %mul3A_271, %add3A_259 : i32
          %dma_start3A_273 = arith.constant 64 : i32
          %dma_start3A_274 = arith.constant 0 : i32
          %dma_start3A_275 = tpu.memref_slice %arg7[%dma_start3A_273, %dma_start3A_274] : memref<128x128xf32, #tpu.memory_space<vmem>> -> memref<64x128xf32, #tpu.memory_space<vmem>>
          %dma_start3A_276 = arith.constant 64 : i32
          %dma_start3A_277 = tpu.memref_slice %arg6[%mul3A_272, %dma_start3A_276] : memref<80x128xi32, #tpu.memory_space<vmem>> -> memref<1x64xi32, #tpu.memory_space<vmem>>
          %dma_start3A_278 = tpu.memref_squeeze %dma_start3A_277 : memref<1x64xi32, #tpu.memory_space<vmem>> -> memref<64xi32, #tpu.memory_space<vmem>>
          %dma_start3A_279 = arith.constant 0 : i32
          %dma_start3A_280 = arith.constant 0 : i32
          %dma_start3A_281 = tpu.memref_slice %arg2[%dma_start3A_279, %dma_start3A_280] : memref<10000x128xf32, #tpu.memory_space<hbm>> -> memref<10000x128xf32, #tpu.memory_space<hbm>>
          tpu.enqueue_indirect_dma source(%dma_start3A_281 : memref<10000x128xf32, #tpu.memory_space<hbm>>) target(%dma_start3A_275 : memref<64x128xf32, #tpu.memory_space<vmem>>) offsets(%dma_start3A_278 : memref<64xi32, #tpu.memory_space<vmem>>) semaphore(%arg10 : memref<!tpu.dma_semaphore, #tpu.memory_space<semaphore_mem>>)
        } else {
        }
        %add3A_211 = arith.constant 1 : i32
        %add3A_212 = arith.addi %mul3A_168, %add3A_211 : i32
        %mul3A_213 = arith.constant 2 : i32
        %mul3A_214 = arith.muli %mul3A_213, %add3A_212 : i32
        %dma_wait3A_215 = arith.constant 0 : i32
        %dma_wait3A_216 = arith.constant 0 : i32
        %dma_wait3A_217 = tpu.memref_slice %arg8[%dma_wait3A_215, %dma_wait3A_216] : memref<128x128xf32, #tpu.memory_space<vmem>> -> memref<64x128xf32, #tpu.memory_space<vmem>>
        %dma_wait3A_218 = arith.constant 0 : i32
        %dma_wait3A_219 = tpu.memref_slice %arg6[%mul3A_214, %dma_wait3A_218] : memref<80x128xi32, #tpu.memory_space<vmem>> -> memref<1x64xi32, #tpu.memory_space<vmem>>
        %dma_wait3A_220 = tpu.memref_squeeze %dma_wait3A_219 : memref<1x64xi32, #tpu.memory_space<vmem>> -> memref<64xi32, #tpu.memory_space<vmem>>
        %dma_wait3A_221 = arith.constant 0 : i32
        %dma_wait3A_222 = arith.constant 0 : i32
        %dma_wait3A_223 = tpu.memref_slice %arg2[%dma_wait3A_221, %dma_wait3A_222] : memref<10000x128xf32, #tpu.memory_space<hbm>> -> memref<10000x128xf32, #tpu.memory_space<hbm>>
        tpu.wait_indirect_dma semaphore(%arg11 : memref<!tpu.dma_semaphore, #tpu.memory_space<semaphore_mem>>) src(%dma_wait3A_223 : memref<10000x128xf32, #tpu.memory_space<hbm>>) dst(%dma_wait3A_217 : memref<64x128xf32, #tpu.memory_space<vmem>>)
        %mul3A_224 = arith.constant 2 : i32
        %mul3A_225 = arith.muli %mul3A_224, %add3A_212 : i32
        %dma_wait3A_226 = arith.constant 64 : i32
        %dma_wait3A_227 = arith.constant 0 : i32
        %dma_wait3A_228 = tpu.memref_slice %arg8[%dma_wait3A_226, %dma_wait3A_227] : memref<128x128xf32, #tpu.memory_space<vmem>> -> memref<64x128xf32, #tpu.memory_space<vmem>>
        %dma_wait3A_229 = arith.constant 64 : i32
        %dma_wait3A_230 = tpu.memref_slice %arg6[%mul3A_225, %dma_wait3A_229] : memref<80x128xi32, #tpu.memory_space<vmem>> -> memref<1x64xi32, #tpu.memory_space<vmem>>
        %dma_wait3A_231 = tpu.memref_squeeze %dma_wait3A_230 : memref<1x64xi32, #tpu.memory_space<vmem>> -> memref<64xi32, #tpu.memory_space<vmem>>
        %dma_wait3A_232 = arith.constant 0 : i32
        %dma_wait3A_233 = arith.constant 0 : i32
        %dma_wait3A_234 = tpu.memref_slice %arg2[%dma_wait3A_232, %dma_wait3A_233] : memref<10000x128xf32, #tpu.memory_space<hbm>> -> memref<10000x128xf32, #tpu.memory_space<hbm>>
        tpu.wait_indirect_dma semaphore(%arg11 : memref<!tpu.dma_semaphore, #tpu.memory_space<semaphore_mem>>) src(%dma_wait3A_234 : memref<10000x128xf32, #tpu.memory_space<hbm>>) dst(%dma_wait3A_228 : memref<64x128xf32, #tpu.memory_space<vmem>>)
        %mul3A_235 = arith.constant 2 : i32
        %mul3A_236 = arith.muli %mul3A_235, %mul3A_168 : i32
        %add3A_237 = arith.constant 3 : i32
        %add3A_238 = arith.addi %mul3A_236, %add3A_237 : i32
        %dma_start3A_239 = arith.constant 0 : i32
        %dma_start3A_240 = tpu.memref_slice %arg6[%add3A_238, %dma_start3A_239] : memref<80x128xi32, #tpu.memory_space<vmem>> -> memref<1x128xi32, #tpu.memory_space<vmem>>
        %dma_start3A_241 = tpu.memref_squeeze %dma_start3A_240 : memref<1x128xi32, #tpu.memory_space<vmem>> -> memref<128xi32, #tpu.memory_space<vmem>>
        %dma_start3A_242 = arith.constant 0 : i32
        %dma_start3A_243 = arith.constant 0 : i32
        %dma_start3A_244 = tpu.memref_slice %arg9[%dma_start3A_242, %dma_start3A_243] : memref<10240x128xf32, #tpu.memory_space<vmem_shared>> -> memref<10240x128xf32, #tpu.memory_space<vmem_shared>>
        tpu.enqueue_indirect_dma source(%arg8 : memref<128x128xf32, #tpu.memory_space<vmem>>) target(%dma_start3A_244 : memref<10240x128xf32, #tpu.memory_space<vmem_shared>>) offsets(%dma_start3A_241 : memref<128xi32, #tpu.memory_space<vmem>>) semaphore(%arg12 : memref<!tpu.dma_semaphore, #tpu.memory_space<semaphore_mem>>) {add = true}
        %dma_wait3A_245 = arith.constant 0 : i32
        %dma_wait3A_246 = tpu.memref_slice %arg6[%add3A_238, %dma_wait3A_245] : memref<80x128xi32, #tpu.memory_space<vmem>> -> memref<1x128xi32, #tpu.memory_space<vmem>>
        %dma_wait3A_247 = tpu.memref_squeeze %dma_wait3A_246 : memref<1x128xi32, #tpu.memory_space<vmem>> -> memref<128xi32, #tpu.memory_space<vmem>>
        %dma_wait3A_248 = arith.constant 0 : i32
        %dma_wait3A_249 = arith.constant 0 : i32
        %dma_wait3A_250 = tpu.memref_slice %arg9[%dma_wait3A_248, %dma_wait3A_249] : memref<10240x128xf32, #tpu.memory_space<vmem_shared>> -> memref<10240x128xf32, #tpu.memory_space<vmem_shared>>
        tpu.wait_indirect_dma semaphore(%arg12 : memref<!tpu.dma_semaphore, #tpu.memory_space<semaphore_mem>>) src(%arg8 : memref<128x128xf32, #tpu.memory_space<vmem>>) dst(%dma_wait3A_250 : memref<10240x128xf32, #tpu.memory_space<vmem_shared>>)
        %add3A_251 = arith.constant 3 : i32
        %add3A_252 = arith.addi %mul3A_168, %add3A_251 : i32
        %lt3A_253 = arith.constant 40 : i32
        %lt3A_254 = arith.cmpi slt, %add3A_252, %lt3A_253 : i32
        %convert_element_type3A_255 = arith.extui %lt3A_254 : i1 to i32
        %cond3A_256 = arith.constant 0 : i32
        %cond3A_257 = arith.cmpi ne, %convert_element_type3A_255, %cond3A_256 : i32
        scf.if %cond3A_257 {
          %add3A_258 = arith.constant 3 : i32
          %add3A_259 = arith.addi %mul3A_168, %add3A_258 : i32
          %mul3A_260 = arith.constant 2 : i32
          %mul3A_261 = arith.muli %mul3A_260, %add3A_259 : i32
          %dma_start3A_262 = arith.constant 0 : i32
          %dma_start3A_263 = arith.constant 0 : i32
          %dma_start3A_264 = tpu.memref_slice %arg8[%dma_start3A_262, %dma_start3A_263] : memref<128x128xf32, #tpu.memory_space<vmem>> -> memref<64x128xf32, #tpu.memory_space<vmem>>
          %dma_start3A_265 = arith.constant 0 : i32
          %dma_start3A_266 = tpu.memref_slice %arg6[%mul3A_261, %dma_start3A_265] : memref<80x128xi32, #tpu.memory_space<vmem>> -> memref<1x64xi32, #tpu.memory_space<vmem>>
          %dma_start3A_267 = tpu.memref_squeeze %dma_start3A_266 : memref<1x64xi32, #tpu.memory_space<vmem>> -> memref<64xi32, #tpu.memory_space<vmem>>
          %dma_start3A_268 = arith.constant 0 : i32
          %dma_start3A_269 = arith.constant 0 : i32
          %dma_start3A_270 = tpu.memref_slice %arg2[%dma_start3A_268, %dma_start3A_269] : memref<10000x128xf32, #tpu.memory_space<hbm>> -> memref<10000x128xf32, #tpu.memory_space<hbm>>
          tpu.enqueue_indirect_dma source(%dma_start3A_270 : memref<10000x128xf32, #tpu.memory_space<hbm>>) target(%dma_start3A_264 : memref<64x128xf32, #tpu.memory_space<vmem>>) offsets(%dma_start3A_267 : memref<64xi32, #tpu.memory_space<vmem>>) semaphore(%arg11 : memref<!tpu.dma_semaphore, #tpu.memory_space<semaphore_mem>>)
          %mul3A_271 = arith.constant 2 : i32
          %mul3A_272 = arith.muli %mul3A_271, %add3A_259 : i32
          %dma_start3A_273 = arith.constant 64 : i32
          %dma_start3A_274 = arith.constant 0 : i32
          %dma_start3A_275 = tpu.memref_slice %arg8[%dma_start3A_273, %dma_start3A_274] : memref<128x128xf32, #tpu.memory_space<vmem>> -> memref<64x128xf32, #tpu.memory_space<vmem>>
          %dma_start3A_276 = arith.constant 64 : i32
          %dma_start3A_277 = tpu.memref_slice %arg6[%mul3A_272, %dma_start3A_276] : memref<80x128xi32, #tpu.memory_space<vmem>> -> memref<1x64xi32, #tpu.memory_space<vmem>>
          %dma_start3A_278 = tpu.memref_squeeze %dma_start3A_277 : memref<1x64xi32, #tpu.memory_space<vmem>> -> memref<64xi32, #tpu.memory_space<vmem>>
          %dma_start3A_279 = arith.constant 0 : i32
          %dma_start3A_280 = arith.constant 0 : i32
          %dma_start3A_281 = tpu.memref_slice %arg2[%dma_start3A_279, %dma_start3A_280] : memref<10000x128xf32, #tpu.memory_space<hbm>> -> memref<10000x128xf32, #tpu.memory_space<hbm>>
          tpu.enqueue_indirect_dma source(%dma_start3A_281 : memref<10000x128xf32, #tpu.memory_space<hbm>>) target(%dma_start3A_275 : memref<64x128xf32, #tpu.memory_space<vmem>>) offsets(%dma_start3A_278 : memref<64xi32, #tpu.memory_space<vmem>>) semaphore(%arg11 : memref<!tpu.dma_semaphore, #tpu.memory_space<semaphore_mem>>)
        } else {
        }
      }
      %scan3A_165 = arith.constant 20 : i32
    }
    %scan3A_55 = arith.constant 2 : i32
    %barrier3A_56 = arith.constant 0 : index
    tpu.barrier barrier_id(%barrier3A_56)
    %add3A_57 = arith.constant 0 : i32
    %add3A_58 = arith.addi %mul3A_2, %add3A_57 : i32
    %dma_start3A_59 = arith.constant 0 : i32
    %dma_start3A_60 = tpu.memref_slice %arg9[%add3A_58, %dma_start3A_59] : memref<10240x128xf32, #tpu.memory_space<vmem_shared>> -> memref<128x128xf32, #tpu.memory_space<vmem_shared>>
    %dma_start3A_61 = arith.constant 0 : i32
    %dma_start3A_62 = tpu.memref_slice %arg9[%add3A_58, %dma_start3A_61] : memref<10240x128xf32, #tpu.memory_space<vmem_shared>> -> memref<128x128xf32, #tpu.memory_space<vmem_shared>>
    tpu.enqueue_dma source(%dma_start3A_62 : memref<128x128xf32, #tpu.memory_space<vmem_shared>>) target(%arg7 : memref<128x128xf32, #tpu.memory_space<vmem>>) target_semaphore(%arg10 : memref<!tpu.dma_semaphore, #tpu.memory_space<semaphore_mem>>)
    %dma_wait3A_63 = arith.constant 0 : i32
    %dma_wait3A_64 = tpu.memref_slice %arg9[%add3A_58, %dma_wait3A_63] : memref<10240x128xf32, #tpu.memory_space<vmem_shared>> -> memref<128x128xf32, #tpu.memory_space<vmem_shared>>
    %dma_wait3A_65 = arith.constant 0 : i32
    %dma_wait3A_66 = tpu.memref_slice %arg9[%add3A_58, %dma_wait3A_65] : memref<10240x128xf32, #tpu.memory_space<vmem_shared>> -> memref<128x128xf32, #tpu.memory_space<vmem_shared>>
    tpu.wait_dma2 semaphore(%arg10 : memref<!tpu.dma_semaphore, #tpu.memory_space<semaphore_mem>>) src(%dma_wait3A_66 : memref<128x128xf32, #tpu.memory_space<vmem_shared>>) dst(%arg7 : memref<128x128xf32, #tpu.memory_space<vmem>>)
    %add3A_67 = arith.constant 0 : i32
    %add3A_68 = arith.addi %mul3A_2, %add3A_67 : i32
    "tpu.region"() ({
      %run_scoped3A = tpu.sem_alloc : memref<!tpu.dma_semaphore, #tpu.memory_space<semaphore_mem>>
      %dma_start3A_117 = arith.constant 0 : i32
      %dma_start3A_118 = tpu.memref_slice %arg5[%arg0, %add3A_68, %dma_start3A_117] : memref<2x10240x128xf32, #tpu.memory_space<hbm>> -> memref<1x128x128xf32, #tpu.memory_space<hbm>>
      %dma_start3A_119 = tpu.memref_squeeze %dma_start3A_118 : memref<1x128x128xf32, #tpu.memory_space<hbm>> -> memref<128x128xf32, #tpu.memory_space<hbm>>
      %dma_start3A_120 = arith.constant 0 : i32
      %dma_start3A_121 = tpu.memref_slice %arg5[%arg0, %add3A_68, %dma_start3A_120] : memref<2x10240x128xf32, #tpu.memory_space<hbm>> -> memref<1x128x128xf32, #tpu.memory_space<hbm>>
      %dma_start3A_122 = tpu.memref_squeeze %dma_start3A_121 : memref<1x128x128xf32, #tpu.memory_space<hbm>> -> memref<128x128xf32, #tpu.memory_space<hbm>>
      tpu.enqueue_dma source(%arg7 : memref<128x128xf32, #tpu.memory_space<vmem>>) target(%dma_start3A_122 : memref<128x128xf32, #tpu.memory_space<hbm>>) target_semaphore(%run_scoped3A : memref<!tpu.dma_semaphore, #tpu.memory_space<semaphore_mem>>)
      %dma_wait3A_123 = arith.constant 0 : i32
      %dma_wait3A_124 = tpu.memref_slice %arg5[%arg0, %add3A_68, %dma_wait3A_123] : memref<2x10240x128xf32, #tpu.memory_space<hbm>> -> memref<1x128x128xf32, #tpu.memory_space<hbm>>
      %dma_wait3A_125 = tpu.memref_squeeze %dma_wait3A_124 : memref<1x128x128xf32, #tpu.memory_space<hbm>> -> memref<128x128xf32, #tpu.memory_space<hbm>>
      %dma_wait3A_126 = arith.constant 0 : i32
      %dma_wait3A_127 = tpu.memref_slice %arg5[%arg0, %add3A_68, %dma_wait3A_126] : memref<2x10240x128xf32, #tpu.memory_space<hbm>> -> memref<1x128x128xf32, #tpu.memory_space<hbm>>
      %dma_wait3A_128 = tpu.memref_squeeze %dma_wait3A_127 : memref<1x128x128xf32, #tpu.memory_space<hbm>> -> memref<128x128xf32, #tpu.memory_space<hbm>>
      tpu.wait_dma2 semaphore(%run_scoped3A : memref<!tpu.dma_semaphore, #tpu.memory_space<semaphore_mem>>) src(%arg7 : memref<128x128xf32, #tpu.memory_space<vmem>>) dst(%dma_wait3A_128 : memref<128x128xf32, #tpu.memory_space<hbm>>)
      tpu.yield
    }) : () -> ()
    %add3A_69 = arith.constant 128 : i32
    %add3A_70 = arith.addi %mul3A_2, %add3A_69 : i32
    %dma_start3A_71 = arith.constant 0 : i32
    %dma_start3A_72 = tpu.memref_slice %arg9[%add3A_70, %dma_start3A_71] : memref<10240x128xf32, #tpu.memory_space<vmem_shared>> -> memref<128x128xf32, #tpu.memory_space<vmem_shared>>
    %dma_start3A_73 = arith.constant 0 : i32
    %dma_start3A_74 = tpu.memref_slice %arg9[%add3A_70, %dma_start3A_73] : memref<10240x128xf32, #tpu.memory_space<vmem_shared>> -> memref<128x128xf32, #tpu.memory_space<vmem_shared>>
    tpu.enqueue_dma source(%dma_start3A_74 : memref<128x128xf32, #tpu.memory_space<vmem_shared>>) target(%arg7 : memref<128x128xf32, #tpu.memory_space<vmem>>) target_semaphore(%arg10 : memref<!tpu.dma_semaphore, #tpu.memory_space<semaphore_mem>>)
    %dma_wait3A_75 = arith.constant 0 : i32
    %dma_wait3A_76 = tpu.memref_slice %arg9[%add3A_70, %dma_wait3A_75] : memref<10240x128xf32, #tpu.memory_space<vmem_shared>> -> memref<128x128xf32, #tpu.memory_space<vmem_shared>>
    %dma_wait3A_77 = arith.constant 0 : i32
    %dma_wait3A_78 = tpu.memref_slice %arg9[%add3A_70, %dma_wait3A_77] : memref<10240x128xf32, #tpu.memory_space<vmem_shared>> -> memref<128x128xf32, #tpu.memory_space<vmem_shared>>
    tpu.wait_dma2 semaphore(%arg10 : memref<!tpu.dma_semaphore, #tpu.memory_space<semaphore_mem>>) src(%dma_wait3A_78 : memref<128x128xf32, #tpu.memory_space<vmem_shared>>) dst(%arg7 : memref<128x128xf32, #tpu.memory_space<vmem>>)
    %add3A_79 = arith.constant 128 : i32
    %add3A_80 = arith.addi %mul3A_2, %add3A_79 : i32
    "tpu.region"() ({
      %run_scoped3A = tpu.sem_alloc : memref<!tpu.dma_semaphore, #tpu.memory_space<semaphore_mem>>
      %dma_start3A_117 = arith.constant 0 : i32
      %dma_start3A_118 = tpu.memref_slice %arg5[%arg0, %add3A_80, %dma_start3A_117] : memref<2x10240x128xf32, #tpu.memory_space<hbm>> -> memref<1x128x128xf32, #tpu.memory_space<hbm>>
      %dma_start3A_119 = tpu.memref_squeeze %dma_start3A_118 : memref<1x128x128xf32, #tpu.memory_space<hbm>> -> memref<128x128xf32, #tpu.memory_space<hbm>>
      %dma_start3A_120 = arith.constant 0 : i32
      %dma_start3A_121 = tpu.memref_slice %arg5[%arg0, %add3A_80, %dma_start3A_120] : memref<2x10240x128xf32, #tpu.memory_space<hbm>> -> memref<1x128x128xf32, #tpu.memory_space<hbm>>
      %dma_start3A_122 = tpu.memref_squeeze %dma_start3A_121 : memref<1x128x128xf32, #tpu.memory_space<hbm>> -> memref<128x128xf32, #tpu.memory_space<hbm>>
      tpu.enqueue_dma source(%arg7 : memref<128x128xf32, #tpu.memory_space<vmem>>) target(%dma_start3A_122 : memref<128x128xf32, #tpu.memory_space<hbm>>) target_semaphore(%run_scoped3A : memref<!tpu.dma_semaphore, #tpu.memory_space<semaphore_mem>>)
      %dma_wait3A_123 = arith.constant 0 : i32
      %dma_wait3A_124 = tpu.memref_slice %arg5[%arg0, %add3A_80, %dma_wait3A_123] : memref<2x10240x128xf32, #tpu.memory_space<hbm>> -> memref<1x128x128xf32, #tpu.memory_space<hbm>>
      %dma_wait3A_125 = tpu.memref_squeeze %dma_wait3A_124 : memref<1x128x128xf32, #tpu.memory_space<hbm>> -> memref<128x128xf32, #tpu.memory_space<hbm>>
      %dma_wait3A_126 = arith.constant 0 : i32
      %dma_wait3A_127 = tpu.memref_slice %arg5[%arg0, %add3A_80, %dma_wait3A_126] : memref<2x10240x128xf32, #tpu.memory_space<hbm>> -> memref<1x128x128xf32, #tpu.memory_space<hbm>>
      %dma_wait3A_128 = tpu.memref_squeeze %dma_wait3A_127 : memref<1x128x128xf32, #tpu.memory_space<hbm>> -> memref<128x128xf32, #tpu.memory_space<hbm>>
      tpu.wait_dma2 semaphore(%run_scoped3A : memref<!tpu.dma_semaphore, #tpu.memory_space<semaphore_mem>>) src(%arg7 : memref<128x128xf32, #tpu.memory_space<vmem>>) dst(%dma_wait3A_128 : memref<128x128xf32, #tpu.memory_space<hbm>>)
      tpu.yield
    }) : () -> ()
    %add3A_81 = arith.constant 256 : i32
    %add3A_82 = arith.addi %mul3A_2, %add3A_81 : i32
    %dma_start3A_83 = arith.constant 0 : i32
    %dma_start3A_84 = tpu.memref_slice %arg9[%add3A_82, %dma_start3A_83] : memref<10240x128xf32, #tpu.memory_space<vmem_shared>> -> memref<128x128xf32, #tpu.memory_space<vmem_shared>>
    %dma_start3A_85 = arith.constant 0 : i32
    %dma_start3A_86 = tpu.memref_slice %arg9[%add3A_82, %dma_start3A_85] : memref<10240x128xf32, #tpu.memory_space<vmem_shared>> -> memref<128x128xf32, #tpu.memory_space<vmem_shared>>
    tpu.enqueue_dma source(%dma_start3A_86 : memref<128x128xf32, #tpu.memory_space<vmem_shared>>) target(%arg7 : memref<128x128xf32, #tpu.memory_space<vmem>>) target_semaphore(%arg10 : memref<!tpu.dma_semaphore, #tpu.memory_space<semaphore_mem>>)
    %dma_wait3A_87 = arith.constant 0 : i32
    %dma_wait3A_88 = tpu.memref_slice %arg9[%add3A_82, %dma_wait3A_87] : memref<10240x128xf32, #tpu.memory_space<vmem_shared>> -> memref<128x128xf32, #tpu.memory_space<vmem_shared>>
    %dma_wait3A_89 = arith.constant 0 : i32
    %dma_wait3A_90 = tpu.memref_slice %arg9[%add3A_82, %dma_wait3A_89] : memref<10240x128xf32, #tpu.memory_space<vmem_shared>> -> memref<128x128xf32, #tpu.memory_space<vmem_shared>>
    tpu.wait_dma2 semaphore(%arg10 : memref<!tpu.dma_semaphore, #tpu.memory_space<semaphore_mem>>) src(%dma_wait3A_90 : memref<128x128xf32, #tpu.memory_space<vmem_shared>>) dst(%arg7 : memref<128x128xf32, #tpu.memory_space<vmem>>)
    %add3A_91 = arith.constant 256 : i32
    %add3A_92 = arith.addi %mul3A_2, %add3A_91 : i32
    "tpu.region"() ({
      %run_scoped3A = tpu.sem_alloc : memref<!tpu.dma_semaphore, #tpu.memory_space<semaphore_mem>>
      %dma_start3A_117 = arith.constant 0 : i32
      %dma_start3A_118 = tpu.memref_slice %arg5[%arg0, %add3A_92, %dma_start3A_117] : memref<2x10240x128xf32, #tpu.memory_space<hbm>> -> memref<1x128x128xf32, #tpu.memory_space<hbm>>
      %dma_start3A_119 = tpu.memref_squeeze %dma_start3A_118 : memref<1x128x128xf32, #tpu.memory_space<hbm>> -> memref<128x128xf32, #tpu.memory_space<hbm>>
      %dma_start3A_120 = arith.constant 0 : i32
      %dma_start3A_121 = tpu.memref_slice %arg5[%arg0, %add3A_92, %dma_start3A_120] : memref<2x10240x128xf32, #tpu.memory_space<hbm>> -> memref<1x128x128xf32, #tpu.memory_space<hbm>>
      %dma_start3A_122 = tpu.memref_squeeze %dma_start3A_121 : memref<1x128x128xf32, #tpu.memory_space<hbm>> -> memref<128x128xf32, #tpu.memory_space<hbm>>
      tpu.enqueue_dma source(%arg7 : memref<128x128xf32, #tpu.memory_space<vmem>>) target(%dma_start3A_122 : memref<128x128xf32, #tpu.memory_space<hbm>>) target_semaphore(%run_scoped3A : memref<!tpu.dma_semaphore, #tpu.memory_space<semaphore_mem>>)
      %dma_wait3A_123 = arith.constant 0 : i32
      %dma_wait3A_124 = tpu.memref_slice %arg5[%arg0, %add3A_92, %dma_wait3A_123] : memref<2x10240x128xf32, #tpu.memory_space<hbm>> -> memref<1x128x128xf32, #tpu.memory_space<hbm>>
      %dma_wait3A_125 = tpu.memref_squeeze %dma_wait3A_124 : memref<1x128x128xf32, #tpu.memory_space<hbm>> -> memref<128x128xf32, #tpu.memory_space<hbm>>
      %dma_wait3A_126 = arith.constant 0 : i32
      %dma_wait3A_127 = tpu.memref_slice %arg5[%arg0, %add3A_92, %dma_wait3A_126] : memref<2x10240x128xf32, #tpu.memory_space<hbm>> -> memref<1x128x128xf32, #tpu.memory_space<hbm>>
      %dma_wait3A_128 = tpu.memref_squeeze %dma_wait3A_127 : memref<1x128x128xf32, #tpu.memory_space<hbm>> -> memref<128x128xf32, #tpu.memory_space<hbm>>
      tpu.wait_dma2 semaphore(%run_scoped3A : memref<!tpu.dma_semaphore, #tpu.memory_space<semaphore_mem>>) src(%arg7 : memref<128x128xf32, #tpu.memory_space<vmem>>) dst(%dma_wait3A_128 : memref<128x128xf32, #tpu.memory_space<hbm>>)
      tpu.yield
    }) : () -> ()
    %add3A_93 = arith.constant 384 : i32
    %add3A_94 = arith.addi %mul3A_2, %add3A_93 : i32
    %dma_start3A_95 = arith.constant 0 : i32
    %dma_start3A_96 = tpu.memref_slice %arg9[%add3A_94, %dma_start3A_95] : memref<10240x128xf32, #tpu.memory_space<vmem_shared>> -> memref<128x128xf32, #tpu.memory_space<vmem_shared>>
    %dma_start3A_97 = arith.constant 0 : i32
    %dma_start3A_98 = tpu.memref_slice %arg9[%add3A_94, %dma_start3A_97] : memref<10240x128xf32, #tpu.memory_space<vmem_shared>> -> memref<128x128xf32, #tpu.memory_space<vmem_shared>>
    tpu.enqueue_dma source(%dma_start3A_98 : memref<128x128xf32, #tpu.memory_space<vmem_shared>>) target(%arg7 : memref<128x128xf32, #tpu.memory_space<vmem>>) target_semaphore(%arg10 : memref<!tpu.dma_semaphore, #tpu.memory_space<semaphore_mem>>)
    %dma_wait3A_99 = arith.constant 0 : i32
    %dma_wait3A_100 = tpu.memref_slice %arg9[%add3A_94, %dma_wait3A_99] : memref<10240x128xf32, #tpu.memory_space<vmem_shared>> -> memref<128x128xf32, #tpu.memory_space<vmem_shared>>
    %dma_wait3A_101 = arith.constant 0 : i32
    %dma_wait3A_102 = tpu.memref_slice %arg9[%add3A_94, %dma_wait3A_101] : memref<10240x128xf32, #tpu.memory_space<vmem_shared>> -> memref<128x128xf32, #tpu.memory_space<vmem_shared>>
    tpu.wait_dma2 semaphore(%arg10 : memref<!tpu.dma_semaphore, #tpu.memory_space<semaphore_mem>>) src(%dma_wait3A_102 : memref<128x128xf32, #tpu.memory_space<vmem_shared>>) dst(%arg7 : memref<128x128xf32, #tpu.memory_space<vmem>>)
    %add3A_103 = arith.constant 384 : i32
    %add3A_104 = arith.addi %mul3A_2, %add3A_103 : i32
    "tpu.region"() ({
      %run_scoped3A = tpu.sem_alloc : memref<!tpu.dma_semaphore, #tpu.memory_space<semaphore_mem>>
      %dma_start3A_117 = arith.constant 0 : i32
      %dma_start3A_118 = tpu.memref_slice %arg5[%arg0, %add3A_104, %dma_start3A_117] : memref<2x10240x128xf32, #tpu.memory_space<hbm>> -> memref<1x128x128xf32, #tpu.memory_space<hbm>>
      %dma_start3A_119 = tpu.memref_squeeze %dma_start3A_118 : memref<1x128x128xf32, #tpu.memory_space<hbm>> -> memref<128x128xf32, #tpu.memory_space<hbm>>
      %dma_start3A_120 = arith.constant 0 : i32
      %dma_start3A_121 = tpu.memref_slice %arg5[%arg0, %add3A_104, %dma_start3A_120] : memref<2x10240x128xf32, #tpu.memory_space<hbm>> -> memref<1x128x128xf32, #tpu.memory_space<hbm>>
      %dma_start3A_122 = tpu.memref_squeeze %dma_start3A_121 : memref<1x128x128xf32, #tpu.memory_space<hbm>> -> memref<128x128xf32, #tpu.memory_space<hbm>>
      tpu.enqueue_dma source(%arg7 : memref<128x128xf32, #tpu.memory_space<vmem>>) target(%dma_start3A_122 : memref<128x128xf32, #tpu.memory_space<hbm>>) target_semaphore(%run_scoped3A : memref<!tpu.dma_semaphore, #tpu.memory_space<semaphore_mem>>)
      %dma_wait3A_123 = arith.constant 0 : i32
      %dma_wait3A_124 = tpu.memref_slice %arg5[%arg0, %add3A_104, %dma_wait3A_123] : memref<2x10240x128xf32, #tpu.memory_space<hbm>> -> memref<1x128x128xf32, #tpu.memory_space<hbm>>
      %dma_wait3A_125 = tpu.memref_squeeze %dma_wait3A_124 : memref<1x128x128xf32, #tpu.memory_space<hbm>> -> memref<128x128xf32, #tpu.memory_space<hbm>>
      %dma_wait3A_126 = arith.constant 0 : i32
      %dma_wait3A_127 = tpu.memref_slice %arg5[%arg0, %add3A_104, %dma_wait3A_126] : memref<2x10240x128xf32, #tpu.memory_space<hbm>> -> memref<1x128x128xf32, #tpu.memory_space<hbm>>
      %dma_wait3A_128 = tpu.memref_squeeze %dma_wait3A_127 : memref<1x128x128xf32, #tpu.memory_space<hbm>> -> memref<128x128xf32, #tpu.memory_space<hbm>>
      tpu.wait_dma2 semaphore(%run_scoped3A : memref<!tpu.dma_semaphore, #tpu.memory_space<semaphore_mem>>) src(%arg7 : memref<128x128xf32, #tpu.memory_space<vmem>>) dst(%dma_wait3A_128 : memref<128x128xf32, #tpu.memory_space<hbm>>)
      tpu.yield
    }) : () -> ()
    %add3A_105 = arith.constant 512 : i32
    %add3A_106 = arith.addi %mul3A_2, %add3A_105 : i32
    %dma_start3A_107 = arith.constant 0 : i32
    %dma_start3A_108 = tpu.memref_slice %arg9[%add3A_106, %dma_start3A_107] : memref<10240x128xf32, #tpu.memory_space<vmem_shared>> -> memref<128x128xf32, #tpu.memory_space<vmem_shared>>
    %dma_start3A_109 = arith.constant 0 : i32
    %dma_start3A_110 = tpu.memref_slice %arg9[%add3A_106, %dma_start3A_109] : memref<10240x128xf32, #tpu.memory_space<vmem_shared>> -> memref<128x128xf32, #tpu.memory_space<vmem_shared>>
    tpu.enqueue_dma source(%dma_start3A_110 : memref<128x128xf32, #tpu.memory_space<vmem_shared>>) target(%arg7 : memref<128x128xf32, #tpu.memory_space<vmem>>) target_semaphore(%arg10 : memref<!tpu.dma_semaphore, #tpu.memory_space<semaphore_mem>>)
    %dma_wait3A_111 = arith.constant 0 : i32
    %dma_wait3A_112 = tpu.memref_slice %arg9[%add3A_106, %dma_wait3A_111] : memref<10240x128xf32, #tpu.memory_space<vmem_shared>> -> memref<128x128xf32, #tpu.memory_space<vmem_shared>>
    %dma_wait3A_113 = arith.constant 0 : i32
    %dma_wait3A_114 = tpu.memref_slice %arg9[%add3A_106, %dma_wait3A_113] : memref<10240x128xf32, #tpu.memory_space<vmem_shared>> -> memref<128x128xf32, #tpu.memory_space<vmem_shared>>
    tpu.wait_dma2 semaphore(%arg10 : memref<!tpu.dma_semaphore, #tpu.memory_space<semaphore_mem>>) src(%dma_wait3A_114 : memref<128x128xf32, #tpu.memory_space<vmem_shared>>) dst(%arg7 : memref<128x128xf32, #tpu.memory_space<vmem>>)
    %add3A_115 = arith.constant 512 : i32
    %add3A_116 = arith.addi %mul3A_2, %add3A_115 : i32
    "tpu.region"() ({
      %run_scoped3A = tpu.sem_alloc : memref<!tpu.dma_semaphore, #tpu.memory_space<semaphore_mem>>
      %dma_start3A_117 = arith.constant 0 : i32
      %dma_start3A_118 = tpu.memref_slice %arg5[%arg0, %add3A_116, %dma_start3A_117] : memref<2x10240x128xf32, #tpu.memory_space<hbm>> -> memref<1x128x128xf32, #tpu.memory_space<hbm>>
      %dma_start3A_119 = tpu.memref_squeeze %dma_start3A_118 : memref<1x128x128xf32, #tpu.memory_space<hbm>> -> memref<128x128xf32, #tpu.memory_space<hbm>>
      %dma_start3A_120 = arith.constant 0 : i32
      %dma_start3A_121 = tpu.memref_slice %arg5[%arg0, %add3A_116, %dma_start3A_120] : memref<2x10240x128xf32, #tpu.memory_space<hbm>> -> memref<1x128x128xf32, #tpu.memory_space<hbm>>
      %dma_start3A_122 = tpu.memref_squeeze %dma_start3A_121 : memref<1x128x128xf32, #tpu.memory_space<hbm>> -> memref<128x128xf32, #tpu.memory_space<hbm>>
      tpu.enqueue_dma source(%arg7 : memref<128x128xf32, #tpu.memory_space<vmem>>) target(%dma_start3A_122 : memref<128x128xf32, #tpu.memory_space<hbm>>) target_semaphore(%run_scoped3A : memref<!tpu.dma_semaphore, #tpu.memory_space<semaphore_mem>>)
      %dma_wait3A_123 = arith.constant 0 : i32
      %dma_wait3A_124 = tpu.memref_slice %arg5[%arg0, %add3A_116, %dma_wait3A_123] : memref<2x10240x128xf32, #tpu.memory_space<hbm>> -> memref<1x128x128xf32, #tpu.memory_space<hbm>>
      %dma_wait3A_125 = tpu.memref_squeeze %dma_wait3A_124 : memref<1x128x128xf32, #tpu.memory_space<hbm>> -> memref<128x128xf32, #tpu.memory_space<hbm>>
      %dma_wait3A_126 = arith.constant 0 : i32
      %dma_wait3A_127 = tpu.memref_slice %arg5[%arg0, %add3A_116, %dma_wait3A_126] : memref<2x10240x128xf32, #tpu.memory_space<hbm>> -> memref<1x128x128xf32, #tpu.memory_space<hbm>>
      %dma_wait3A_128 = tpu.memref_squeeze %dma_wait3A_127 : memref<1x128x128xf32, #tpu.memory_space<hbm>> -> memref<128x128xf32, #tpu.memory_space<hbm>>
      tpu.wait_dma2 semaphore(%run_scoped3A : memref<!tpu.dma_semaphore, #tpu.memory_space<semaphore_mem>>) src(%arg7 : memref<128x128xf32, #tpu.memory_space<vmem>>) dst(%dma_wait3A_128 : memref<128x128xf32, #tpu.memory_space<hbm>>)
      tpu.yield
    }) : () -> ()
    return
  }
}

module attributes {stable_mosaic.version = 14 : i64} {
  func.func @_pre_body(%arg0: i32, %arg1: memref<1000x128xf32, #tpu.memory_space<vmem>>, %arg2: memref<128x128xf32, #tpu.memory_space<vmem>>, %arg3: memref<128x128xf32, #tpu.memory_space<vmem>>, %arg4: memref<1000x128xf32, #tpu.memory_space<vmem>>, %arg5: memref<1000x128xf32, #tpu.memory_space<vmem>>) attributes {dimension_semantics = [#tpu.dimension_semantics<arbitrary>], iteration_bounds = array<i64: 10>, scalar_prefetch = 0 : i64, scratch_operands = 0 : i64, tpu.core_type = #tpu.core_type<tc>, window_params = [{transform_indices = @transform_0, window_bounds = array<i64: 1000, 128>}, {pipeline_mode = #tpu.pipeline_mode<synchronous>, transform_indices = @transform_1, window_bounds = array<i64: 128, 128>}, {pipeline_mode = #tpu.pipeline_mode<synchronous>, transform_indices = @transform_2, window_bounds = array<i64: 128, 128>}, {transform_indices = @transform_3, window_bounds = array<i64: 1000, 128>}, {transform_indices = @transform_4, window_bounds = array<i64: 1000, 128>}]} {
    %get3A = arith.constant 0 : index
    %get3A_0 = arith.constant 0 : index
    %get3A_1 = vector.load %arg1[%get3A, %get3A_0] : memref<1000x128xf32, #tpu.memory_space<vmem>>, vector<1000x128xf32>
    %get3A_2 = arith.constant 0 : index
    %get3A_3 = arith.constant 0 : index
    %get3A_4 = vector.load %arg2[%get3A_2, %get3A_3] : memref<128x128xf32, #tpu.memory_space<vmem>>, vector<128x128xf32>
    %dot_general3A = arith.constant dense<0.000000e+00> : vector<1000x128xf32>
    %dot_general3A_5 = tpu.matmul %get3A_1, %get3A_4, %dot_general3A {dimension_numbers = #tpu.dot_dimension_numbers<[1], [1], [0], [0], [0, 0, 1, 0], [], []>, transpose_lhs_hint = false} : vector<1000x128xf32>, vector<128x128xf32>, vector<1000x128xf32> -> vector<1000x128xf32>
    %swap3A = arith.constant 0 : index
    %swap3A_6 = arith.constant 0 : index
    %swap3A_7 = vector.load %arg4[%swap3A, %swap3A_6] : memref<1000x128xf32, #tpu.memory_space<vmem>>, vector<1000x128xf32>
    tpu.vector_store %arg4[%swap3A, %swap3A_6], %dot_general3A_5 {strides = array<i32>} : memref<1000x128xf32, #tpu.memory_space<vmem>>, vector<1000x128xf32>,
    %get3A_8 = arith.constant 0 : index
    %get3A_9 = arith.constant 0 : index
    %get3A_10 = vector.load %arg3[%get3A_8, %get3A_9] : memref<128x128xf32, #tpu.memory_space<vmem>>, vector<128x128xf32>
    %dot_general3A_11 = arith.constant dense<0.000000e+00> : vector<1000x128xf32>
    %dot_general3A_12 = tpu.matmul %get3A_1, %get3A_10, %dot_general3A_11 {dimension_numbers = #tpu.dot_dimension_numbers<[1], [1], [0], [0], [0, 0, 1, 0], [], []>, transpose_lhs_hint = false} : vector<1000x128xf32>, vector<128x128xf32>, vector<1000x128xf32> -> vector<1000x128xf32>
    %swap3A_13 = arith.constant 0 : index
    %swap3A_14 = arith.constant 0 : index
    %swap3A_15 = vector.load %arg5[%swap3A_13, %swap3A_14] : memref<1000x128xf32, #tpu.memory_space<vmem>>, vector<1000x128xf32>
    tpu.vector_store %arg5[%swap3A_13, %swap3A_14], %dot_general3A_12 {strides = array<i32>} : memref<1000x128xf32, #tpu.memory_space<vmem>>, vector<1000x128xf32>,
    return
  }
  func.func @transform_0(%arg0: i32) -> (i32, i32) {
    %c0_i32 = arith.constant 0 : i32
    %c0_i32_0 = arith.constant 0 : i32
    return %arg0, %c0_i32 : i32, i32
  }
  func.func @transform_1(%arg0: i32) -> (i32, i32) {
    %c0_i32 = arith.constant 0 : i32
    %c0_i32_0 = arith.constant 0 : i32
    %c0_i32_1 = arith.constant 0 : i32
    return %c0_i32, %c0_i32_0 : i32, i32
  }
  func.func @transform_2(%arg0: i32) -> (i32, i32) {
    %c0_i32 = arith.constant 0 : i32
    %c0_i32_0 = arith.constant 0 : i32
    %c0_i32_1 = arith.constant 0 : i32
    return %c0_i32, %c0_i32_0 : i32, i32
  }
  func.func @transform_3(%arg0: i32) -> (i32, i32) {
    %c0_i32 = arith.constant 0 : i32
    %c0_i32_0 = arith.constant 0 : i32
    return %arg0, %c0_i32 : i32, i32
  }
  func.func @transform_4(%arg0: i32) -> (i32, i32) {
    %c0_i32 = arith.constant 0 : i32
    %c0_i32_0 = arith.constant 0 : i32
    return %arg0, %c0_i32 : i32, i32
  }
}

module attributes {stable_mosaic.version = 14 : i64} {
  func.func @_mid_body(%arg0: i32, %arg1: memref<2x1000x128xf32, #tpu.memory_space<vmem>>, %arg2: memref<2x1000x128xf32, #tpu.memory_space<vmem>>, %arg3: memref<1000x128xf32, #tpu.memory_space<vmem>>, %arg4: memref<1x128xf32, #tpu.memory_space<vmem>>, %arg5: memref<128x128xf32, #tpu.memory_space<vmem>>, %arg6: memref<128x128xf32, #tpu.memory_space<vmem>>, %arg7: memref<1000x128xf32, #tpu.memory_space<vmem>>, %arg8: memref<1000x128xf32, #tpu.memory_space<vmem>>) attributes {dimension_semantics = [#tpu.dimension_semantics<arbitrary>], iteration_bounds = array<i64: 10>, scalar_prefetch = 0 : i64, scratch_operands = 0 : i64, tpu.core_type = #tpu.core_type<tc>, window_params = [{transform_indices = @transform_0, window_bounds = array<i64: 2, 1000, 128>}, {transform_indices = @transform_1, window_bounds = array<i64: 2, 1000, 128>}, {transform_indices = @transform_2, window_bounds = array<i64: 1000, 128>}, {pipeline_mode = #tpu.pipeline_mode<synchronous>, transform_indices = @transform_3, window_bounds = array<i64: 1, 128>}, {pipeline_mode = #tpu.pipeline_mode<synchronous>, transform_indices = @transform_4, window_bounds = array<i64: 128, 128>}, {pipeline_mode = #tpu.pipeline_mode<synchronous>, transform_indices = @transform_5, window_bounds = array<i64: 128, 128>}, {transform_indices = @transform_6, window_bounds = array<i64: 1000, 128>}, {transform_indices = @transform_7, window_bounds = array<i64: 1000, 128>}]} {
    %get3A = arith.constant 0 : index
    %get3A_0 = arith.constant 0 : index
    %get3A_1 = arith.constant 0 : index
    %get3A_2 = vector.load %arg1[%get3A, %get3A_0, %get3A_1] : memref<2x1000x128xf32, #tpu.memory_space<vmem>>, vector<1x1000x128xf32>
    %get3A_3 = vector.shape_cast %get3A_2 : vector<1x1000x128xf32> to vector<1000x128xf32>
    %get3A_4 = arith.constant 1 : index
    %get3A_5 = arith.constant 0 : index
    %get3A_6 = arith.constant 0 : index
    %get3A_7 = vector.load %arg1[%get3A_4, %get3A_5, %get3A_6] : memref<2x1000x128xf32, #tpu.memory_space<vmem>>, vector<1x1000x128xf32>
    %get3A_8 = vector.shape_cast %get3A_7 : vector<1x1000x128xf32> to vector<1000x128xf32>
    %add3A = arith.addf %get3A_3, %get3A_8 : vector<1000x128xf32>
    %get3A_9 = arith.constant 0 : index
    %get3A_10 = arith.constant 0 : index
    %get3A_11 = arith.constant 0 : index
    %get3A_12 = vector.load %arg2[%get3A_9, %get3A_10, %get3A_11] : memref<2x1000x128xf32, #tpu.memory_space<vmem>>, vector<1x1000x128xf32>
    %get3A_13 = vector.shape_cast %get3A_12 : vector<1x1000x128xf32> to vector<1000x128xf32>
    %slice3A = vector.extract_strided_slice %get3A_13 {offsets = [0, 0], sizes = [1000, 1], strides = [1, 1]} : vector<1000x128xf32> to vector<1000x1xf32>
    %get3A_14 = arith.constant 1 : index
    %get3A_15 = arith.constant 0 : index
    %get3A_16 = arith.constant 0 : index
    %get3A_17 = vector.load %arg2[%get3A_14, %get3A_15, %get3A_16] : memref<2x1000x128xf32, #tpu.memory_space<vmem>>, vector<1x1000x128xf32>
    %get3A_18 = vector.shape_cast %get3A_17 : vector<1x1000x128xf32> to vector<1000x128xf32>
    %slice3A_19 = vector.extract_strided_slice %get3A_18 {offsets = [0, 0], sizes = [1000, 1], strides = [1, 1]} : vector<1000x128xf32> to vector<1000x1xf32>
    %add3A_20 = arith.addf %slice3A, %slice3A_19 : vector<1000x1xf32>
    %max3A = arith.constant 1.000000e+00 : f32
    %max3A_21 = vector.broadcast %max3A : f32 to vector<1000x1xf32>
    %max3A_22 = arith.maximumf %add3A_20, %max3A_21 : vector<1000x1xf32>
    %div3A = vector.broadcast %max3A_22 : vector<1000x1xf32> to vector<1000x128xf32>
    %div3A_23 = arith.divf %add3A, %div3A : vector<1000x128xf32>
    %get3A_24 = arith.constant 0 : index
    %get3A_25 = arith.constant 0 : index
    %get3A_26 = vector.load %arg4[%get3A_24, %get3A_25] : memref<1x128xf32, #tpu.memory_space<vmem>>, vector<1x128xf32>
    %add3A_27 = vector.broadcast %get3A_26 : vector<1x128xf32> to vector<1000x128xf32>
    %add3A_28 = arith.addf %div3A_23, %add3A_27 : vector<1000x128xf32>
    %get3A_29 = arith.constant 0 : index
    %get3A_30 = arith.constant 0 : index
    %get3A_31 = vector.load %arg3[%get3A_29, %get3A_30] : memref<1000x128xf32, #tpu.memory_space<vmem>>, vector<1000x128xf32>
    %add3A_32 = arith.addf %add3A_28, %get3A_31 : vector<1000x128xf32>
    %max3A_33 = arith.constant 0.000000e+00 : f32
    %max3A_34 = vector.broadcast %max3A_33 : f32 to vector<1000x128xf32>
    %max3A_35 = arith.maximumf %add3A_32, %max3A_34 : vector<1000x128xf32>
    %get3A_36 = arith.constant 0 : index
    %get3A_37 = arith.constant 0 : index
    %get3A_38 = vector.load %arg5[%get3A_36, %get3A_37] : memref<128x128xf32, #tpu.memory_space<vmem>>, vector<128x128xf32>
    %dot_general3A = arith.constant dense<0.000000e+00> : vector<1000x128xf32>
    %dot_general3A_39 = tpu.matmul %max3A_35, %get3A_38, %dot_general3A {dimension_numbers = #tpu.dot_dimension_numbers<[1], [1], [0], [0], [0, 0, 1, 0], [], []>, transpose_lhs_hint = false} : vector<1000x128xf32>, vector<128x128xf32>, vector<1000x128xf32> -> vector<1000x128xf32>
    %swap3A = arith.constant 0 : index
    %swap3A_40 = arith.constant 0 : index
    %swap3A_41 = vector.load %arg7[%swap3A, %swap3A_40] : memref<1000x128xf32, #tpu.memory_space<vmem>>, vector<1000x128xf32>
    tpu.vector_store %arg7[%swap3A, %swap3A_40], %dot_general3A_39 {strides = array<i32>} : memref<1000x128xf32, #tpu.memory_space<vmem>>, vector<1000x128xf32>,
    %get3A_42 = arith.constant 0 : index
    %get3A_43 = arith.constant 0 : index
    %get3A_44 = vector.load %arg6[%get3A_42, %get3A_43] : memref<128x128xf32, #tpu.memory_space<vmem>>, vector<128x128xf32>
    %dot_general3A_45 = arith.constant dense<0.000000e+00> : vector<1000x128xf32>
    %dot_general3A_46 = tpu.matmul %max3A_35, %get3A_44, %dot_general3A_45 {dimension_numbers = #tpu.dot_dimension_numbers<[1], [1], [0], [0], [0, 0, 1, 0], [], []>, transpose_lhs_hint = false} : vector<1000x128xf32>, vector<128x128xf32>, vector<1000x128xf32> -> vector<1000x128xf32>
    %swap3A_47 = arith.constant 0 : index
    %swap3A_48 = arith.constant 0 : index
    %swap3A_49 = vector.load %arg8[%swap3A_47, %swap3A_48] : memref<1000x128xf32, #tpu.memory_space<vmem>>, vector<1000x128xf32>
    tpu.vector_store %arg8[%swap3A_47, %swap3A_48], %dot_general3A_46 {strides = array<i32>} : memref<1000x128xf32, #tpu.memory_space<vmem>>, vector<1000x128xf32>,
    return
  }
  func.func @transform_0(%arg0: i32) -> (i32, i32, i32) {
    %c0_i32 = arith.constant 0 : i32
    %c0_i32_0 = arith.constant 0 : i32
    %c0_i32_1 = arith.constant 0 : i32
    return %c0_i32, %arg0, %c0_i32_0 : i32, i32, i32
  }
  func.func @transform_1(%arg0: i32) -> (i32, i32, i32) {
    %c0_i32 = arith.constant 0 : i32
    %c0_i32_0 = arith.constant 0 : i32
    %c0_i32_1 = arith.constant 0 : i32
    return %c0_i32, %arg0, %c0_i32_0 : i32, i32, i32
  }
  func.func @transform_2(%arg0: i32) -> (i32, i32) {
    %c0_i32 = arith.constant 0 : i32
    %c0_i32_0 = arith.constant 0 : i32
    return %arg0, %c0_i32 : i32, i32
  }
  func.func @transform_3(%arg0: i32) -> (i32, i32) {
    %c0_i32 = arith.constant 0 : i32
    %c0_i32_0 = arith.constant 0 : i32
    %c0_i32_1 = arith.constant 0 : i32
    return %c0_i32, %c0_i32_0 : i32, i32
  }
  func.func @transform_4(%arg0: i32) -> (i32, i32) {
    %c0_i32 = arith.constant 0 : i32
    %c0_i32_0 = arith.constant 0 : i32
    %c0_i32_1 = arith.constant 0 : i32
    return %c0_i32, %c0_i32_0 : i32, i32
  }
  func.func @transform_5(%arg0: i32) -> (i32, i32) {
    %c0_i32 = arith.constant 0 : i32
    %c0_i32_0 = arith.constant 0 : i32
    %c0_i32_1 = arith.constant 0 : i32
    return %c0_i32, %c0_i32_0 : i32, i32
  }
  func.func @transform_6(%arg0: i32) -> (i32, i32) {
    %c0_i32 = arith.constant 0 : i32
    %c0_i32_0 = arith.constant 0 : i32
    return %arg0, %c0_i32 : i32, i32
  }
  func.func @transform_7(%arg0: i32) -> (i32, i32) {
    %c0_i32 = arith.constant 0 : i32
    %c0_i32_0 = arith.constant 0 : i32
    return %arg0, %c0_i32 : i32, i32
  }
}

module attributes {stable_mosaic.version = 14 : i64} {
  func.func @_fin_body(%arg0: i32, %arg1: memref<2x1000x128xf32, #tpu.memory_space<vmem>>, %arg2: memref<2x1000x128xf32, #tpu.memory_space<vmem>>, %arg3: memref<1000x128xf32, #tpu.memory_space<vmem>>, %arg4: memref<1x128xf32, #tpu.memory_space<vmem>>, %arg5: memref<128x128xf32, #tpu.memory_space<vmem>>, %arg6: memref<1x128xf32, #tpu.memory_space<vmem>>, %arg7: memref<1000x128xf32, #tpu.memory_space<vmem>>) attributes {dimension_semantics = [#tpu.dimension_semantics<arbitrary>], iteration_bounds = array<i64: 10>, scalar_prefetch = 0 : i64, scratch_operands = 0 : i64, tpu.core_type = #tpu.core_type<tc>, window_params = [{transform_indices = @transform_0, window_bounds = array<i64: 2, 1000, 128>}, {transform_indices = @transform_1, window_bounds = array<i64: 2, 1000, 128>}, {transform_indices = @transform_2, window_bounds = array<i64: 1000, 128>}, {pipeline_mode = #tpu.pipeline_mode<synchronous>, transform_indices = @transform_3, window_bounds = array<i64: 1, 128>}, {pipeline_mode = #tpu.pipeline_mode<synchronous>, transform_indices = @transform_4, window_bounds = array<i64: 128, 128>}, {pipeline_mode = #tpu.pipeline_mode<synchronous>, transform_indices = @transform_5, window_bounds = array<i64: 1, 128>}, {transform_indices = @transform_6, window_bounds = array<i64: 1000, 128>}]} {
    %get3A = arith.constant 0 : index
    %get3A_0 = arith.constant 0 : index
    %get3A_1 = arith.constant 0 : index
    %get3A_2 = vector.load %arg1[%get3A, %get3A_0, %get3A_1] : memref<2x1000x128xf32, #tpu.memory_space<vmem>>, vector<1x1000x128xf32>
    %get3A_3 = vector.shape_cast %get3A_2 : vector<1x1000x128xf32> to vector<1000x128xf32>
    %get3A_4 = arith.constant 1 : index
    %get3A_5 = arith.constant 0 : index
    %get3A_6 = arith.constant 0 : index
    %get3A_7 = vector.load %arg1[%get3A_4, %get3A_5, %get3A_6] : memref<2x1000x128xf32, #tpu.memory_space<vmem>>, vector<1x1000x128xf32>
    %get3A_8 = vector.shape_cast %get3A_7 : vector<1x1000x128xf32> to vector<1000x128xf32>
    %add3A = arith.addf %get3A_3, %get3A_8 : vector<1000x128xf32>
    %get3A_9 = arith.constant 0 : index
    %get3A_10 = arith.constant 0 : index
    %get3A_11 = arith.constant 0 : index
    %get3A_12 = vector.load %arg2[%get3A_9, %get3A_10, %get3A_11] : memref<2x1000x128xf32, #tpu.memory_space<vmem>>, vector<1x1000x128xf32>
    %get3A_13 = vector.shape_cast %get3A_12 : vector<1x1000x128xf32> to vector<1000x128xf32>
    %slice3A = vector.extract_strided_slice %get3A_13 {offsets = [0, 0], sizes = [1000, 1], strides = [1, 1]} : vector<1000x128xf32> to vector<1000x1xf32>
    %get3A_14 = arith.constant 1 : index
    %get3A_15 = arith.constant 0 : index
    %get3A_16 = arith.constant 0 : index
    %get3A_17 = vector.load %arg2[%get3A_14, %get3A_15, %get3A_16] : memref<2x1000x128xf32, #tpu.memory_space<vmem>>, vector<1x1000x128xf32>
    %get3A_18 = vector.shape_cast %get3A_17 : vector<1x1000x128xf32> to vector<1000x128xf32>
    %slice3A_19 = vector.extract_strided_slice %get3A_18 {offsets = [0, 0], sizes = [1000, 1], strides = [1, 1]} : vector<1000x128xf32> to vector<1000x1xf32>
    %add3A_20 = arith.addf %slice3A, %slice3A_19 : vector<1000x1xf32>
    %max3A = arith.constant 1.000000e+00 : f32
    %max3A_21 = vector.broadcast %max3A : f32 to vector<1000x1xf32>
    %max3A_22 = arith.maximumf %add3A_20, %max3A_21 : vector<1000x1xf32>
    %div3A = vector.broadcast %max3A_22 : vector<1000x1xf32> to vector<1000x128xf32>
    %div3A_23 = arith.divf %add3A, %div3A : vector<1000x128xf32>
    %get3A_24 = arith.constant 0 : index
    %get3A_25 = arith.constant 0 : index
    %get3A_26 = vector.load %arg4[%get3A_24, %get3A_25] : memref<1x128xf32, #tpu.memory_space<vmem>>, vector<1x128xf32>
    %add3A_27 = vector.broadcast %get3A_26 : vector<1x128xf32> to vector<1000x128xf32>
    %add3A_28 = arith.addf %div3A_23, %add3A_27 : vector<1000x128xf32>
    %get3A_29 = arith.constant 0 : index
    %get3A_30 = arith.constant 0 : index
    %get3A_31 = vector.load %arg3[%get3A_29, %get3A_30] : memref<1000x128xf32, #tpu.memory_space<vmem>>, vector<1000x128xf32>
    %add3A_32 = arith.addf %add3A_28, %get3A_31 : vector<1000x128xf32>
    %max3A_33 = arith.constant 0.000000e+00 : f32
    %max3A_34 = vector.broadcast %max3A_33 : f32 to vector<1000x128xf32>
    %max3A_35 = arith.maximumf %add3A_32, %max3A_34 : vector<1000x128xf32>
    %get3A_36 = arith.constant 0 : index
    %get3A_37 = arith.constant 0 : index
    %get3A_38 = vector.load %arg5[%get3A_36, %get3A_37] : memref<128x128xf32, #tpu.memory_space<vmem>>, vector<128x128xf32>
    %dot_general3A = arith.constant dense<0.000000e+00> : vector<1000x128xf32>
    %dot_general3A_39 = tpu.matmul %max3A_35, %get3A_38, %dot_general3A {dimension_numbers = #tpu.dot_dimension_numbers<[1], [1], [0], [0], [0, 0, 1, 0], [], []>, transpose_lhs_hint = false} : vector<1000x128xf32>, vector<128x128xf32>, vector<1000x128xf32> -> vector<1000x128xf32>
    %get3A_40 = arith.constant 0 : index
    %get3A_41 = arith.constant 0 : index
    %get3A_42 = vector.load %arg6[%get3A_40, %get3A_41] : memref<1x128xf32, #tpu.memory_space<vmem>>, vector<1x128xf32>
    %add3A_43 = vector.broadcast %get3A_42 : vector<1x128xf32> to vector<1000x128xf32>
    %add3A_44 = arith.addf %dot_general3A_39, %add3A_43 : vector<1000x128xf32>
    %swap3A = arith.constant 0 : index
    %swap3A_45 = arith.constant 0 : index
    %swap3A_46 = vector.load %arg7[%swap3A, %swap3A_45] : memref<1000x128xf32, #tpu.memory_space<vmem>>, vector<1000x128xf32>
    tpu.vector_store %arg7[%swap3A, %swap3A_45], %add3A_44 {strides = array<i32>} : memref<1000x128xf32, #tpu.memory_space<vmem>>, vector<1000x128xf32>,
    return
  }
  func.func @transform_0(%arg0: i32) -> (i32, i32, i32) {
    %c0_i32 = arith.constant 0 : i32
    %c0_i32_0 = arith.constant 0 : i32
    %c0_i32_1 = arith.constant 0 : i32
    return %c0_i32, %arg0, %c0_i32_0 : i32, i32, i32
  }
  func.func @transform_1(%arg0: i32) -> (i32, i32, i32) {
    %c0_i32 = arith.constant 0 : i32
    %c0_i32_0 = arith.constant 0 : i32
    %c0_i32_1 = arith.constant 0 : i32
    return %c0_i32, %arg0, %c0_i32_0 : i32, i32, i32
  }
  func.func @transform_2(%arg0: i32) -> (i32, i32) {
    %c0_i32 = arith.constant 0 : i32
    %c0_i32_0 = arith.constant 0 : i32
    return %arg0, %c0_i32 : i32, i32
  }
  func.func @transform_3(%arg0: i32) -> (i32, i32) {
    %c0_i32 = arith.constant 0 : i32
    %c0_i32_0 = arith.constant 0 : i32
    %c0_i32_1 = arith.constant 0 : i32
    return %c0_i32, %c0_i32_0 : i32, i32
  }
  func.func @transform_4(%arg0: i32) -> (i32, i32) {
    %c0_i32 = arith.constant 0 : i32
    %c0_i32_0 = arith.constant 0 : i32
    %c0_i32_1 = arith.constant 0 : i32
    return %c0_i32, %c0_i32_0 : i32, i32
  }
  func.func @transform_5(%arg0: i32) -> (i32, i32) {
    %c0_i32 = arith.constant 0 : i32
    %c0_i32_0 = arith.constant 0 : i32
    %c0_i32_1 = arith.constant 0 : i32
    return %c0_i32, %c0_i32_0 : i32, i32
  }
  func.func @transform_6(%arg0: i32) -> (i32, i32) {
    %c0_i32 = arith.constant 0 : i32
    %c0_i32_0 = arith.constant 0 : i32
    return %arg0, %c0_i32 : i32, i32
  }
}

</mosaic_0001>

<sc_bundles>
// kernel: kernel.10.cloned.1.call-start
scs
__scs_entry_jumppad:
0x0: {  	(pc) =	sbr.rel $0x88, $3  }
0x1: {  	(tag) =	ssettag $0x0;
	lr =	simm.s32 $0x1  }
0x2: {  	[smem:$0x3F97] =	sst lr;
	_ =	strace $0xD0000000  }
0x3: {  	_ = 	snop  }
0x4: {  	_ = 	snop  }
0x5: {  	_ = 	snop  }
0x6: {  	_ = 	snop  }
0x7: {  	_ = 	snop  }
__scs_overlays_trampoline_lowered:
0x8: {  	[smem:$0x3FA6] =	sst s0  }
0x9: {  	[smem:$0x3FA7] =	sst s1  }
0xa: {  	[smem:$0x3FA8] =	sst s2  }
0xb: {  	[smem:$0x3FA9] =	sst s3  }
0xc: {  	[smem:$0x3FAA] =	sst s4  }
0xd: {  	[smem:$0x3FAB] =	sst s5  }
0xe: {  	[smem:$0x3FAC] =	sst s6  }
0xf: {  	[smem:$0x3FAD] =	sst s7  }
0x10: {  	[smem:$0x3FAE] =	sst s8  }
0x11: {  	[smem:$0x3FAF] =	sst s9;
	s0 =	simm.s32 @!p0 $0x0  }
0x12: {  	s1 =	sld [smem:$0x3F95];
	s0 =	simm.s32 @p0 $0x1  }
0x13: {  	[smem:$0x3FB0] =	sst s0;
	s0 =	simm.s32 @!p1 $0x0  }
0x14: {  	s2 =	sld [smem:$0x3F94];
	s0 =	simm.s32 @p1 $0x1  }
0x15: {  	[smem:$0x3FB1] =	sst s0;
	s0 =	simm.s32 @!p2 $0x0  }
0x16: {  	s3 =	sld [smem:$0x3FDB];
	s0 =	simm.s32 @p2 $0x1  }
0x17: {  	s4 =	simm.s32 $0x1BF5;
	[smem:$0x3FB3] =	sst s0  }
0x18: {  	s0 =	sld [smem:$0x3F96];
	_ =	swait.ge [sflag:s4], $0x0  }
0x19: {  	s7 =	sld [smem:$0x3F97]  }
0x1a: {  	s8 =	sadd.s32 $0xFFFFE003, lr  }
0x1b: {  	s9 =	sadd.s32 $0xFFFFFEF7, lr;
	s5 =	simm.s32 $0xFFFFFFFF;
	p2 =	slt.u32 s8, $0xFFFFF086  }
0x1c: {  	p1 =	slt.u32 s9, $0xF7A;
	s5 =	simm.s32 @!p2 $0x0  }
0x1d: {  	s5 =	simm.s32 @p1 $0x1;
	p0 =	seq.s32 s7, s2  }
0x1e: {  	s7 =	smul.u32 @!p0 $0xF7A, s2;
	p2 =	seq.s32 @!p0 s5, $0x0  }
0x1f: {  	s9 =	smul.u32 $0xF7A, s1;
	s8 =	simm.s32 @!p0 $0x1BF5;
	p2 =	por !p2, p0  }
0x20: {  	[sflag:s8] =	ssyncset.s32 @!p0 $0xFFFFF086;
	s6 =	sadd.s32 @!p0 s3, s7;
	s7 =	simm.s32 @!p0 $0x108  }
0x21: {  	s3 =	sadd.s32 s3, s9;
	s6 =	sadd.s32 @!p0 $0x88, s6;
	s7 =	simm.s32 @p2 $0x1082  }
0x22: {  	[simem:s7], [sflag:s8] =	dma.local @!p0 [hbm:s6], $0xF7A  }
0x23: {  	s9 =	sor.u32 $0xD0000000, s2;
	s6 =	simm.s32 $0x108;
	_ =	swait.ge @!p0 [sflag:s8], $0x0  }
0x24: {  	s3 =	sadd.s32 $0x88, s3;
	s6 =	simm.s32 @!p1 $0x1082;
	[sflag:s4] =	ssyncset.s32 $0xFFFFF086  }
0x25: {  	[simem:s6], [sflag:s4] =	dma.local [hbm:s3], $0xF7A  }
0x26: {  	[smem:$0x3F97] =	sst s1;
	(tag) =	ssettag s2;
	_ =	strace s9  }
0x27: {  	s1 =	sld [smem:$0x3FA7]  }
0x28: {  	s2 =	sld [smem:$0x3FA8]  }
0x29: {  	s4 =	sld [smem:$0x3FAA]  }
0x2a: {  	p0 =	seq.s32 s5, $0x0;
	s5 =	sld [smem:$0x3FAB]  }
0x2b: {  	s6 =	sld [smem:$0x3FAC]  }
0x2c: {  	s7 =	sld [smem:$0x3FAD]  }
0x2d: {  	s3 =	simm.s32 $0x108;
	s8 =	sld [smem:$0x3FAE]  }
0x2e: {  	s3 =	simm.s32 @!p0 $0x1082;
	s9 =	sld [smem:$0x3FAF]  }
0x2f: {  	lr =	sadd.s32 s0, s3;
	s0 =	sld [smem:$0x3FA6]  }
0x30: {  	s3 =	sld [smem:$0x3FA9]  }
0x31: {  	[smem:$0x3FB2] =	sst s10  }
0x32: {  	s10 =	sld [smem:$0x3FB0];
	_ =	sdelay $0x3  }
0x33: {  	p0 =	seq.s32 s10, $0x1;
	s10 =	sld [smem:$0x3FB2];
	_ =	sdelay $0x3  }
0x34: {  	[smem:$0x3FB2] =	sst s10  }
0x35: {  	s10 =	sld [smem:$0x3FB1];
	_ =	sdelay $0x3  }
0x36: {  	p1 =	seq.s32 s10, $0x1;
	s10 =	sld [smem:$0x3FB2];
	_ =	sdelay $0x3  }
0x37: {  	[smem:$0x3FB2] =	sst s10  }
0x38: {  	s10 =	sld [smem:$0x3FB3]  }
0x39: {  	_ = 	snop;
	(pc) =	sbr.ind lr, $3  }
0x3a: {  	_ = 	snop  }
0x3b: {  	_ = 	snop  }
0x3c: {  	p2 =	seq.s32 s10, $0x1;
	s10 =	sld [smem:$0x3FB2]  }
0x3d: {  	_ =	shalt  }
0x3e: {  	_ =	shalt  }
0x3f: {  	_ =	shalt  }
0x40: {  	_ =	shalt  }
0x41: {  	_ =	shalt  }
0x42: {  	_ =	shalt  }
0x43: {  	_ =	shalt  }
0x44: {  	_ =	shalt  }
0x45: {  	_ =	shalt  }
0x46: {  	_ =	shalt  }
0x47: {  	_ =	shalt  }
0x48: {  	_ =	shalt  }
0x49: {  	_ =	shalt  }
0x4a: {  	_ =	shalt  }
0x4b: {  	_ =	shalt  }
0x4c: {  	_ =	shalt  }
0x4d: {  	_ =	shalt  }
0x4e: {  	_ =	shalt  }
0x4f: {  	_ =	shalt  }
0x50: {  	_ =	shalt  }
0x51: {  	_ =	shalt  }
0x52: {  	_ =	shalt  }
0x53: {  	_ =	shalt  }
0x54: {  	_ =	shalt  }
0x55: {  	_ =	shalt  }
0x56: {  	_ =	shalt  }
0x57: {  	_ =	shalt  }
0x58: {  	_ =	shalt  }
0x59: {  	_ =	shalt  }
0x5a: {  	_ =	shalt  }
0x5b: {  	_ =	shalt  }
0x5c: {  	_ =	shalt  }
0x5d: {  	_ =	shalt  }
0x5e: {  	_ =	shalt  }
0x5f: {  	_ =	shalt  }
0x60: {  	_ =	shalt  }
0x61: {  	_ =	shalt  }
0x62: {  	_ =	shalt  }
0x63: {  	_ =	shalt  }
0x64: {  	_ =	shalt  }
0x65: {  	_ =	shalt  }
0x66: {  	_ =	shalt  }
0x67: {  	_ =	shalt  }
0x68: {  	_ =	shalt  }
0x69: {  	_ =	shalt  }
0x6a: {  	_ =	shalt  }
0x6b: {  	_ =	shalt  }
0x6c: {  	_ =	shalt  }
0x6d: {  	_ =	shalt  }
0x6e: {  	_ =	shalt  }
0x6f: {  	_ =	shalt  }
0x70: {  	_ =	shalt  }
0x71: {  	_ =	shalt  }
0x72: {  	_ =	shalt  }
0x73: {  	_ =	shalt  }
0x74: {  	_ =	shalt  }
0x75: {  	_ =	shalt  }
0x76: {  	_ =	shalt  }
0x77: {  	_ =	shalt  }
0x78: {  	_ =	shalt  }
0x79: {  	_ =	shalt  }
0x7a: {  	_ =	shalt  }
0x7b: {  	_ =	shalt  }
0x7c: {  	_ =	shalt  }
0x7d: {  	_ =	shalt  }
0x7e: {  	_ =	shalt  }
0x7f: {  	_ =	shalt  }
0x80: {  	_ =	shalt  }
0x81: {  	_ =	shalt  }
0x82: {  	_ =	shalt  }
0x83: {  	_ =	shalt  }
0x84: {  	_ =	shalt  }
0x85: {  	_ =	shalt  }
0x86: {  	_ =	shalt  }
0x87: {  	_ =	shalt  }
.Lfunc_end0:
.L_simem_size_0:
called_computation.1_lowered:
.L_overlay_start_0:
0x88: {  	s2 =	sld [smem:$0x3FD9]  }
0x89: {  	s3 =	sld [smem:$0x3FFE];
	_ =	sdelay $0x1  }
0x8a: {  	s1 =	srdreg.scid  }
0x8b: {  	s0 =	sand.u32 $0x1, s1  }
0x8c: {  	s17 =	sshll.u32 s0, $0xA;
	s2 =	sadd.s32 s3, s2  }
0x8d: {  	s2 =	sadd.s32 s2, s17  }
0x8e: {  	[smem:$0x3FBE] =	sst s2  }
0x8f: {  	_ = 	snop  }
0x90: {  	s2 =	sld [smem:$0x3FD0];
	(tm) =	ssettm $0x1  }
0x91: {  	s18 =	sld [smem:$0x3FFB];
	_ =	sdelay $0x3  }
0x92: {  	_ =	strace s18  }
0x93: {  	s3 =	sld [smem:$0x3FFC];
	_ =	sdelay $0x3  }
0x94: {  	_ =	strace s3  }
0x95: {  	s3 =	sld [smem:$0x3FFD];
	_ =	sdelay $0x3  }
0x96: {  	_ =	strace s3  }
0x97: {  	_ =	strace $0x8FFFFFFF  }
0x98: {  	s19 =	sld [smem:$0x3FDB];
	_ =	sdelay $0x1  }
0x99: {  	s4 =	simm.s32 $_scs_section_size  }
0x9a: {  	s5 =	simm.s32 $_size__tile_overlayer_lowered;
	s6 =	simm.s32 $_tile_overlayer_lowered  }
0x9b: {  	s22 =	simm.s32 $0x1BFF;
	s21 =	sshll.u32 s6, $0x1;
	s3 =	sadd.s32 s4, s19  }
0x9c: {  	s7 =	simm.s32 $0x0;
	s20 =	sshll.u32 s5, $0x1;
	s5 =	sadd.s32 s21, s3  }
0x9d: {  	[timem:s7], [sflag:s22] =	dma.local [hbm:s5], s20  }
0x9e: {  	_ =	swait.ge [sflag:s22], s20  }
0x9f: {  	s4 =	ssub.s32 $0x0, s20;
	[sflag:s22] =	ssyncset.done $0x0  }
0xa0: {  	[sflag:s22] =	ssyncadd.s32 s4;
	_ =	sdelay $0x1  }
0xa1: {  	s23 =	simm.s32 $0x1B8B  }
0xa2: {  	_ =	swait.ge [sflag:s23], $0x1  }
0xa3: {  	[sflag:s23] =	ssyncset.done $0x0  }
0xa4: {  	s25 =	simm.s32 $0x1B8E;
	s24 =	sld [smem:$0x3FFE];
	[sflag:s23] =	ssyncadd.s32 $0xFFFFFFFF  }
0xa5: {  	s26 =	simm.s32 $execute0_lowered;
	[smem:$0x3FD2] =	sst s25  }
0xa6: {  	s5 =	sshll.u32 s26, $0x1;
	_ =	strace $0x80000049;
	[dreg:$0x1] =	wrdreg $0xFFFFFFFF  }
0xa7: {  	s28 =	simm.s32 $_size_execute0_lowered;
	s3 =	sadd.s32 s3, s5;
	[dreg:$0x0] =	wrdreg $0x0  }
0xa8: {  	s5 =	sshll.u32 s28, $0x1;
	[dreg:$0x2] =	wrdreg s3  }
0xa9: {  	[dreg:$0x3] =	wrdreg s5  }
0xaa: {  	[dreg:$0x4] =	wrdreg $0xC0  }
0xab: {  	_ =	task [dreg:s7], $0x5FFFF  }
0xac: {  	[dreg:$0x1] =	wrdreg $0xFFFFFFFF  }
0xad: {  	[dreg:$0x0] =	wrdreg $0x60  }
0xae: {  	[dreg:$0x2] =	wrdreg s2  }
0xaf: {  	[dreg:$0x3] =	wrdreg s24  }
0xb0: {  	[dreg:$0x4] =	wrdreg $0xA8000  }
0xb1: {  	[dreg:$0x5] =	wrdreg $0x9  }
0xb2: {  	_ =	task.clear_ibuf [dreg:s7], $0x6FFFF;
	_ =	strace $0x90000049  }
0xb3: {  	s29 =	simm.s32 $0x9;
	_ =	strace $0x8000004B  }
0xb4: {  	_ =	swait.ge [sflag:s29], $0x1  }
0xb5: {  	[sflag:s29] =	ssyncadd.s32 $0xFFFFFFFF  }
0xb6: {  	_ =	strace $0x9000004B  }
0xb7: {  	_ =	sfence  }
0xb8: {  	s30 =	sld [smem:$0x0];
	_ =	sdelay $0x2  }
0xb9: {  	s31 =	sshll.u32 s1, $0xD;
	s1 =	sshrl.u32 s1, $0x2  }
0xba: {  	s3 =	sand.u32 $0x4000, s31;
	s1 =	sadd.s32 s1, s30  }
0xbb: {  	s0 =	sor.u32 s3, s0;
	s1 =	sshll.u32 s1, $0x11  }
0xbc: {  	s0 =	sor.u32 s1, s0  }
0xbd: {  	s0 =	sadd.s32 $0x8F2B, s0  }
0xbe: {  	[sflag:s0] =	ssyncadd.remote.s32 $0x1  }
0xbf: {  	_ =	sfence.sel $0xFFFF  }
0xc0: {  	[dreg:$0x0] =	wrdreg $0xFFFFFFFF;
	(pc) =	sbr.abs _section_cstart, $3  }
0xc1: {  	[dreg:$0x1] =	wrdreg $0xFFFFFFFF  }
0xc2: {  	_ =	task.clear_ibuf [dreg:s7], $0x2FFFF;
	_ =	strace $0x9FFFFFFF  }
0xc3: {  	(tm) =	ssettm $0x7FFFFFFF  }
tec
execute0_lowered:
.L_overlay_start_1:
0x0: {  	(tag) =	ssettag $0x1  }
0x1: {  	s1 =	rddreg [dreg:$0x0]  }
0x2: {  	s0 =	srdreg.scid;
	s2 =	rddreg [dreg:$0x1]  }
0x3: {  	s9 =	stileid.u32;
	s3 =	rddreg [dreg:$0x2];
	s19 =	simm.s32 $0x2800  }
0x4: {  	s20 =	simm.s32 $0x4;
	s21 =	simm.s32 $0x1;
	s22 =	simm.s32 $0x40  }
0x5: {  	s23 =	simm.s32 $0x4800;
	s28 =	simm.s32 $0x8800;
	s29 =	simm.s32 $0x80  }
0x6: {  	s30 =	simm.s32 $0x3;
	s31 =	simm.s32 $0x2;
	s6 =	smul.u32 $0x50000, s9  }
0x7: {  	s0 =	sand.u32 $0x1, s0;
	s7 =	sadd.s32 $0x16600, s2;
	s10 =	smul.u32 $0x14000, s9  }
0x8: {  	s4 =	sshll.u32 s0, $0x4;
	s24 =	ssub.s32 $0x2, s0;
	s0 =	smul.u32 $0x140000, s0  }
0x9: {  	s5 =	sor.u32 s9, s4;
	s4 =	simm.s32 $0x0;
	s8 =	sshrl.u32 s24, $0x1  }
0xa: {  	s6 =	sshrl.u32 s6, $0x2;
	s12 =	sadd.s32 $0x4000, s10;
	s13 =	sadd.s32 $0x8000, s10  }
0xb: {  	s14 =	sadd.s32 $0xC000, s10;
	s16 =	sadd.s32 $0x10000, s10;
	s5 =	smul.u32 $0x5000, s5  }
0xc: {  	[smem:$0x7FF] =	sst s4;
	s11 =	ssub.s32 s24, s8;
	s6 =	sadd.s32 s6, s3  }
0xd: {  	s8 =	sadd.s32 s13, s3;
	s9 =	sadd.s32 s14, s3;
	s15 =	sadd.s32 s10, s0  }
0xe: {  	s10 =	sadd.s32 s16, s3;
	s25 =	sadd.s32 s0, s13;
	s26 =	sadd.s32 s0, s14  }
0xf: {  	s24 =	simm.s32 $0x100;
	_ =	strace $0x8000004A;
	[dreg:$0x4] =	wrdreg s7  }
0x10: {  	s7 =	sadd.s32 s12, s3;
	s12 =	sadd.s32 s0, s12;
	s15 =	sshrl.u32 s15, $0x3  }
0x11: {  	s0 =	sadd.s32 s0, s16;
	s14 =	sshrl.u32 s26, $0x3;
	s16 =	smax.u32 s11, $0x1  }
0x12: {  	s26 =	simm.s32 $0x140;
	s5 =	sshrl.u32 s5, $0x3;
	s12 =	sshrl.u32 s12, $0x3  }
0x13: {  	s0 =	sshrl.u32 s0, $0x3;
	s5 =	sadd.s32 s5, s2;
	s2 =	sadd.s32 $0x16E00, s2  }
0x14: {  	s15 =	sadd.s32 s2, s15;
	s12 =	sadd.s32 s2, s12;
	s14 =	sadd.s32 s2, s14  }
0x15: {  	s17 =	sadd.s32 $0x2600, s5;
	s18 =	sadd.s32 $0x2B00, s5;
	[dreg:$0x5] =	wrdreg s15  }
0x16: {  	s5 =	simm.s32 $0x0;
	[dreg:$0x6] =	wrdreg s12;
	s12 =	sshrl.u32 s25, $0x3  }
0x17: {  	s15 =	sadd.s32 s2, s0;
	s25 =	simm.s32 $0x6800;
	s12 =	sadd.s32 s2, s12  }
0x18: {  	s0 =	simm.s32 $0x2780;
	s2 =	simm.s32 $0x2680;
	[dreg:$0x7] =	wrdreg s12  }
.LBB2_1:
0x19: {  	s11 =	rddreg [dreg:$0x4]  }
0x1a: {  	[tilespmem:s19], [sflag:$0x4] =	stream.linear.gather [hbm4b:s11+s4], $0x4000, $0x38;
	[tilespmem:$0x1E800] =	vst v63  }
0x1b: {  	_ =	swait.ge [sflag:s20], $0x4000  }
0x1c: {  	[sflag:s20] =	ssyncset.done $0x0  }
0x1d: {  	[sflag:s20] =	ssyncadd.s32 $0xFFFFC000  }
0x1e: {  	[spmem:s6] =	stream.linear.scatter [tilespmem:s19], [sflag:$0x1], $0x4000, $0x38;
	[tilespmem:$0x1E800] =	vst v63  }
0x1f: {  	_ =	swait.ge [sflag:s21], $0x4000  }
0x20: {  	[sflag:s21] =	ssyncset.done $0x0  }
0x21: {  	[sflag:s21] =	ssyncadd.s32 $0xFFFFC000  }
0x22: {  	[spmem:s7] =	stream.linear.scatter [tilespmem:s19], [sflag:$0x1], $0x4000, $0x38;
	[tilespmem:$0x1E800] =	vst v63  }
0x23: {  	_ =	swait.ge [sflag:s21], $0x4000  }
0x24: {  	[sflag:s21] =	ssyncset.done $0x0  }
0x25: {  	[sflag:s21] =	ssyncadd.s32 $0xFFFFC000  }
0x26: {  	[spmem:s8] =	stream.linear.scatter [tilespmem:s19], [sflag:$0x1], $0x4000, $0x38;
	[tilespmem:$0x1E800] =	vst v63  }
0x27: {  	_ =	swait.ge [sflag:s21], $0x4000  }
0x28: {  	[sflag:s21] =	ssyncset.done $0x0  }
0x29: {  	[sflag:s21] =	ssyncadd.s32 $0xFFFFC000  }
0x2a: {  	[spmem:s9] =	stream.linear.scatter [tilespmem:s19], [sflag:$0x1], $0x4000, $0x38;
	[tilespmem:$0x1E800] =	vst v63  }
0x2b: {  	_ =	swait.ge [sflag:s21], $0x4000  }
0x2c: {  	[sflag:s21] =	ssyncset.done $0x0  }
0x2d: {  	[sflag:s21] =	ssyncadd.s32 $0xFFFFC000  }
0x2e: {  	[spmem:s10] =	stream.linear.scatter [tilespmem:s19], [sflag:$0x1], $0x4000, $0x38;
	[tilespmem:$0x1E800] =	vst v63  }
0x2f: {  	_ =	swait.ge [sflag:s21], $0x4000  }
0x30: {  	[sflag:s21] =	ssyncset.done $0x0  }
0x31: {  	[sflag:s21] =	ssyncadd.s32 $0xFFFFC000  }
0x32: {  	[bflag:$0x0] =	sbarrier.arrive $0xFFFF  }
0x33: {  	[tilespmem:s4], [sflag:$0x4] =	stream.linear.gather [hbm4b:s17+s4], $0x2800, $0x38;
	[tilespmem:$0x1E800] =	vst v63  }
0x34: {  	_ =	swait.ge [sflag:s20], $0x2800  }
0x35: {  	[sflag:s20] =	ssyncset.done $0x0  }
0x36: {  	[sflag:s20] =	ssyncadd.s32 $0xFFFFD800  }
0x37: {  	[tilespmem:s19], [sflag:$0x1] =	stream.indirect.gather [hbm4b:s1+s22], $0x80, s4, s22, $0xb8;
	[tilespmem:$0x1E800] =	vst v63  }
0x38: {  	_ = 	snop  }
0x39: {  	[tilespmem:s23], [sflag:$0x1] =	stream.indirect.gather [hbm4b:s1+s22], $0x80, s22, s22, $0xb8;
	[tilespmem:$0x1E800] =	vst v63  }
0x3a: {  	_ = 	snop  }
0x3b: {  	[tilespmem:s25], [sflag:$0x2] =	stream.indirect.gather [hbm4b:s1+s22], $0x80, s24, s22, $0xb8;
	[tilespmem:$0x1E800] =	vst v63  }
0x3c: {  	_ = 	snop  }
0x3d: {  	[tilespmem:s28], [sflag:$0x2] =	stream.indirect.gather [hbm4b:s1+s22], $0x80, s26, s22, $0xb8;
	[tilespmem:$0x1E800] =	vst v63  }
0x3e: {  	_ =	swait.ge [sflag:s21], $0x2000  }
0x3f: {  	[sflag:s21] =	ssyncset.done $0x0  }
0x40: {  	[sflag:s21] =	ssyncadd.s32 $0xFFFFE000  }
0x41: {  	_ =	swait.ge [sflag:s21], $0x2000  }
0x42: {  	[sflag:s21] =	ssyncset.done $0x0  }
0x43: {  	s13 =	simm.s32 $0x80;
	[sflag:s21] =	ssyncadd.s32 $0xFFFFE000  }
0x44: {  	[spmem:s3] =	stream.indirect.scatter.add.f32 [tilespmem:s19], [sflag:$0x3], $0x80, s13, s29, $0xb8;
	[tilespmem:$0x1E800] =	vst v63  }
0x45: {  	_ =	swait.ge [sflag:s30], $0x4000  }
0x46: {  	[sflag:s30] =	ssyncset.done $0x0  }
0x47: {  	s12 =	simm.s32 $0x200;
	[sflag:s30] =	ssyncadd.s32 $0xFFFFC000  }
0x48: {  	[tilespmem:s19], [sflag:$0x1] =	stream.indirect.gather [hbm4b:s1+s22], $0x80, s12, s22, $0xb8;
	[tilespmem:$0x1E800] =	vst v63  }
0x49: {  	s13 =	simm.s32 $0x240  }
0x4a: {  	[tilespmem:s23], [sflag:$0x1] =	stream.indirect.gather [hbm4b:s1+s22], $0x80, s13, s22, $0xb8;
	[tilespmem:$0x1E800] =	vst v63  }
0x4b: {  	_ =	swait.ge [sflag:s31], $0x2000  }
0x4c: {  	[sflag:s31] =	ssyncset.done $0x0  }
0x4d: {  	[sflag:s31] =	ssyncadd.s32 $0xFFFFE000  }
0x4e: {  	_ =	swait.ge [sflag:s31], $0x2000  }
0x4f: {  	[sflag:s31] =	ssyncset.done $0x0  }
0x50: {  	s12 =	simm.s32 $0x180;
	[sflag:s31] =	ssyncadd.s32 $0xFFFFE000  }
0x51: {  	[spmem:s3] =	stream.indirect.scatter.add.f32 [tilespmem:s25], [sflag:$0x3], $0x80, s12, s29, $0xb8;
	[tilespmem:$0x1E800] =	vst v63  }
0x52: {  	_ =	swait.ge [sflag:s30], $0x4000  }
0x53: {  	s11 =	simm.s32 $0x800;
	[sflag:s30] =	ssyncset.done $0x0  }
0x54: {  	s13 =	simm.s32 $0x300;
	s12 =	simm.s32 $0x340;
	[sflag:s30] =	ssyncadd.s32 $0xFFFFC000  }
0x55: {  	[tilespmem:s25], [sflag:$0x2] =	stream.indirect.gather [hbm4b:s1+s22], $0x80, s13, s22, $0xb8;
	[tilespmem:$0x1E800] =	vst v63  }
.LBB2_2:
0x56: {  	[tilespmem:s28], [sflag:$0x2] =	stream.indirect.gather [hbm4b:s1+s22], $0x80, s12, s22, $0xb8;
	[tilespmem:$0x1E800] =	vst v63  }
0x57: {  	s12 =	smov.u32 s11  }
0x58: {  	p0 =	sne.s32 s11, $0x9000;
	s11 =	sadd.s32 $0x800, s11;
	_ =	swait.ge [sflag:s21], $0x2000  }
0x59: {  	[sflag:s21] =	ssyncset.done $0x0  }
0x5a: {  	[sflag:s21] =	ssyncadd.s32 $0xFFFFE000  }
0x5b: {  	_ =	swait.ge [sflag:s21], $0x2000  }
0x5c: {  	s12 =	sshra.s32 s12, $0x2;
	[sflag:s21] =	ssyncset.done $0x0  }
0x5d: {  	s13 =	sadd.s32 $0x80, s12;
	[sflag:s21] =	ssyncadd.s32 $0xFFFFE000  }
0x5e: {  	[spmem:s3] =	stream.indirect.scatter.add.f32 [tilespmem:s19], [sflag:$0x3], $0x80, s13, s29, $0xb8;
	[tilespmem:$0x1E800] =	vst v63  }
0x5f: {  	_ =	swait.ge [sflag:s30], $0x4000  }
0x60: {  	[sflag:s30] =	ssyncset.done $0x0  }
0x61: {  	s13 =	sadd.s32 $0x200, s12;
	[sflag:s30] =	ssyncadd.s32 $0xFFFFC000  }
0x62: {  	[tilespmem:s19], [sflag:$0x1] =	stream.indirect.gather [hbm4b:s1+s22], $0x80, s13, s22, $0xb8;
	[tilespmem:$0x1E800] =	vst v63  }
0x63: {  	s13 =	sadd.s32 $0x240, s12  }
0x64: {  	[tilespmem:s23], [sflag:$0x1] =	stream.indirect.gather [hbm4b:s1+s22], $0x80, s13, s22, $0xb8;
	[tilespmem:$0x1E800] =	vst v63  }
0x65: {  	_ =	swait.ge [sflag:s31], $0x2000  }
0x66: {  	[sflag:s31] =	ssyncset.done $0x0  }
0x67: {  	[sflag:s31] =	ssyncadd.s32 $0xFFFFE000  }
0x68: {  	_ =	swait.ge [sflag:s31], $0x2000  }
0x69: {  	[sflag:s31] =	ssyncset.done $0x0  }
0x6a: {  	s13 =	sadd.s32 $0x180, s12;
	[sflag:s31] =	ssyncadd.s32 $0xFFFFE000  }
0x6b: {  	[spmem:s3] =	stream.indirect.scatter.add.f32 [tilespmem:s25], [sflag:$0x3], $0x80, s13, s29, $0xb8;
	[tilespmem:$0x1E800] =	vst v63  }
.Ltmp0:
0x6c: {  	_ =	swait.ge [sflag:s30], $0x4000;
	(pc) =	sbr.rel @p0 .LBB2_2-.Ltmp0, $4  }
0x6d: {  	[sflag:s30] =	ssyncset.done $0x0  }
0x6e: {  	s13 =	sadd.s32 $0x300, s12;
	[sflag:s30] =	ssyncadd.s32 $0xFFFFC000  }
0x6f: {  	[tilespmem:s25], [sflag:$0x2] =	stream.indirect.gather [hbm4b:s1+s22], $0x80, s13, s22, $0xb8;
	[tilespmem:$0x1E800] =	vst v63  }
0x70: {  	s12 =	sadd.s32 $0x340, s12  }
0x71: {  	[tilespmem:s28], [sflag:$0x2] =	stream.indirect.gather [hbm4b:s1+s22], $0x80, s12, s22, $0xb8;
	[tilespmem:$0x1E800] =	vst v63  }
0x72: {  	_ =	swait.ge [sflag:s21], $0x2000  }
0x73: {  	[sflag:s21] =	ssyncset.done $0x0  }
0x74: {  	[sflag:s21] =	ssyncadd.s32 $0xFFFFE000  }
0x75: {  	_ =	swait.ge [sflag:s21], $0x2000  }
0x76: {  	[sflag:s21] =	ssyncset.done $0x0  }
0x77: {  	[sflag:s21] =	ssyncadd.s32 $0xFFFFE000  }
0x78: {  	[spmem:s3] =	stream.indirect.scatter.add.f32 [tilespmem:s19], [sflag:$0x3], $0x80, s2, s29, $0xb8;
	[tilespmem:$0x1E800] =	vst v63  }
0x79: {  	_ =	swait.ge [sflag:s30], $0x4000  }
0x7a: {  	[sflag:s30] =	ssyncset.done $0x0  }
0x7b: {  	[sflag:s30] =	ssyncadd.s32 $0xFFFFC000  }
0x7c: {  	_ =	swait.ge [sflag:s31], $0x2000  }
0x7d: {  	[sflag:s31] =	ssyncset.done $0x0  }
0x7e: {  	[sflag:s31] =	ssyncadd.s32 $0xFFFFE000  }
0x7f: {  	_ =	swait.ge [sflag:s31], $0x2000  }
0x80: {  	[sflag:s31] =	ssyncset.done $0x0  }
0x81: {  	[sflag:s31] =	ssyncadd.s32 $0xFFFFE000  }
0x82: {  	[spmem:s3] =	stream.indirect.scatter.add.f32 [tilespmem:s25], [sflag:$0x3], $0x80, s0, s29, $0xb8;
	[tilespmem:$0x1E800] =	vst v63  }
0x83: {  	_ =	swait.ge [sflag:s30], $0x4000  }
0x84: {  	[sflag:s30] =	ssyncset.done $0x0  }
0x85: {  	s11 =	simm.s32 $0x0;
	[sflag:s30] =	ssyncadd.s32 $0xFFFFC000  }
0x86: {  	[tilespmem:s11], [sflag:$0x4] =	stream.linear.gather [hbm4b:s18+s11], $0x2800, $0x38;
	[tilespmem:$0x1E800] =	vst v63  }
0x87: {  	_ =	swait.ge [sflag:s20], $0x2800  }
0x88: {  	[sflag:s20] =	ssyncset.done $0x0  }
0x89: {  	[sflag:s20] =	ssyncadd.s32 $0xFFFFD800  }
0x8a: {  	[tilespmem:s19], [sflag:$0x1] =	stream.indirect.gather [hbm4b:s1+s22], $0x80, s11, s22, $0xb8;
	[tilespmem:$0x1E800] =	vst v63  }
0x8b: {  	_ = 	snop  }
0x8c: {  	[tilespmem:s23], [sflag:$0x1] =	stream.indirect.gather [hbm4b:s1+s22], $0x80, s22, s22, $0xb8;
	[tilespmem:$0x1E800] =	vst v63  }
0x8d: {  	_ = 	snop  }
0x8e: {  	[tilespmem:s25], [sflag:$0x2] =	stream.indirect.gather [hbm4b:s1+s22], $0x80, s24, s22, $0xb8;
	[tilespmem:$0x1E800] =	vst v63  }
0x8f: {  	_ = 	snop  }
0x90: {  	[tilespmem:s28], [sflag:$0x2] =	stream.indirect.gather [hbm4b:s1+s22], $0x80, s26, s22, $0xb8;
	[tilespmem:$0x1E800] =	vst v63  }
0x91: {  	_ =	swait.ge [sflag:s21], $0x2000  }
0x92: {  	[sflag:s21] =	ssyncset.done $0x0  }
0x93: {  	[sflag:s21] =	ssyncadd.s32 $0xFFFFE000  }
0x94: {  	_ =	swait.ge [sflag:s21], $0x2000  }
0x95: {  	[sflag:s21] =	ssyncset.done $0x0  }
0x96: {  	s13 =	simm.s32 $0x80;
	[sflag:s21] =	ssyncadd.s32 $0xFFFFE000  }
0x97: {  	[spmem:s3] =	stream.indirect.scatter.add.f32 [tilespmem:s19], [sflag:$0x3], $0x80, s13, s29, $0xb8;
	[tilespmem:$0x1E800] =	vst v63  }
0x98: {  	_ =	swait.ge [sflag:s30], $0x4000  }
0x99: {  	[sflag:s30] =	ssyncset.done $0x0  }
0x9a: {  	s12 =	simm.s32 $0x200;
	[sflag:s30] =	ssyncadd.s32 $0xFFFFC000  }
0x9b: {  	[tilespmem:s19], [sflag:$0x1] =	stream.indirect.gather [hbm4b:s1+s22], $0x80, s12, s22, $0xb8;
	[tilespmem:$0x1E800] =	vst v63  }
0x9c: {  	s13 =	simm.s32 $0x240  }
0x9d: {  	[tilespmem:s23], [sflag:$0x1] =	stream.indirect.gather [hbm4b:s1+s22], $0x80, s13, s22, $0xb8;
	[tilespmem:$0x1E800] =	vst v63  }
0x9e: {  	_ =	swait.ge [sflag:s31], $0x2000  }
0x9f: {  	[sflag:s31] =	ssyncset.done $0x0  }
0xa0: {  	[sflag:s31] =	ssyncadd.s32 $0xFFFFE000  }
0xa1: {  	_ =	swait.ge [sflag:s31], $0x2000  }
0xa2: {  	[sflag:s31] =	ssyncset.done $0x0  }
0xa3: {  	s12 =	simm.s32 $0x180;
	[sflag:s31] =	ssyncadd.s32 $0xFFFFE000  }
0xa4: {  	[spmem:s3] =	stream.indirect.scatter.add.f32 [tilespmem:s25], [sflag:$0x3], $0x80, s12, s29, $0xb8;
	[tilespmem:$0x1E800] =	vst v63  }
0xa5: {  	_ =	swait.ge [sflag:s30], $0x4000  }
0xa6: {  	s11 =	simm.s32 $0x800;
	[sflag:s30] =	ssyncset.done $0x0  }
0xa7: {  	s13 =	simm.s32 $0x300;
	s12 =	simm.s32 $0x340;
	[sflag:s30] =	ssyncadd.s32 $0xFFFFC000  }
0xa8: {  	[tilespmem:s25], [sflag:$0x2] =	stream.indirect.gather [hbm4b:s1+s22], $0x80, s13, s22, $0xb8;
	[tilespmem:$0x1E800] =	vst v63  }
.LBB2_4:
0xa9: {  	[tilespmem:s28], [sflag:$0x2] =	stream.indirect.gather [hbm4b:s1+s22], $0x80, s12, s22, $0xb8;
	[tilespmem:$0x1E800] =	vst v63  }
0xaa: {  	s12 =	smov.u32 s11  }
0xab: {  	p0 =	sne.s32 s11, $0x9000;
	s11 =	sadd.s32 $0x800, s11;
	_ =	swait.ge [sflag:s21], $0x2000  }
0xac: {  	[sflag:s21] =	ssyncset.done $0x0  }
0xad: {  	[sflag:s21] =	ssyncadd.s32 $0xFFFFE000  }
0xae: {  	_ =	swait.ge [sflag:s21], $0x2000  }
0xaf: {  	s12 =	sshra.s32 s12, $0x2;
	[sflag:s21] =	ssyncset.done $0x0  }
0xb0: {  	s13 =	sadd.s32 $0x80, s12;
	[sflag:s21] =	ssyncadd.s32 $0xFFFFE000  }
0xb1: {  	[spmem:s3] =	stream.indirect.scatter.add.f32 [tilespmem:s19], [sflag:$0x3], $0x80, s13, s29, $0xb8;
	[tilespmem:$0x1E800] =	vst v63  }
0xb2: {  	_ =	swait.ge [sflag:s30], $0x4000  }
0xb3: {  	[sflag:s30] =	ssyncset.done $0x0  }
0xb4: {  	s13 =	sadd.s32 $0x200, s12;
	[sflag:s30] =	ssyncadd.s32 $0xFFFFC000  }
0xb5: {  	[tilespmem:s19], [sflag:$0x1] =	stream.indirect.gather [hbm4b:s1+s22], $0x80, s13, s22, $0xb8;
	[tilespmem:$0x1E800] =	vst v63  }
0xb6: {  	s13 =	sadd.s32 $0x240, s12  }
0xb7: {  	[tilespmem:s23], [sflag:$0x1] =	stream.indirect.gather [hbm4b:s1+s22], $0x80, s13, s22, $0xb8;
	[tilespmem:$0x1E800] =	vst v63  }
0xb8: {  	_ =	swait.ge [sflag:s31], $0x2000  }
0xb9: {  	[sflag:s31] =	ssyncset.done $0x0  }
0xba: {  	[sflag:s31] =	ssyncadd.s32 $0xFFFFE000  }
0xbb: {  	_ =	swait.ge [sflag:s31], $0x2000  }
0xbc: {  	[sflag:s31] =	ssyncset.done $0x0  }
0xbd: {  	s13 =	sadd.s32 $0x180, s12;
	[sflag:s31] =	ssyncadd.s32 $0xFFFFE000  }
0xbe: {  	[spmem:s3] =	stream.indirect.scatter.add.f32 [tilespmem:s25], [sflag:$0x3], $0x80, s13, s29, $0xb8;
	[tilespmem:$0x1E800] =	vst v63  }
.Ltmp1:
0xbf: {  	_ =	swait.ge [sflag:s30], $0x4000;
	(pc) =	sbr.rel @p0 .LBB2_4-.Ltmp1, $4  }
0xc0: {  	[sflag:s30] =	ssyncset.done $0x0  }
0xc1: {  	s13 =	sadd.s32 $0x300, s12;
	[sflag:s30] =	ssyncadd.s32 $0xFFFFC000  }
0xc2: {  	[tilespmem:s25], [sflag:$0x2] =	stream.indirect.gather [hbm4b:s1+s22], $0x80, s13, s22, $0xb8;
	[tilespmem:$0x1E800] =	vst v63  }
0xc3: {  	s12 =	sadd.s32 $0x340, s12  }
0xc4: {  	[tilespmem:s28], [sflag:$0x2] =	stream.indirect.gather [hbm4b:s1+s22], $0x80, s12, s22, $0xb8;
	[tilespmem:$0x1E800] =	vst v63  }
0xc5: {  	_ =	swait.ge [sflag:s21], $0x2000  }
0xc6: {  	[sflag:s21] =	ssyncset.done $0x0  }
0xc7: {  	[sflag:s21] =	ssyncadd.s32 $0xFFFFE000  }
0xc8: {  	_ =	swait.ge [sflag:s21], $0x2000  }
0xc9: {  	[sflag:s21] =	ssyncset.done $0x0  }
0xca: {  	[sflag:s21] =	ssyncadd.s32 $0xFFFFE000  }
0xcb: {  	[spmem:s3] =	stream.indirect.scatter.add.f32 [tilespmem:s19], [sflag:$0x3], $0x80, s2, s29, $0xb8;
	[tilespmem:$0x1E800] =	vst v63  }
0xcc: {  	_ =	swait.ge [sflag:s30], $0x4000  }
0xcd: {  	[sflag:s30] =	ssyncset.done $0x0  }
0xce: {  	[sflag:s30] =	ssyncadd.s32 $0xFFFFC000  }
0xcf: {  	_ =	swait.ge [sflag:s31], $0x2000  }
0xd0: {  	[sflag:s31] =	ssyncset.done $0x0  }
0xd1: {  	[sflag:s31] =	ssyncadd.s32 $0xFFFFE000  }
0xd2: {  	_ =	swait.ge [sflag:s31], $0x2000  }
0xd3: {  	[sflag:s31] =	ssyncset.done $0x0  }
0xd4: {  	[sflag:s31] =	ssyncadd.s32 $0xFFFFE000  }
0xd5: {  	[spmem:s3] =	stream.indirect.scatter.add.f32 [tilespmem:s25], [sflag:$0x3], $0x80, s0, s29, $0xb8;
	[tilespmem:$0x1E800] =	vst v63  }
0xd6: {  	_ =	swait.ge [sflag:s30], $0x4000  }
0xd7: {  	[sflag:s30] =	ssyncset.done $0x0  }
0xd8: {  	[sflag:s30] =	ssyncadd.s32 $0xFFFFC000  }
0xd9: {  	[bflag:$0x0] =	sbarrier.arrive $0xFFFF  }
0xda: {  	[tilespmem:s19], [sflag:$0x1] =	stream.linear.gather [spmem:s6], $0x4000, $0x38;
	[tilespmem:$0x1E800] =	vst v63  }
0xdb: {  	_ =	swait.ge [sflag:s21], $0x4000  }
0xdc: {  	[sflag:s21] =	ssyncset.done $0x0  }
0xdd: {  	s11 =	rddreg [dreg:$0x5];
	[sflag:s21] =	ssyncadd.s32 $0xFFFFC000  }
0xde: {  	[hbm4b:s11+s4] =	stream.linear.scatter [tilespmem:s19], [sflag:$0x4], $0x4000, $0x38;
	[tilespmem:$0x1E800] =	vst v63  }
0xdf: {  	_ =	swait.ge [sflag:s20], $0x4000  }
0xe0: {  	[sflag:s20] =	ssyncset.done $0x0  }
0xe1: {  	[sflag:s20] =	ssyncadd.s32 $0xFFFFC000  }
0xe2: {  	[tilespmem:s19], [sflag:$0x1] =	stream.linear.gather [spmem:s7], $0x4000, $0x38;
	[tilespmem:$0x1E800] =	vst v63  }
0xe3: {  	_ =	swait.ge [sflag:s21], $0x4000  }
0xe4: {  	[sflag:s21] =	ssyncset.done $0x0  }
0xe5: {  	s12 =	rddreg [dreg:$0x6];
	[sflag:s21] =	ssyncadd.s32 $0xFFFFC000  }
0xe6: {  	[hbm4b:s12+s4] =	stream.linear.scatter [tilespmem:s19], [sflag:$0x4], $0x4000, $0x38;
	[tilespmem:$0x1E800] =	vst v63  }
0xe7: {  	_ =	swait.ge [sflag:s20], $0x4000  }
0xe8: {  	[sflag:s20] =	ssyncset.done $0x0  }
0xe9: {  	[sflag:s20] =	ssyncadd.s32 $0xFFFFC000  }
0xea: {  	[tilespmem:s19], [sflag:$0x1] =	stream.linear.gather [spmem:s8], $0x4000, $0x38;
	[tilespmem:$0x1E800] =	vst v63  }
0xeb: {  	_ =	swait.ge [sflag:s21], $0x4000  }
0xec: {  	[sflag:s21] =	ssyncset.done $0x0  }
0xed: {  	s13 =	rddreg [dreg:$0x7];
	[sflag:s21] =	ssyncadd.s32 $0xFFFFC000  }
0xee: {  	[hbm4b:s13+s4] =	stream.linear.scatter [tilespmem:s19], [sflag:$0x4], $0x4000, $0x38;
	[tilespmem:$0x1E800] =	vst v63  }
0xef: {  	_ =	swait.ge [sflag:s20], $0x4000  }
0xf0: {  	[sflag:s20] =	ssyncset.done $0x0  }
0xf1: {  	[sflag:s20] =	ssyncadd.s32 $0xFFFFC000  }
0xf2: {  	[tilespmem:s19], [sflag:$0x1] =	stream.linear.gather [spmem:s9], $0x4000, $0x38;
	[tilespmem:$0x1E800] =	vst v63  }
0xf3: {  	_ =	swait.ge [sflag:s21], $0x4000  }
0xf4: {  	[sflag:s21] =	ssyncset.done $0x0  }
0xf5: {  	[sflag:s21] =	ssyncadd.s32 $0xFFFFC000  }
0xf6: {  	[hbm4b:s14+s4] =	stream.linear.scatter [tilespmem:s19], [sflag:$0x4], $0x4000, $0x38;
	[tilespmem:$0x1E800] =	vst v63  }
0xf7: {  	_ =	swait.ge [sflag:s20], $0x4000  }
0xf8: {  	[sflag:s20] =	ssyncset.done $0x0  }
0xf9: {  	[sflag:s20] =	ssyncadd.s32 $0xFFFFC000  }
0xfa: {  	[tilespmem:s19], [sflag:$0x1] =	stream.linear.gather [spmem:s10], $0x4000, $0x38;
	[tilespmem:$0x1E800] =	vst v63  }
0xfb: {  	s5 =	sadd.s32 $0x1, s5;
	_ =	swait.ge [sflag:s21], $0x4000  }
0xfc: {  	p0 =	sne.s32 s5, s16;
	[sflag:s21] =	ssyncset.done $0x0  }
.Ltmp2:
0xfd: {  	[sflag:s21] =	ssyncadd.s32 $0xFFFFC000;
	(pc) =	sbr.rel @p0 .LBB2_1-.Ltmp2, $4  }
0xfe: {  	[hbm4b:s15+s4] =	stream.linear.scatter [tilespmem:s19], [sflag:$0x4], $0x4000, $0x38;
	[tilespmem:$0x1E800] =	vst v63  }
0xff: {  	_ =	swait.ge [sflag:s20], $0x4000  }
0x100: {  	[sflag:s20] =	ssyncset.done $0x0  }
0x101: {  	[sflag:s20] =	ssyncadd.s32 $0xFFFFC000  }
0x102: {  	_ =	sfence.sel $0x180000  }
0x103: {  	[bflag:$0x0] =	sbarrier.arrive $0xFFFF  }
0x104: {  	_ =	strace $0x9000004A  }
0x105: {  	s0 =	stileid.u32;
	[bflag:$0x2] =	sbarrier.arrive $0xFFFF  }
0x106: {  	p0 =	sne.s32 s0, $0x0;
	s0 =	rddreg [dreg:$0x3]  }
0x107: {  	s0 =	sadd.s32 @!p0 $0x100000, s0  }
0x108: {  	[sflag:s0] =	ssyncadd.tile.s32 @!p0 $0x1;
	_ =	shalt  }
.Lfunc_end2:
_tile_overlayer_lowered:
.L_overlay_start_2:
0x109: {  	(tag) =	ssettag $0x2  }
0x10a: {  	s0 =	rddreg [dreg:$0x0];
	s2 =	stileid.u32  }
0x10b: {  	s1 =	rddreg [dreg:$0x1];
	p0 =	sne.s32 s2, $0x0  }
0x10c: {  	s3 =	rddreg [dreg:$0x2];
	[bflag:$0x3] =	sbarrier.arrive $0xFFFF;
	s2 =	simm.s32 @!p0 $0x1C04  }
0x10d: {  	[timem:s3], [sflag:s2] =	dma.local @!p0 [hbm:s0], s1  }
0x10e: {  	s0 =	simm.s32 @!p0 $0x4  }
0x10f: {  	_ =	swait.ge @!p0 [sflag:s0], s1  }
0x110: {  	s1 =	ssub.s32 @!p0 $0x0, s1;
	[sflag:s0] =	ssyncset.done @!p0 $0x0  }
0x111: {  	[sflag:s0] =	ssyncadd.s32 @!p0 s1  }
0x112: {  	[bflag:$0x3] =	sbarrier.arrive $0xFFFF  }
0x113: {  	_ =	shalt  }

// kernel: kernel.7.cloned.1.call-start
scs
__scs_entry_jumppad:
0x0: {  	(pc) =	sbr.rel $0x88, $3  }
0x1: {  	(tag) =	ssettag $0x0;
	lr =	simm.s32 $0x1  }
0x2: {  	[smem:$0x3F97] =	sst lr;
	_ =	strace $0xD0000000  }
0x3: {  	_ = 	snop  }
0x4: {  	_ = 	snop  }
0x5: {  	_ = 	snop  }
0x6: {  	_ = 	snop  }
0x7: {  	_ = 	snop  }
__scs_overlays_trampoline_lowered:
0x8: {  	[smem:$0x3FA6] =	sst s0  }
0x9: {  	[smem:$0x3FA7] =	sst s1  }
0xa: {  	[smem:$0x3FA8] =	sst s2  }
0xb: {  	[smem:$0x3FA9] =	sst s3  }
0xc: {  	[smem:$0x3FAA] =	sst s4  }
0xd: {  	[smem:$0x3FAB] =	sst s5  }
0xe: {  	[smem:$0x3FAC] =	sst s6  }
0xf: {  	[smem:$0x3FAD] =	sst s7  }
0x10: {  	[smem:$0x3FAE] =	sst s8  }
0x11: {  	[smem:$0x3FAF] =	sst s9;
	s0 =	simm.s32 @!p0 $0x0  }
0x12: {  	s1 =	sld [smem:$0x3F95];
	s0 =	simm.s32 @p0 $0x1  }
0x13: {  	[smem:$0x3FB0] =	sst s0;
	s0 =	simm.s32 @!p1 $0x0  }
0x14: {  	s2 =	sld [smem:$0x3F94];
	s0 =	simm.s32 @p1 $0x1  }
0x15: {  	[smem:$0x3FB1] =	sst s0;
	s0 =	simm.s32 @!p2 $0x0  }
0x16: {  	s3 =	sld [smem:$0x3FDB];
	s0 =	simm.s32 @p2 $0x1  }
0x17: {  	s4 =	simm.s32 $0x1BF5;
	[smem:$0x3FB3] =	sst s0  }
0x18: {  	s0 =	sld [smem:$0x3F96];
	_ =	swait.ge [sflag:s4], $0x0  }
0x19: {  	s7 =	sld [smem:$0x3F97]  }
0x1a: {  	s8 =	sadd.s32 $0xFFFFE003, lr  }
0x1b: {  	s9 =	sadd.s32 $0xFFFFFEF7, lr;
	s5 =	simm.s32 $0xFFFFFFFF;
	p2 =	slt.u32 s8, $0xFFFFF086  }
0x1c: {  	p1 =	slt.u32 s9, $0xF7A;
	s5 =	simm.s32 @!p2 $0x0  }
0x1d: {  	s5 =	simm.s32 @p1 $0x1;
	p0 =	seq.s32 s7, s2  }
0x1e: {  	s7 =	smul.u32 @!p0 $0xF7A, s2;
	p2 =	seq.s32 @!p0 s5, $0x0  }
0x1f: {  	s9 =	smul.u32 $0xF7A, s1;
	s8 =	simm.s32 @!p0 $0x1BF5;
	p2 =	por !p2, p0  }
0x20: {  	[sflag:s8] =	ssyncset.s32 @!p0 $0xFFFFF086;
	s6 =	sadd.s32 @!p0 s3, s7;
	s7 =	simm.s32 @!p0 $0x108  }
0x21: {  	s3 =	sadd.s32 s3, s9;
	s6 =	sadd.s32 @!p0 $0x88, s6;
	s7 =	simm.s32 @p2 $0x1082  }
0x22: {  	[simem:s7], [sflag:s8] =	dma.local @!p0 [hbm:s6], $0xF7A  }
0x23: {  	s9 =	sor.u32 $0xD0000000, s2;
	s6 =	simm.s32 $0x108;
	_ =	swait.ge @!p0 [sflag:s8], $0x0  }
0x24: {  	s3 =	sadd.s32 $0x88, s3;
	s6 =	simm.s32 @!p1 $0x1082;
	[sflag:s4] =	ssyncset.s32 $0xFFFFF086  }
0x25: {  	[simem:s6], [sflag:s4] =	dma.local [hbm:s3], $0xF7A  }
0x26: {  	[smem:$0x3F97] =	sst s1;
	(tag) =	ssettag s2;
	_ =	strace s9  }
0x27: {  	s1 =	sld [smem:$0x3FA7]  }
0x28: {  	s2 =	sld [smem:$0x3FA8]  }
0x29: {  	s4 =	sld [smem:$0x3FAA]  }
0x2a: {  	p0 =	seq.s32 s5, $0x0;
	s5 =	sld [smem:$0x3FAB]  }
0x2b: {  	s6 =	sld [smem:$0x3FAC]  }
0x2c: {  	s7 =	sld [smem:$0x3FAD]  }
0x2d: {  	s3 =	simm.s32 $0x108;
	s8 =	sld [smem:$0x3FAE]  }
0x2e: {  	s3 =	simm.s32 @!p0 $0x1082;
	s9 =	sld [smem:$0x3FAF]  }
0x2f: {  	lr =	sadd.s32 s0, s3;
	s0 =	sld [smem:$0x3FA6]  }
0x30: {  	s3 =	sld [smem:$0x3FA9]  }
0x31: {  	[smem:$0x3FB2] =	sst s10  }
0x32: {  	s10 =	sld [smem:$0x3FB0];
	_ =	sdelay $0x3  }
0x33: {  	p0 =	seq.s32 s10, $0x1;
	s10 =	sld [smem:$0x3FB2];
	_ =	sdelay $0x3  }
0x34: {  	[smem:$0x3FB2] =	sst s10  }
0x35: {  	s10 =	sld [smem:$0x3FB1];
	_ =	sdelay $0x3  }
0x36: {  	p1 =	seq.s32 s10, $0x1;
	s10 =	sld [smem:$0x3FB2];
	_ =	sdelay $0x3  }
0x37: {  	[smem:$0x3FB2] =	sst s10  }
0x38: {  	s10 =	sld [smem:$0x3FB3]  }
0x39: {  	_ = 	snop;
	(pc) =	sbr.ind lr, $3  }
0x3a: {  	_ = 	snop  }
0x3b: {  	_ = 	snop  }
0x3c: {  	p2 =	seq.s32 s10, $0x1;
	s10 =	sld [smem:$0x3FB2]  }
0x3d: {  	_ =	shalt  }
0x3e: {  	_ =	shalt  }
0x3f: {  	_ =	shalt  }
0x40: {  	_ =	shalt  }
0x41: {  	_ =	shalt  }
0x42: {  	_ =	shalt  }
0x43: {  	_ =	shalt  }
0x44: {  	_ =	shalt  }
0x45: {  	_ =	shalt  }
0x46: {  	_ =	shalt  }
0x47: {  	_ =	shalt  }
0x48: {  	_ =	shalt  }
0x49: {  	_ =	shalt  }
0x4a: {  	_ =	shalt  }
0x4b: {  	_ =	shalt  }
0x4c: {  	_ =	shalt  }
0x4d: {  	_ =	shalt  }
0x4e: {  	_ =	shalt  }
0x4f: {  	_ =	shalt  }
0x50: {  	_ =	shalt  }
0x51: {  	_ =	shalt  }
0x52: {  	_ =	shalt  }
0x53: {  	_ =	shalt  }
0x54: {  	_ =	shalt  }
0x55: {  	_ =	shalt  }
0x56: {  	_ =	shalt  }
0x57: {  	_ =	shalt  }
0x58: {  	_ =	shalt  }
0x59: {  	_ =	shalt  }
0x5a: {  	_ =	shalt  }
0x5b: {  	_ =	shalt  }
0x5c: {  	_ =	shalt  }
0x5d: {  	_ =	shalt  }
0x5e: {  	_ =	shalt  }
0x5f: {  	_ =	shalt  }
0x60: {  	_ =	shalt  }
0x61: {  	_ =	shalt  }
0x62: {  	_ =	shalt  }
0x63: {  	_ =	shalt  }
0x64: {  	_ =	shalt  }
0x65: {  	_ =	shalt  }
0x66: {  	_ =	shalt  }
0x67: {  	_ =	shalt  }
0x68: {  	_ =	shalt  }
0x69: {  	_ =	shalt  }
0x6a: {  	_ =	shalt  }
0x6b: {  	_ =	shalt  }
0x6c: {  	_ =	shalt  }
0x6d: {  	_ =	shalt  }
0x6e: {  	_ =	shalt  }
0x6f: {  	_ =	shalt  }
0x70: {  	_ =	shalt  }
0x71: {  	_ =	shalt  }
0x72: {  	_ =	shalt  }
0x73: {  	_ =	shalt  }
0x74: {  	_ =	shalt  }
0x75: {  	_ =	shalt  }
0x76: {  	_ =	shalt  }
0x77: {  	_ =	shalt  }
0x78: {  	_ =	shalt  }
0x79: {  	_ =	shalt  }
0x7a: {  	_ =	shalt  }
0x7b: {  	_ =	shalt  }
0x7c: {  	_ =	shalt  }
0x7d: {  	_ =	shalt  }
0x7e: {  	_ =	shalt  }
0x7f: {  	_ =	shalt  }
0x80: {  	_ =	shalt  }
0x81: {  	_ =	shalt  }
0x82: {  	_ =	shalt  }
0x83: {  	_ =	shalt  }
0x84: {  	_ =	shalt  }
0x85: {  	_ =	shalt  }
0x86: {  	_ =	shalt  }
0x87: {  	_ =	shalt  }
.Lfunc_end0:
.L_simem_size_0:
called_computation_lowered:
.L_overlay_start_0:
0x88: {  	s2 =	sld [smem:$0x3FD9]  }
0x89: {  	s3 =	sld [smem:$0x3FFE];
	_ =	sdelay $0x1  }
0x8a: {  	s1 =	srdreg.scid  }
0x8b: {  	s0 =	sand.u32 $0x1, s1  }
0x8c: {  	s17 =	sshll.u32 s0, $0xA;
	s2 =	sadd.s32 s3, s2  }
0x8d: {  	s2 =	sadd.s32 s2, s17  }
0x8e: {  	[smem:$0x3FBE] =	sst s2  }
0x8f: {  	_ = 	snop  }
0x90: {  	s2 =	sld [smem:$0x3FD0];
	(tm) =	ssettm $0x1  }
0x91: {  	s18 =	sld [smem:$0x3FFB];
	_ =	sdelay $0x3  }
0x92: {  	_ =	strace s18  }
0x93: {  	s3 =	sld [smem:$0x3FFC];
	_ =	sdelay $0x3  }
0x94: {  	_ =	strace s3  }
0x95: {  	s3 =	sld [smem:$0x3FFD];
	_ =	sdelay $0x3  }
0x96: {  	_ =	strace s3  }
0x97: {  	_ =	strace $0x8FFFFFFF  }
0x98: {  	s19 =	sld [smem:$0x3FDB];
	_ =	sdelay $0x1  }
0x99: {  	s4 =	simm.s32 $_scs_section_size  }
0x9a: {  	s5 =	simm.s32 $_size__tile_overlayer_lowered;
	s6 =	simm.s32 $_tile_overlayer_lowered  }
0x9b: {  	s22 =	simm.s32 $0x1BFF;
	s21 =	sshll.u32 s6, $0x1;
	s3 =	sadd.s32 s4, s19  }
0x9c: {  	s7 =	simm.s32 $0x0;
	s20 =	sshll.u32 s5, $0x1;
	s5 =	sadd.s32 s21, s3  }
0x9d: {  	[timem:s7], [sflag:s22] =	dma.local [hbm:s5], s20  }
0x9e: {  	_ =	swait.ge [sflag:s22], s20  }
0x9f: {  	s4 =	ssub.s32 $0x0, s20;
	[sflag:s22] =	ssyncset.done $0x0  }
0xa0: {  	[sflag:s22] =	ssyncadd.s32 s4;
	_ =	sdelay $0x1  }
0xa1: {  	s23 =	simm.s32 $0x1B8B  }
0xa2: {  	_ =	swait.ge [sflag:s23], $0x1  }
0xa3: {  	[sflag:s23] =	ssyncset.done $0x0  }
0xa4: {  	s25 =	simm.s32 $0x1B8E;
	s24 =	sld [smem:$0x3FFE];
	[sflag:s23] =	ssyncadd.s32 $0xFFFFFFFF  }
0xa5: {  	s26 =	simm.s32 $execute0_lowered;
	[smem:$0x3FD2] =	sst s25  }
0xa6: {  	s5 =	sshll.u32 s26, $0x1;
	_ =	strace $0x80000046;
	[dreg:$0x1] =	wrdreg $0xFFFFFFFF  }
0xa7: {  	s28 =	simm.s32 $_size_execute0_lowered;
	s3 =	sadd.s32 s3, s5;
	[dreg:$0x0] =	wrdreg $0x0  }
0xa8: {  	s5 =	sshll.u32 s28, $0x1;
	[dreg:$0x2] =	wrdreg s3  }
0xa9: {  	[dreg:$0x3] =	wrdreg s5  }
0xaa: {  	[dreg:$0x4] =	wrdreg $0xC0  }
0xab: {  	_ =	task [dreg:s7], $0x5FFFF  }
0xac: {  	[dreg:$0x1] =	wrdreg $0xFFFFFFFF  }
0xad: {  	[dreg:$0x0] =	wrdreg $0x60  }
0xae: {  	[dreg:$0x2] =	wrdreg s2  }
0xaf: {  	[dreg:$0x3] =	wrdreg s24  }
0xb0: {  	[dreg:$0x4] =	wrdreg $0xA8000  }
0xb1: {  	[dreg:$0x5] =	wrdreg $0x9  }
0xb2: {  	_ =	task.clear_ibuf [dreg:s7], $0x6FFFF;
	_ =	strace $0x90000046  }
0xb3: {  	s29 =	simm.s32 $0x9;
	_ =	strace $0x80000048  }
0xb4: {  	_ =	swait.ge [sflag:s29], $0x1  }
0xb5: {  	[sflag:s29] =	ssyncadd.s32 $0xFFFFFFFF  }
0xb6: {  	_ =	strace $0x90000048  }
0xb7: {  	_ =	sfence  }
0xb8: {  	s30 =	sld [smem:$0x0];
	_ =	sdelay $0x2  }
0xb9: {  	s31 =	sshll.u32 s1, $0xD;
	s1 =	sshrl.u32 s1, $0x2  }
0xba: {  	s3 =	sand.u32 $0x4000, s31;
	s1 =	sadd.s32 s1, s30  }
0xbb: {  	s0 =	sor.u32 s3, s0;
	s1 =	sshll.u32 s1, $0x11  }
0xbc: {  	s0 =	sor.u32 s1, s0  }
0xbd: {  	s0 =	sadd.s32 $0x8F2B, s0  }
0xbe: {  	[sflag:s0] =	ssyncadd.remote.s32 $0x1  }
0xbf: {  	_ =	sfence.sel $0xFFFF  }
0xc0: {  	[dreg:$0x0] =	wrdreg $0xFFFFFFFF;
	(pc) =	sbr.abs _section_cstart, $3  }
0xc1: {  	[dreg:$0x1] =	wrdreg $0xFFFFFFFF  }
0xc2: {  	_ =	task.clear_ibuf [dreg:s7], $0x2FFFF;
	_ =	strace $0x9FFFFFFF  }
0xc3: {  	(tm) =	ssettm $0x7FFFFFFF  }
tec
execute0_lowered:
.L_overlay_start_1:
0x0: {  	(tag) =	ssettag $0x1  }
0x1: {  	s0 =	srdreg.scid;
	s1 =	rddreg [dreg:$0x0]  }
0x2: {  	s10 =	stileid.u32;
	s6 =	rddreg [dreg:$0x1]  }
0x3: {  	s3 =	rddreg [dreg:$0x2];
	s4 =	simm.s32 $0x0;
	s28 =	simm.s32 $0x1  }
0x4: {  	s29 =	simm.s32 $0x40;
	s30 =	simm.s32 $0x4800;
	s31 =	simm.s32 $0x100  }
0x5: {  	s0 =	sand.u32 $0x1, s0;
	[smem:$0x7FF] =	sst s4;
	s5 =	sadd.s32 $0x16600, s6  }
0x6: {  	s7 =	sadd.s32 $0x16E00, s6;
	s8 =	smul.u32 $0x50000, s10;
	s12 =	sadd.s32 $0x17600, s6  }
0x7: {  	s11 =	smul.u32 $0x14000, s10;
	s2 =	sshll.u32 s0, $0x4;
	_ =	strace $0x80000047  }
0x8: {  	[dreg:$0x4] =	wrdreg s7;
	s18 =	ssub.s32 $0x2, s0;
	s0 =	smul.u32 $0x140000, s0  }
0x9: {  	s2 =	sor.u32 s10, s2;
	s9 =	sshrl.u32 s18, $0x1;
	s19 =	sshrl.u32 s8, $0x2  }
0xa: {  	s14 =	sadd.s32 $0x4000, s11;
	s15 =	sadd.s32 $0x8000, s11;
	s16 =	sadd.s32 $0xC000, s11  }
0xb: {  	s2 =	smul.u32 $0x5000, s2;
	s13 =	ssub.s32 s18, s9;
	s7 =	sadd.s32 s19, s3  }
0xc: {  	s8 =	sadd.s32 s14, s3;
	s9 =	sadd.s32 s15, s3;
	s10 =	sadd.s32 s16, s3  }
0xd: {  	s17 =	sadd.s32 s11, s0;
	s18 =	sadd.s32 $0x10000, s11;
	s14 =	sadd.s32 s0, s14  }
0xe: {  	s15 =	sadd.s32 s0, s15;
	s16 =	sadd.s32 s0, s16;
	s17 =	sshrl.u32 s17, $0x3  }
0xf: {  	s11 =	sadd.s32 s18, s3;
	s14 =	sshrl.u32 s14, $0x3;
	s15 =	sshrl.u32 s15, $0x3  }
0x10: {  	s16 =	sshrl.u32 s16, $0x3;
	s0 =	sadd.s32 s0, s18;
	s19 =	sadd.s32 s12, s17  }
0x11: {  	s2 =	sshrl.u32 s2, $0x3;
	s20 =	sadd.s32 s12, s14;
	[dreg:$0x5] =	wrdreg s19  }
0x12: {  	s21 =	sadd.s32 s12, s15;
	s22 =	sadd.s32 s12, s16;
	[dreg:$0x6] =	wrdreg s20  }
0x13: {  	s0 =	sshrl.u32 s0, $0x3;
	s2 =	sadd.s32 s2, s6;
	[dreg:$0x7] =	wrdreg s21  }
0x14: {  	s6 =	sadd.s32 $0x67600, s6;
	[dreg:$0x8] =	wrdreg s22;
	s12 =	sadd.s32 s12, s0  }
0x15: {  	s22 =	smax.u32 s13, $0x1;
	s13 =	simm.s32 $0x3;
	[dreg:$0x9] =	wrdreg s12  }
0x16: {  	s23 =	sadd.s32 s6, s17;
	s24 =	sadd.s32 s6, s14;
	s25 =	sadd.s32 s6, s15  }
0x17: {  	s26 =	sadd.s32 s6, s16;
	s21 =	sadd.s32 s6, s0;
	s0 =	simm.s32 $0x140  }
0x18: {  	s6 =	simm.s32 $0x8800;
	s12 =	simm.s32 $0x80;
	[dreg:$0xa] =	wrdreg s23  }
0x19: {  	s14 =	simm.s32 $0x2;
	s15 =	simm.s32 $0x2680;
	[dreg:$0xb] =	wrdreg s24  }
0x1a: {  	s16 =	simm.s32 $0x2780;
	s17 =	simm.s32 $0x0;
	[dreg:$0xc] =	wrdreg s25  }
0x1b: {  	[dreg:$0xd] =	wrdreg s26;
	s23 =	sadd.s32 $0x2600, s2;
	s24 =	sadd.s32 $0x2B00, s2  }
0x1c: {  	s25 =	simm.s32 $0x2800;
	s26 =	simm.s32 $0x4;
	s2 =	simm.s32 $0x6800  }
.LBB2_1:
0x1d: {  	[tilespmem:s25], [sflag:$0x4] =	stream.linear.gather [hbm4b:s5+s4], $0x4000, $0x38;
	[tilespmem:$0x1E800] =	vst v63  }
0x1e: {  	_ =	swait.ge [sflag:s26], $0x4000  }
0x1f: {  	[sflag:s26] =	ssyncset.done $0x0  }
0x20: {  	[sflag:s26] =	ssyncadd.s32 $0xFFFFC000  }
0x21: {  	[spmem:s7] =	stream.linear.scatter [tilespmem:s25], [sflag:$0x1], $0x4000, $0x38;
	[tilespmem:$0x1E800] =	vst v63  }
0x22: {  	_ =	swait.ge [sflag:s28], $0x4000  }
0x23: {  	[sflag:s28] =	ssyncset.done $0x0  }
0x24: {  	[sflag:s28] =	ssyncadd.s32 $0xFFFFC000  }
0x25: {  	[spmem:s8] =	stream.linear.scatter [tilespmem:s25], [sflag:$0x1], $0x4000, $0x38;
	[tilespmem:$0x1E800] =	vst v63  }
0x26: {  	_ =	swait.ge [sflag:s28], $0x4000  }
0x27: {  	[sflag:s28] =	ssyncset.done $0x0  }
0x28: {  	[sflag:s28] =	ssyncadd.s32 $0xFFFFC000  }
0x29: {  	[spmem:s9] =	stream.linear.scatter [tilespmem:s25], [sflag:$0x1], $0x4000, $0x38;
	[tilespmem:$0x1E800] =	vst v63  }
0x2a: {  	_ =	swait.ge [sflag:s28], $0x4000  }
0x2b: {  	[sflag:s28] =	ssyncset.done $0x0  }
0x2c: {  	[sflag:s28] =	ssyncadd.s32 $0xFFFFC000  }
0x2d: {  	[spmem:s10] =	stream.linear.scatter [tilespmem:s25], [sflag:$0x1], $0x4000, $0x38;
	[tilespmem:$0x1E800] =	vst v63  }
0x2e: {  	_ =	swait.ge [sflag:s28], $0x4000  }
0x2f: {  	[sflag:s28] =	ssyncset.done $0x0  }
0x30: {  	[sflag:s28] =	ssyncadd.s32 $0xFFFFC000  }
0x31: {  	[spmem:s11] =	stream.linear.scatter [tilespmem:s25], [sflag:$0x1], $0x4000, $0x38;
	[tilespmem:$0x1E800] =	vst v63  }
0x32: {  	_ =	swait.ge [sflag:s28], $0x4000  }
0x33: {  	[sflag:s28] =	ssyncset.done $0x0  }
0x34: {  	[sflag:s28] =	ssyncadd.s32 $0xFFFFC000  }
0x35: {  	[bflag:$0x0] =	sbarrier.arrive $0xFFFF  }
0x36: {  	[tilespmem:s4], [sflag:$0x4] =	stream.linear.gather [hbm4b:s23+s4], $0x2800, $0x38;
	[tilespmem:$0x1E800] =	vst v63  }
0x37: {  	_ =	swait.ge [sflag:s26], $0x2800  }
0x38: {  	[sflag:s26] =	ssyncset.done $0x0  }
0x39: {  	[sflag:s26] =	ssyncadd.s32 $0xFFFFD800  }
0x3a: {  	[tilespmem:s25], [sflag:$0x1] =	stream.indirect.gather [hbm4b:s1+s29], $0x80, s4, s29, $0xb8;
	[tilespmem:$0x1E800] =	vst v63  }
0x3b: {  	_ = 	snop  }
0x3c: {  	[tilespmem:s30], [sflag:$0x1] =	stream.indirect.gather [hbm4b:s1+s29], $0x80, s29, s29, $0xb8;
	[tilespmem:$0x1E800] =	vst v63  }
0x3d: {  	_ = 	snop  }
0x3e: {  	[tilespmem:s2], [sflag:$0x2] =	stream.indirect.gather [hbm4b:s1+s29], $0x80, s31, s29, $0xb8;
	[tilespmem:$0x1E800] =	vst v63  }
0x3f: {  	_ = 	snop  }
0x40: {  	[tilespmem:s6], [sflag:$0x2] =	stream.indirect.gather [hbm4b:s1+s29], $0x80, s0, s29, $0xb8;
	[tilespmem:$0x1E800] =	vst v63  }
0x41: {  	_ =	swait.ge [sflag:s28], $0x2000  }
0x42: {  	[sflag:s28] =	ssyncset.done $0x0  }
0x43: {  	[sflag:s28] =	ssyncadd.s32 $0xFFFFE000  }
0x44: {  	_ =	swait.ge [sflag:s28], $0x2000  }
0x45: {  	[sflag:s28] =	ssyncset.done $0x0  }
0x46: {  	s18 =	simm.s32 $0x80;
	[sflag:s28] =	ssyncadd.s32 $0xFFFFE000  }
0x47: {  	[spmem:s3] =	stream.indirect.scatter.add.f32 [tilespmem:s25], [sflag:$0x3], $0x80, s18, s12, $0xb8;
	[tilespmem:$0x1E800] =	vst v63  }
0x48: {  	_ =	swait.ge [sflag:s13], $0x4000  }
0x49: {  	[sflag:s13] =	ssyncset.done $0x0  }
0x4a: {  	s19 =	simm.s32 $0x200;
	[sflag:s13] =	ssyncadd.s32 $0xFFFFC000  }
0x4b: {  	[tilespmem:s25], [sflag:$0x1] =	stream.indirect.gather [hbm4b:s1+s29], $0x80, s19, s29, $0xb8;
	[tilespmem:$0x1E800] =	vst v63  }
0x4c: {  	s20 =	simm.s32 $0x240  }
0x4d: {  	[tilespmem:s30], [sflag:$0x1] =	stream.indirect.gather [hbm4b:s1+s29], $0x80, s20, s29, $0xb8;
	[tilespmem:$0x1E800] =	vst v63  }
0x4e: {  	_ =	swait.ge [sflag:s14], $0x2000  }
0x4f: {  	[sflag:s14] =	ssyncset.done $0x0  }
0x50: {  	[sflag:s14] =	ssyncadd.s32 $0xFFFFE000  }
0x51: {  	_ =	swait.ge [sflag:s14], $0x2000  }
0x52: {  	[sflag:s14] =	ssyncset.done $0x0  }
0x53: {  	s19 =	simm.s32 $0x180;
	[sflag:s14] =	ssyncadd.s32 $0xFFFFE000  }
0x54: {  	[spmem:s3] =	stream.indirect.scatter.add.f32 [tilespmem:s2], [sflag:$0x3], $0x80, s19, s12, $0xb8;
	[tilespmem:$0x1E800] =	vst v63  }
0x55: {  	_ =	swait.ge [sflag:s13], $0x4000  }
0x56: {  	s18 =	simm.s32 $0x800;
	[sflag:s13] =	ssyncset.done $0x0  }
0x57: {  	s20 =	simm.s32 $0x300;
	s19 =	simm.s32 $0x340;
	[sflag:s13] =	ssyncadd.s32 $0xFFFFC000  }
0x58: {  	[tilespmem:s2], [sflag:$0x2] =	stream.indirect.gather [hbm4b:s1+s29], $0x80, s20, s29, $0xb8;
	[tilespmem:$0x1E800] =	vst v63  }
.LBB2_2:
0x59: {  	[tilespmem:s6], [sflag:$0x2] =	stream.indirect.gather [hbm4b:s1+s29], $0x80, s19, s29, $0xb8;
	[tilespmem:$0x1E800] =	vst v63  }
0x5a: {  	s19 =	smov.u32 s18  }
0x5b: {  	p0 =	sne.s32 s18, $0x9000;
	s18 =	sadd.s32 $0x800, s18;
	_ =	swait.ge [sflag:s28], $0x2000  }
0x5c: {  	[sflag:s28] =	ssyncset.done $0x0  }
0x5d: {  	[sflag:s28] =	ssyncadd.s32 $0xFFFFE000  }
0x5e: {  	_ =	swait.ge [sflag:s28], $0x2000  }
0x5f: {  	s19 =	sshra.s32 s19, $0x2;
	[sflag:s28] =	ssyncset.done $0x0  }
0x60: {  	s20 =	sadd.s32 $0x80, s19;
	[sflag:s28] =	ssyncadd.s32 $0xFFFFE000  }
0x61: {  	[spmem:s3] =	stream.indirect.scatter.add.f32 [tilespmem:s25], [sflag:$0x3], $0x80, s20, s12, $0xb8;
	[tilespmem:$0x1E800] =	vst v63  }
0x62: {  	_ =	swait.ge [sflag:s13], $0x4000  }
0x63: {  	[sflag:s13] =	ssyncset.done $0x0  }
0x64: {  	s20 =	sadd.s32 $0x200, s19;
	[sflag:s13] =	ssyncadd.s32 $0xFFFFC000  }
0x65: {  	[tilespmem:s25], [sflag:$0x1] =	stream.indirect.gather [hbm4b:s1+s29], $0x80, s20, s29, $0xb8;
	[tilespmem:$0x1E800] =	vst v63  }
0x66: {  	s20 =	sadd.s32 $0x240, s19  }
0x67: {  	[tilespmem:s30], [sflag:$0x1] =	stream.indirect.gather [hbm4b:s1+s29], $0x80, s20, s29, $0xb8;
	[tilespmem:$0x1E800] =	vst v63  }
0x68: {  	_ =	swait.ge [sflag:s14], $0x2000  }
0x69: {  	[sflag:s14] =	ssyncset.done $0x0  }
0x6a: {  	[sflag:s14] =	ssyncadd.s32 $0xFFFFE000  }
0x6b: {  	_ =	swait.ge [sflag:s14], $0x2000  }
0x6c: {  	[sflag:s14] =	ssyncset.done $0x0  }
0x6d: {  	s20 =	sadd.s32 $0x180, s19;
	[sflag:s14] =	ssyncadd.s32 $0xFFFFE000  }
0x6e: {  	[spmem:s3] =	stream.indirect.scatter.add.f32 [tilespmem:s2], [sflag:$0x3], $0x80, s20, s12, $0xb8;
	[tilespmem:$0x1E800] =	vst v63  }
.Ltmp0:
0x6f: {  	_ =	swait.ge [sflag:s13], $0x4000;
	(pc) =	sbr.rel @p0 .LBB2_2-.Ltmp0, $4  }
0x70: {  	[sflag:s13] =	ssyncset.done $0x0  }
0x71: {  	s20 =	sadd.s32 $0x300, s19;
	[sflag:s13] =	ssyncadd.s32 $0xFFFFC000  }
0x72: {  	[tilespmem:s2], [sflag:$0x2] =	stream.indirect.gather [hbm4b:s1+s29], $0x80, s20, s29, $0xb8;
	[tilespmem:$0x1E800] =	vst v63  }
0x73: {  	s19 =	sadd.s32 $0x340, s19  }
0x74: {  	[tilespmem:s6], [sflag:$0x2] =	stream.indirect.gather [hbm4b:s1+s29], $0x80, s19, s29, $0xb8;
	[tilespmem:$0x1E800] =	vst v63  }
0x75: {  	_ =	swait.ge [sflag:s28], $0x2000  }
0x76: {  	[sflag:s28] =	ssyncset.done $0x0  }
0x77: {  	[sflag:s28] =	ssyncadd.s32 $0xFFFFE000  }
0x78: {  	_ =	swait.ge [sflag:s28], $0x2000  }
0x79: {  	[sflag:s28] =	ssyncset.done $0x0  }
0x7a: {  	[sflag:s28] =	ssyncadd.s32 $0xFFFFE000  }
0x7b: {  	[spmem:s3] =	stream.indirect.scatter.add.f32 [tilespmem:s25], [sflag:$0x3], $0x80, s15, s12, $0xb8;
	[tilespmem:$0x1E800] =	vst v63  }
0x7c: {  	_ =	swait.ge [sflag:s13], $0x4000  }
0x7d: {  	[sflag:s13] =	ssyncset.done $0x0  }
0x7e: {  	[sflag:s13] =	ssyncadd.s32 $0xFFFFC000  }
0x7f: {  	_ =	swait.ge [sflag:s14], $0x2000  }
0x80: {  	[sflag:s14] =	ssyncset.done $0x0  }
0x81: {  	[sflag:s14] =	ssyncadd.s32 $0xFFFFE000  }
0x82: {  	_ =	swait.ge [sflag:s14], $0x2000  }
0x83: {  	[sflag:s14] =	ssyncset.done $0x0  }
0x84: {  	[sflag:s14] =	ssyncadd.s32 $0xFFFFE000  }
0x85: {  	[spmem:s3] =	stream.indirect.scatter.add.f32 [tilespmem:s2], [sflag:$0x3], $0x80, s16, s12, $0xb8;
	[tilespmem:$0x1E800] =	vst v63  }
0x86: {  	_ =	swait.ge [sflag:s13], $0x4000  }
0x87: {  	[sflag:s13] =	ssyncset.done $0x0  }
0x88: {  	s18 =	simm.s32 $0x0;
	[sflag:s13] =	ssyncadd.s32 $0xFFFFC000  }
0x89: {  	[tilespmem:s18], [sflag:$0x4] =	stream.linear.gather [hbm4b:s24+s18], $0x2800, $0x38;
	[tilespmem:$0x1E800] =	vst v63  }
0x8a: {  	_ =	swait.ge [sflag:s26], $0x2800  }
0x8b: {  	[sflag:s26] =	ssyncset.done $0x0  }
0x8c: {  	[sflag:s26] =	ssyncadd.s32 $0xFFFFD800  }
0x8d: {  	[tilespmem:s25], [sflag:$0x1] =	stream.indirect.gather [hbm4b:s1+s29], $0x80, s18, s29, $0xb8;
	[tilespmem:$0x1E800] =	vst v63  }
0x8e: {  	_ = 	snop  }
0x8f: {  	[tilespmem:s30], [sflag:$0x1] =	stream.indirect.gather [hbm4b:s1+s29], $0x80, s29, s29, $0xb8;
	[tilespmem:$0x1E800] =	vst v63  }
0x90: {  	_ = 	snop  }
0x91: {  	[tilespmem:s2], [sflag:$0x2] =	stream.indirect.gather [hbm4b:s1+s29], $0x80, s31, s29, $0xb8;
	[tilespmem:$0x1E800] =	vst v63  }
0x92: {  	_ = 	snop  }
0x93: {  	[tilespmem:s6], [sflag:$0x2] =	stream.indirect.gather [hbm4b:s1+s29], $0x80, s0, s29, $0xb8;
	[tilespmem:$0x1E800] =	vst v63  }
0x94: {  	_ =	swait.ge [sflag:s28], $0x2000  }
0x95: {  	[sflag:s28] =	ssyncset.done $0x0  }
0x96: {  	[sflag:s28] =	ssyncadd.s32 $0xFFFFE000  }
0x97: {  	_ =	swait.ge [sflag:s28], $0x2000  }
0x98: {  	[sflag:s28] =	ssyncset.done $0x0  }
0x99: {  	s20 =	simm.s32 $0x80;
	[sflag:s28] =	ssyncadd.s32 $0xFFFFE000  }
0x9a: {  	[spmem:s3] =	stream.indirect.scatter.add.f32 [tilespmem:s25], [sflag:$0x3], $0x80, s20, s12, $0xb8;
	[tilespmem:$0x1E800] =	vst v63  }
0x9b: {  	_ =	swait.ge [sflag:s13], $0x4000  }
0x9c: {  	[sflag:s13] =	ssyncset.done $0x0  }
0x9d: {  	s19 =	simm.s32 $0x200;
	[sflag:s13] =	ssyncadd.s32 $0xFFFFC000  }
0x9e: {  	[tilespmem:s25], [sflag:$0x1] =	stream.indirect.gather [hbm4b:s1+s29], $0x80, s19, s29, $0xb8;
	[tilespmem:$0x1E800] =	vst v63  }
0x9f: {  	s20 =	simm.s32 $0x240  }
0xa0: {  	[tilespmem:s30], [sflag:$0x1] =	stream.indirect.gather [hbm4b:s1+s29], $0x80, s20, s29, $0xb8;
	[tilespmem:$0x1E800] =	vst v63  }
0xa1: {  	_ =	swait.ge [sflag:s14], $0x2000  }
0xa2: {  	[sflag:s14] =	ssyncset.done $0x0  }
0xa3: {  	[sflag:s14] =	ssyncadd.s32 $0xFFFFE000  }
0xa4: {  	_ =	swait.ge [sflag:s14], $0x2000  }
0xa5: {  	[sflag:s14] =	ssyncset.done $0x0  }
0xa6: {  	s19 =	simm.s32 $0x180;
	[sflag:s14] =	ssyncadd.s32 $0xFFFFE000  }
0xa7: {  	[spmem:s3] =	stream.indirect.scatter.add.f32 [tilespmem:s2], [sflag:$0x3], $0x80, s19, s12, $0xb8;
	[tilespmem:$0x1E800] =	vst v63  }
0xa8: {  	_ =	swait.ge [sflag:s13], $0x4000  }
0xa9: {  	s18 =	simm.s32 $0x800;
	[sflag:s13] =	ssyncset.done $0x0  }
0xaa: {  	s20 =	simm.s32 $0x300;
	s19 =	simm.s32 $0x340;
	[sflag:s13] =	ssyncadd.s32 $0xFFFFC000  }
0xab: {  	[tilespmem:s2], [sflag:$0x2] =	stream.indirect.gather [hbm4b:s1+s29], $0x80, s20, s29, $0xb8;
	[tilespmem:$0x1E800] =	vst v63  }
.LBB2_4:
0xac: {  	[tilespmem:s6], [sflag:$0x2] =	stream.indirect.gather [hbm4b:s1+s29], $0x80, s19, s29, $0xb8;
	[tilespmem:$0x1E800] =	vst v63  }
0xad: {  	s19 =	smov.u32 s18  }
0xae: {  	p0 =	sne.s32 s18, $0x9000;
	s18 =	sadd.s32 $0x800, s18;
	_ =	swait.ge [sflag:s28], $0x2000  }
0xaf: {  	[sflag:s28] =	ssyncset.done $0x0  }
0xb0: {  	[sflag:s28] =	ssyncadd.s32 $0xFFFFE000  }
0xb1: {  	_ =	swait.ge [sflag:s28], $0x2000  }
0xb2: {  	s19 =	sshra.s32 s19, $0x2;
	[sflag:s28] =	ssyncset.done $0x0  }
0xb3: {  	s20 =	sadd.s32 $0x80, s19;
	[sflag:s28] =	ssyncadd.s32 $0xFFFFE000  }
0xb4: {  	[spmem:s3] =	stream.indirect.scatter.add.f32 [tilespmem:s25], [sflag:$0x3], $0x80, s20, s12, $0xb8;
	[tilespmem:$0x1E800] =	vst v63  }
0xb5: {  	_ =	swait.ge [sflag:s13], $0x4000  }
0xb6: {  	[sflag:s13] =	ssyncset.done $0x0  }
0xb7: {  	s20 =	sadd.s32 $0x200, s19;
	[sflag:s13] =	ssyncadd.s32 $0xFFFFC000  }
0xb8: {  	[tilespmem:s25], [sflag:$0x1] =	stream.indirect.gather [hbm4b:s1+s29], $0x80, s20, s29, $0xb8;
	[tilespmem:$0x1E800] =	vst v63  }
0xb9: {  	s20 =	sadd.s32 $0x240, s19  }
0xba: {  	[tilespmem:s30], [sflag:$0x1] =	stream.indirect.gather [hbm4b:s1+s29], $0x80, s20, s29, $0xb8;
	[tilespmem:$0x1E800] =	vst v63  }
0xbb: {  	_ =	swait.ge [sflag:s14], $0x2000  }
0xbc: {  	[sflag:s14] =	ssyncset.done $0x0  }
0xbd: {  	[sflag:s14] =	ssyncadd.s32 $0xFFFFE000  }
0xbe: {  	_ =	swait.ge [sflag:s14], $0x2000  }
0xbf: {  	[sflag:s14] =	ssyncset.done $0x0  }
0xc0: {  	s20 =	sadd.s32 $0x180, s19;
	[sflag:s14] =	ssyncadd.s32 $0xFFFFE000  }
0xc1: {  	[spmem:s3] =	stream.indirect.scatter.add.f32 [tilespmem:s2], [sflag:$0x3], $0x80, s20, s12, $0xb8;
	[tilespmem:$0x1E800] =	vst v63  }
.Ltmp1:
0xc2: {  	_ =	swait.ge [sflag:s13], $0x4000;
	(pc) =	sbr.rel @p0 .LBB2_4-.Ltmp1, $4  }
0xc3: {  	[sflag:s13] =	ssyncset.done $0x0  }
0xc4: {  	s20 =	sadd.s32 $0x300, s19;
	[sflag:s13] =	ssyncadd.s32 $0xFFFFC000  }
0xc5: {  	[tilespmem:s2], [sflag:$0x2] =	stream.indirect.gather [hbm4b:s1+s29], $0x80, s20, s29, $0xb8;
	[tilespmem:$0x1E800] =	vst v63  }
0xc6: {  	s19 =	sadd.s32 $0x340, s19  }
0xc7: {  	[tilespmem:s6], [sflag:$0x2] =	stream.indirect.gather [hbm4b:s1+s29], $0x80, s19, s29, $0xb8;
	[tilespmem:$0x1E800] =	vst v63  }
0xc8: {  	_ =	swait.ge [sflag:s28], $0x2000  }
0xc9: {  	[sflag:s28] =	ssyncset.done $0x0  }
0xca: {  	[sflag:s28] =	ssyncadd.s32 $0xFFFFE000  }
0xcb: {  	_ =	swait.ge [sflag:s28], $0x2000  }
0xcc: {  	[sflag:s28] =	ssyncset.done $0x0  }
0xcd: {  	[sflag:s28] =	ssyncadd.s32 $0xFFFFE000  }
0xce: {  	[spmem:s3] =	stream.indirect.scatter.add.f32 [tilespmem:s25], [sflag:$0x3], $0x80, s15, s12, $0xb8;
	[tilespmem:$0x1E800] =	vst v63  }
0xcf: {  	_ =	swait.ge [sflag:s13], $0x4000  }
0xd0: {  	[sflag:s13] =	ssyncset.done $0x0  }
0xd1: {  	[sflag:s13] =	ssyncadd.s32 $0xFFFFC000  }
0xd2: {  	_ =	swait.ge [sflag:s14], $0x2000  }
0xd3: {  	[sflag:s14] =	ssyncset.done $0x0  }
0xd4: {  	[sflag:s14] =	ssyncadd.s32 $0xFFFFE000  }
0xd5: {  	_ =	swait.ge [sflag:s14], $0x2000  }
0xd6: {  	[sflag:s14] =	ssyncset.done $0x0  }
0xd7: {  	[sflag:s14] =	ssyncadd.s32 $0xFFFFE000  }
0xd8: {  	[spmem:s3] =	stream.indirect.scatter.add.f32 [tilespmem:s2], [sflag:$0x3], $0x80, s16, s12, $0xb8;
	[tilespmem:$0x1E800] =	vst v63  }
0xd9: {  	_ =	swait.ge [sflag:s13], $0x4000  }
0xda: {  	[sflag:s13] =	ssyncset.done $0x0  }
0xdb: {  	[sflag:s13] =	ssyncadd.s32 $0xFFFFC000  }
0xdc: {  	[bflag:$0x0] =	sbarrier.arrive $0xFFFF  }
0xdd: {  	[tilespmem:s25], [sflag:$0x1] =	stream.linear.gather [spmem:s7], $0x4000, $0x38;
	[tilespmem:$0x1E800] =	vst v63  }
0xde: {  	_ =	swait.ge [sflag:s28], $0x4000  }
0xdf: {  	[sflag:s28] =	ssyncset.done $0x0  }
0xe0: {  	s18 =	rddreg [dreg:$0x5];
	[sflag:s28] =	ssyncadd.s32 $0xFFFFC000  }
0xe1: {  	[hbm4b:s18+s4] =	stream.linear.scatter [tilespmem:s25], [sflag:$0x4], $0x4000, $0x38;
	[tilespmem:$0x1E800] =	vst v63  }
0xe2: {  	_ =	swait.ge [sflag:s26], $0x4000  }
0xe3: {  	[sflag:s26] =	ssyncset.done $0x0  }
0xe4: {  	[sflag:s26] =	ssyncadd.s32 $0xFFFFC000  }
0xe5: {  	[tilespmem:s25], [sflag:$0x1] =	stream.linear.gather [spmem:s8], $0x4000, $0x38;
	[tilespmem:$0x1E800] =	vst v63  }
0xe6: {  	_ =	swait.ge [sflag:s28], $0x4000  }
0xe7: {  	[sflag:s28] =	ssyncset.done $0x0  }
0xe8: {  	s19 =	rddreg [dreg:$0x6];
	[sflag:s28] =	ssyncadd.s32 $0xFFFFC000  }
0xe9: {  	[hbm4b:s19+s4] =	stream.linear.scatter [tilespmem:s25], [sflag:$0x4], $0x4000, $0x38;
	[tilespmem:$0x1E800] =	vst v63  }
0xea: {  	_ =	swait.ge [sflag:s26], $0x4000  }
0xeb: {  	[sflag:s26] =	ssyncset.done $0x0  }
0xec: {  	[sflag:s26] =	ssyncadd.s32 $0xFFFFC000  }
0xed: {  	[tilespmem:s25], [sflag:$0x1] =	stream.linear.gather [spmem:s9], $0x4000, $0x38;
	[tilespmem:$0x1E800] =	vst v63  }
0xee: {  	_ =	swait.ge [sflag:s28], $0x4000  }
0xef: {  	[sflag:s28] =	ssyncset.done $0x0  }
0xf0: {  	s20 =	rddreg [dreg:$0x7];
	[sflag:s28] =	ssyncadd.s32 $0xFFFFC000  }
0xf1: {  	[hbm4b:s20+s4] =	stream.linear.scatter [tilespmem:s25], [sflag:$0x4], $0x4000, $0x38;
	[tilespmem:$0x1E800] =	vst v63  }
0xf2: {  	_ =	swait.ge [sflag:s26], $0x4000  }
0xf3: {  	[sflag:s26] =	ssyncset.done $0x0  }
0xf4: {  	[sflag:s26] =	ssyncadd.s32 $0xFFFFC000  }
0xf5: {  	[tilespmem:s25], [sflag:$0x1] =	stream.linear.gather [spmem:s10], $0x4000, $0x38;
	[tilespmem:$0x1E800] =	vst v63  }
0xf6: {  	_ =	swait.ge [sflag:s28], $0x4000  }
0xf7: {  	[sflag:s28] =	ssyncset.done $0x0  }
0xf8: {  	s19 =	rddreg [dreg:$0x8];
	[sflag:s28] =	ssyncadd.s32 $0xFFFFC000  }
0xf9: {  	[hbm4b:s19+s4] =	stream.linear.scatter [tilespmem:s25], [sflag:$0x4], $0x4000, $0x38;
	[tilespmem:$0x1E800] =	vst v63  }
0xfa: {  	_ =	swait.ge [sflag:s26], $0x4000  }
0xfb: {  	[sflag:s26] =	ssyncset.done $0x0  }
0xfc: {  	[sflag:s26] =	ssyncadd.s32 $0xFFFFC000  }
0xfd: {  	[tilespmem:s25], [sflag:$0x1] =	stream.linear.gather [spmem:s11], $0x4000, $0x38;
	[tilespmem:$0x1E800] =	vst v63  }
0xfe: {  	_ =	swait.ge [sflag:s28], $0x4000  }
0xff: {  	[sflag:s28] =	ssyncset.done $0x0  }
0x100: {  	s20 =	rddreg [dreg:$0x9];
	[sflag:s28] =	ssyncadd.s32 $0xFFFFC000  }
0x101: {  	[hbm4b:s20+s4] =	stream.linear.scatter [tilespmem:s25], [sflag:$0x4], $0x4000, $0x38;
	[tilespmem:$0x1E800] =	vst v63  }
0x102: {  	_ =	swait.ge [sflag:s26], $0x4000  }
0x103: {  	[sflag:s26] =	ssyncset.done $0x0  }
0x104: {  	[sflag:s26] =	ssyncadd.s32 $0xFFFFC000  }
0x105: {  	[bflag:$0x0] =	sbarrier.arrive $0xFFFF  }
0x106: {  	[tilespmem:s25], [sflag:$0x4] =	stream.linear.gather [hbm4b:s5+s4], $0x4000, $0x38;
	[tilespmem:$0x1E800] =	vst v63  }
0x107: {  	_ =	swait.ge [sflag:s26], $0x4000  }
0x108: {  	[sflag:s26] =	ssyncset.done $0x0  }
0x109: {  	[sflag:s26] =	ssyncadd.s32 $0xFFFFC000  }
0x10a: {  	[spmem:s7] =	stream.linear.scatter [tilespmem:s25], [sflag:$0x1], $0x4000, $0x38;
	[tilespmem:$0x1E800] =	vst v63  }
0x10b: {  	_ =	swait.ge [sflag:s28], $0x4000  }
0x10c: {  	[sflag:s28] =	ssyncset.done $0x0  }
0x10d: {  	[sflag:s28] =	ssyncadd.s32 $0xFFFFC000  }
0x10e: {  	[spmem:s8] =	stream.linear.scatter [tilespmem:s25], [sflag:$0x1], $0x4000, $0x38;
	[tilespmem:$0x1E800] =	vst v63  }
0x10f: {  	_ =	swait.ge [sflag:s28], $0x4000  }
0x110: {  	[sflag:s28] =	ssyncset.done $0x0  }
0x111: {  	[sflag:s28] =	ssyncadd.s32 $0xFFFFC000  }
0x112: {  	[spmem:s9] =	stream.linear.scatter [tilespmem:s25], [sflag:$0x1], $0x4000, $0x38;
	[tilespmem:$0x1E800] =	vst v63  }
0x113: {  	_ =	swait.ge [sflag:s28], $0x4000  }
0x114: {  	[sflag:s28] =	ssyncset.done $0x0  }
0x115: {  	[sflag:s28] =	ssyncadd.s32 $0xFFFFC000  }
0x116: {  	[spmem:s10] =	stream.linear.scatter [tilespmem:s25], [sflag:$0x1], $0x4000, $0x38;
	[tilespmem:$0x1E800] =	vst v63  }
0x117: {  	_ =	swait.ge [sflag:s28], $0x4000  }
0x118: {  	[sflag:s28] =	ssyncset.done $0x0  }
0x119: {  	[sflag:s28] =	ssyncadd.s32 $0xFFFFC000  }
0x11a: {  	[spmem:s11] =	stream.linear.scatter [tilespmem:s25], [sflag:$0x1], $0x4000, $0x38;
	[tilespmem:$0x1E800] =	vst v63  }
0x11b: {  	_ =	swait.ge [sflag:s28], $0x4000  }
0x11c: {  	[sflag:s28] =	ssyncset.done $0x0  }
0x11d: {  	s19 =	rddreg [dreg:$0x4];
	[sflag:s28] =	ssyncadd.s32 $0xFFFFC000  }
0x11e: {  	[tilespmem:s2], [sflag:$0x4] =	stream.linear.gather [hbm4b:s19+s4], $0x4000, $0x38;
	[tilespmem:$0x1E800] =	vst v63  }
0x11f: {  	_ =	swait.ge [sflag:s26], $0x4000  }
0x120: {  	[sflag:s26] =	ssyncset.done $0x0  }
0x121: {  	[sflag:s26] =	ssyncadd.s32 $0xFFFFC000  }
0x122: {  	[bflag:$0x0] =	sbarrier.arrive $0xFFFF  }
0x123: {  	[tilespmem:s4], [sflag:$0x4] =	stream.linear.gather [hbm4b:s23+s4], $0x2800, $0x38;
	[tilespmem:$0x1E800] =	vst v63  }
0x124: {  	_ =	swait.ge [sflag:s26], $0x2800  }
0x125: {  	[sflag:s26] =	ssyncset.done $0x0  }
0x126: {  	s20 =	simm.s32 $0x80;
	[sflag:s26] =	ssyncadd.s32 $0xFFFFD800  }
0x127: {  	[spmem:s3] =	stream.indirect.scatter.add.f32 [tilespmem:s2], [sflag:$0x3], $0x80, s20, s12, $0xb8;
	[tilespmem:$0x1E800] =	vst v63  }
0x128: {  	_ =	swait.ge [sflag:s13], $0x4000  }
0x129: {  	s18 =	simm.s32 $0x600;
	[sflag:s13] =	ssyncset.done $0x0  }
.LBB2_6:
0x12a: {  	s19 =	sshra.s32 s18, $0x2;
	[sflag:s13] =	ssyncadd.s32 $0xFFFFC000;
	p0 =	sne.s32 s18, $0x9E00  }
0x12b: {  	[spmem:s3] =	stream.indirect.scatter.add.f32 [tilespmem:s2], [sflag:$0x3], $0x80, s19, s12, $0xb8;
	[tilespmem:$0x1E800] =	vst v63  }
.Ltmp2:
0x12c: {  	_ = 	snop;
	(pc) =	sbr.rel @p0 .LBB2_6-.Ltmp2, $4  }
0x12d: {  	_ = 	snop  }
0x12e: {  	s18 =	sadd.s32 $0x400, s18  }
0x12f: {  	_ =	swait.ge [sflag:s13], $0x4000  }
0x130: {  	[sflag:s13] =	ssyncset.done $0x0  }
0x131: {  	[sflag:s13] =	ssyncadd.s32 $0xFFFFC000  }
0x132: {  	[tilespmem:s4], [sflag:$0x4] =	stream.linear.gather [hbm4b:s24+s4], $0x2800, $0x38;
	[tilespmem:$0x1E800] =	vst v63  }
0x133: {  	_ =	swait.ge [sflag:s26], $0x2800  }
0x134: {  	[sflag:s26] =	ssyncset.done $0x0  }
0x135: {  	s18 =	simm.s32 $0x80;
	[sflag:s26] =	ssyncadd.s32 $0xFFFFD800  }
0x136: {  	[spmem:s3] =	stream.indirect.scatter.add.f32 [tilespmem:s2], [sflag:$0x3], $0x80, s18, s12, $0xb8;
	[tilespmem:$0x1E800] =	vst v63  }
0x137: {  	_ =	swait.ge [sflag:s13], $0x4000  }
0x138: {  	s18 =	simm.s32 $0x600;
	[sflag:s13] =	ssyncset.done $0x0  }
.LBB2_8:
0x139: {  	s19 =	sshra.s32 s18, $0x2;
	[sflag:s13] =	ssyncadd.s32 $0xFFFFC000;
	p0 =	sne.s32 s18, $0x9E00  }
0x13a: {  	[spmem:s3] =	stream.indirect.scatter.add.f32 [tilespmem:s2], [sflag:$0x3], $0x80, s19, s12, $0xb8;
	[tilespmem:$0x1E800] =	vst v63  }
.Ltmp3:
0x13b: {  	_ = 	snop;
	(pc) =	sbr.rel @p0 .LBB2_8-.Ltmp3, $4  }
0x13c: {  	_ = 	snop  }
0x13d: {  	s18 =	sadd.s32 $0x400, s18  }
0x13e: {  	_ =	swait.ge [sflag:s13], $0x4000  }
0x13f: {  	[sflag:s13] =	ssyncset.done $0x0  }
0x140: {  	[sflag:s13] =	ssyncadd.s32 $0xFFFFC000  }
0x141: {  	[bflag:$0x0] =	sbarrier.arrive $0xFFFF  }
0x142: {  	[tilespmem:s25], [sflag:$0x1] =	stream.linear.gather [spmem:s7], $0x4000, $0x38;
	[tilespmem:$0x1E800] =	vst v63  }
0x143: {  	_ =	swait.ge [sflag:s28], $0x4000  }
0x144: {  	[sflag:s28] =	ssyncset.done $0x0  }
0x145: {  	s18 =	rddreg [dreg:$0xa];
	[sflag:s28] =	ssyncadd.s32 $0xFFFFC000  }
0x146: {  	[hbm4b:s18+s4] =	stream.linear.scatter [tilespmem:s25], [sflag:$0x4], $0x4000, $0x38;
	[tilespmem:$0x1E800] =	vst v63  }
0x147: {  	_ =	swait.ge [sflag:s26], $0x4000  }
0x148: {  	[sflag:s26] =	ssyncset.done $0x0  }
0x149: {  	[sflag:s26] =	ssyncadd.s32 $0xFFFFC000  }
0x14a: {  	[tilespmem:s25], [sflag:$0x1] =	stream.linear.gather [spmem:s8], $0x4000, $0x38;
	[tilespmem:$0x1E800] =	vst v63  }
0x14b: {  	_ =	swait.ge [sflag:s28], $0x4000  }
0x14c: {  	[sflag:s28] =	ssyncset.done $0x0  }
0x14d: {  	s20 =	rddreg [dreg:$0xb];
	[sflag:s28] =	ssyncadd.s32 $0xFFFFC000  }
0x14e: {  	[hbm4b:s20+s4] =	stream.linear.scatter [tilespmem:s25], [sflag:$0x4], $0x4000, $0x38;
	[tilespmem:$0x1E800] =	vst v63  }
0x14f: {  	_ =	swait.ge [sflag:s26], $0x4000  }
0x150: {  	[sflag:s26] =	ssyncset.done $0x0  }
0x151: {  	[sflag:s26] =	ssyncadd.s32 $0xFFFFC000  }
0x152: {  	[tilespmem:s25], [sflag:$0x1] =	stream.linear.gather [spmem:s9], $0x4000, $0x38;
	[tilespmem:$0x1E800] =	vst v63  }
0x153: {  	_ =	swait.ge [sflag:s28], $0x4000  }
0x154: {  	[sflag:s28] =	ssyncset.done $0x0  }
0x155: {  	s19 =	rddreg [dreg:$0xc];
	[sflag:s28] =	ssyncadd.s32 $0xFFFFC000  }
0x156: {  	[hbm4b:s19+s4] =	stream.linear.scatter [tilespmem:s25], [sflag:$0x4], $0x4000, $0x38;
	[tilespmem:$0x1E800] =	vst v63  }
0x157: {  	_ =	swait.ge [sflag:s26], $0x4000  }
0x158: {  	[sflag:s26] =	ssyncset.done $0x0  }
0x159: {  	[sflag:s26] =	ssyncadd.s32 $0xFFFFC000  }
0x15a: {  	[tilespmem:s25], [sflag:$0x1] =	stream.linear.gather [spmem:s10], $0x4000, $0x38;
	[tilespmem:$0x1E800] =	vst v63  }
0x15b: {  	_ =	swait.ge [sflag:s28], $0x4000  }
0x15c: {  	[sflag:s28] =	ssyncset.done $0x0  }
0x15d: {  	s20 =	rddreg [dreg:$0xd];
	[sflag:s28] =	ssyncadd.s32 $0xFFFFC000  }
0x15e: {  	[hbm4b:s20+s4] =	stream.linear.scatter [tilespmem:s25], [sflag:$0x4], $0x4000, $0x38;
	[tilespmem:$0x1E800] =	vst v63  }
0x15f: {  	_ =	swait.ge [sflag:s26], $0x4000  }
0x160: {  	[sflag:s26] =	ssyncset.done $0x0  }
0x161: {  	[sflag:s26] =	ssyncadd.s32 $0xFFFFC000  }
0x162: {  	[tilespmem:s25], [sflag:$0x1] =	stream.linear.gather [spmem:s11], $0x4000, $0x38;
	[tilespmem:$0x1E800] =	vst v63  }
0x163: {  	s17 =	sadd.s32 $0x1, s17;
	_ =	swait.ge [sflag:s28], $0x4000  }
0x164: {  	p0 =	sne.s32 s17, s22;
	[sflag:s28] =	ssyncset.done $0x0  }
.Ltmp4:
0x165: {  	[sflag:s28] =	ssyncadd.s32 $0xFFFFC000;
	(pc) =	sbr.rel @p0 .LBB2_1-.Ltmp4, $4  }
0x166: {  	[hbm4b:s21+s4] =	stream.linear.scatter [tilespmem:s25], [sflag:$0x4], $0x4000, $0x38;
	[tilespmem:$0x1E800] =	vst v63  }
0x167: {  	_ =	swait.ge [sflag:s26], $0x4000  }
0x168: {  	[sflag:s26] =	ssyncset.done $0x0  }
0x169: {  	[sflag:s26] =	ssyncadd.s32 $0xFFFFC000  }
0x16a: {  	_ =	sfence.sel $0x180000  }
0x16b: {  	[bflag:$0x0] =	sbarrier.arrive $0xFFFF  }
0x16c: {  	_ =	strace $0x90000047  }
0x16d: {  	s0 =	stileid.u32;
	[bflag:$0x2] =	sbarrier.arrive $0xFFFF  }
0x16e: {  	p0 =	sne.s32 s0, $0x0;
	s0 =	rddreg [dreg:$0x3]  }
0x16f: {  	s0 =	sadd.s32 @!p0 $0x100000, s0  }
0x170: {  	[sflag:s0] =	ssyncadd.tile.s32 @!p0 $0x1;
	_ =	shalt  }
.Lfunc_end2:
_tile_overlayer_lowered:
.L_overlay_start_2:
0x171: {  	(tag) =	ssettag $0x2  }
0x172: {  	s0 =	rddreg [dreg:$0x0];
	s2 =	stileid.u32  }
0x173: {  	s1 =	rddreg [dreg:$0x1];
	p0 =	sne.s32 s2, $0x0  }
0x174: {  	s3 =	rddreg [dreg:$0x2];
	[bflag:$0x3] =	sbarrier.arrive $0xFFFF;
	s2 =	simm.s32 @!p0 $0x1C04  }
0x175: {  	[timem:s3], [sflag:s2] =	dma.local @!p0 [hbm:s0], s1  }
0x176: {  	s0 =	simm.s32 @!p0 $0x4  }
0x177: {  	_ =	swait.ge @!p0 [sflag:s0], s1  }
0x178: {  	s1 =	ssub.s32 @!p0 $0x0, s1;
	[sflag:s0] =	ssyncset.done @!p0 $0x0  }
0x179: {  	[sflag:s0] =	ssyncadd.s32 @!p0 s1  }
0x17a: {  	[bflag:$0x3] =	sbarrier.arrive $0xFFFF  }
0x17b: {  	_ =	shalt  }

</sc_bundles>
